<compile_context>
chip_gen: v7x
topology: tpu7x:2x2x1
jax: 0.10.2.dev20260603
libtpu: 0.0.44.dev20260713+nightly
codegen_flags: <defaults>
</compile_context>

<pallas_src>
import functools

import jax
import jax.numpy as jnp
from jax import lax
from jax.experimental import pallas as pl
from jax.experimental.pallas import tpu as pltpu
from jax.experimental.pallas import tpu_sc as plsc

N_ATOMS = 32768
HIDDEN = 256
HALF = 128
SEG = 16

NC = 2
NS = 16
NW = NC * NS
CHUNK = N_ATOMS // NW
LANES = 16

BLK = 8192


def _mlp_body(h_ref, w1t_ref, b1_ref, w2_ref, b2_ref, s_ref):
    x = jnp.dot(h_ref[...], w1t_ref[...], preferred_element_type=jnp.float32)
    x = x + b1_ref[...]
    x = x * jax.nn.sigmoid(x)
    s = jnp.sum(x * w2_ref[...], axis=1)
    s_ref[...] = s.reshape(BLK // 128, 128) + b2_ref[...]


def _mlp(h, W1, b1, W2, b2):
    grid = N_ATOMS // BLK
    return pl.pallas_call(
        _mlp_body,
        grid=(grid,),
        in_specs=[
            pl.BlockSpec((BLK, HIDDEN), lambda g: (g, 0)),
            pl.BlockSpec((HIDDEN, HALF), lambda g: (0, 0)),
            pl.BlockSpec((1, HALF), lambda g: (0, 0)),
            pl.BlockSpec((1, HALF), lambda g: (0, 0)),
            pl.BlockSpec((1, 1), lambda g: (0, 0)),
        ],
        out_specs=pl.BlockSpec((BLK // 128, 128), lambda g: (g, 0)),
        out_shape=jax.ShapeDtypeStruct((N_ATOMS // 128, 128), jnp.float32),
        compiler_params=pltpu.CompilerParams(
            dimension_semantics=("arbitrary",),
        ),
    )(h, W1.T, b1.reshape(1, HALF),
      W2.reshape(1, HALF), b2.reshape(1, 1))


ROWS = CHUNK // 128
SPREAD = 128 * SEG


def _segsum_body(s_hbm, b_hbm, out_hbm, val_v, idx_v, idx2_v, fold_v, vec_v,
                 all_v, shared, stage):
    cid = lax.axis_index("c")
    sid = lax.axis_index("s")
    wid = cid * NS + sid
    pltpu.sync_copy(s_hbm.at[pl.ds(wid * ROWS, ROWS)], val_v)
    pltpu.sync_copy(b_hbm.at[pl.ds(wid * CHUNK, CHUNK)], idx_v)

    lane = lax.iota(jnp.int32, LANES)
    base = sid * SPREAD
    for i in range(CHUNK // LANES):
        r, c = divmod(i * LANES, 128)
        d = idx_v[pl.ds(i * LANES, LANES)]
        idx2_v[r, pl.ds(c, LANES)] = d + (base + c * SEG) + lane * SEG

    zeros16 = jnp.zeros((LANES,), jnp.float32)
    for k in range(SPREAD // LANES):
        fold_v[pl.ds(k * LANES, LANES)] = zeros16
    pltpu.sync_copy(fold_v, shared.at[pl.ds(base, SPREAD)])
    for r in range(ROWS):
        pltpu.sync_copy(val_v.at[r], shared.at[idx2_v.at[r]], add=True)

    pltpu.sync_copy(shared.at[pl.ds(base, SPREAD)], fold_v)
    tot = zeros16
    for k in range(SPREAD // LANES):
        tot = tot + fold_v[pl.ds(k * LANES, LANES)]
    vec_v[...] = tot

    pltpu.sync_copy(vec_v, stage.at[pl.ds(sid * SEG, SEG)])
    plsc.subcore_barrier()

    @pl.when(sid == 0)
    def _():
        pltpu.sync_copy(stage, all_v)
        tot2 = zeros16
        for s in range(NS):
            tot2 = tot2 + all_v[pl.ds(s * SEG, SEG)]
        vec_v[...] = tot2
        pltpu.sync_copy(vec_v, out_hbm.at[cid])


@functools.cache
def _segsum():
    return pl.kernel(
        _segsum_body,
        out_type=jax.ShapeDtypeStruct((NC, SEG), jnp.float32),
        mesh=plsc.VectorSubcoreMesh(
            core_axis_name="c", subcore_axis_name="s",
            num_cores=NC, num_subcores=NS,
        ),
        scratch_types=[
            pltpu.VMEM((ROWS, 128), jnp.float32),
            pltpu.VMEM((CHUNK,), jnp.int32),
            pltpu.VMEM((ROWS, 128), jnp.int32),
            pltpu.VMEM((SPREAD,), jnp.float32),
            pltpu.VMEM((LANES,), jnp.float32),
            pltpu.VMEM((NS * SEG,), jnp.float32),
            pltpu.VMEM_SHARED((NS * SPREAD,), jnp.float32),
            pltpu.VMEM_SHARED((NS * SEG,), jnp.float32),
        ],
    )


@jax.jit
def kernel(h, v, atomic_numbers, pos, batch, W1, b1, W2, b2):
    s = _mlp(h, W1, b1, W2, b2)
    partial = _segsum()(s, batch)
    return (partial[0] + partial[1]).reshape(SEG, 1)

# --- scband reference (transcript-rebuilt; emitter-appended) ---
"""Pipeline reference for scband-output-net-68977174774123 (READ-ONLY COPY).

The authoritative reference and input builder live on the scoring server;
editing this copy changes nothing except your own understanding.
"""

import jax, jax.numpy as jnp
import numpy as np

HIDDEN = 256
N_ATOMS = 32768
N_MOL = 16


def setup_inputs(seed: int = 0) -> dict:
    key = jax.random.key(seed)
    ks = jax.random.split(key, 10)
    h = jax.random.normal(ks[0], (N_ATOMS, HIDDEN), dtype=jnp.float32)
    v = jax.random.normal(ks[1], (N_ATOMS, 3, HIDDEN), dtype=jnp.float32)
    atomic_numbers = jax.random.randint(ks[2], (N_ATOMS,), 0, 100, dtype=jnp.int64 if jax.config.jax_enable_x64 else jnp.int32).astype(jnp.int32)
    pos = jax.random.normal(ks[3], (N_ATOMS, 3), dtype=jnp.float32)
    batch = jnp.sort(jax.random.randint(ks[4], (N_ATOMS,), 0, N_MOL, dtype=jnp.int32))
    # learned parameters: Linear(hidden, hidden//2), Linear(hidden//2, 1), xavier_uniform, zero bias
    def xavier(k, fan_out, fan_in):
        limit = float(np.sqrt(6.0 / (fan_in + fan_out)))
        return jax.random.uniform(k, (fan_out, fan_in), minval=-limit, maxval=limit, dtype=jnp.float32)
    W1 = xavier(ks[5], HIDDEN // 2, HIDDEN)
    b1 = jnp.zeros((HIDDEN // 2,), dtype=jnp.float32)
    W2 = xavier(ks[6], 1, HIDDEN // 2)
    b2 = jnp.zeros((1,), dtype=jnp.float32)
    return {"h": h, "v": v, "atomic_numbers": atomic_numbers, "pos": pos, "batch": batch,
            "W1": W1, "b1": b1, "W2": W2, "b2": b2}


def reference(h, v, atomic_numbers, pos, batch, W1, b1, W2, b2):
    # output_network: Linear -> SiLU -> Linear
    x = jax.nn.silu(h @ W1.T + b1)
    x = x @ W2.T + b2  # [N_ATOMS, 1]
    # dipole=False, mean/std/atomref/scale None -> just segment sum readout
    out = jax.ops.segment_sum(x, batch, num_segments=N_MOL)  # [N_MOL, 1]
    return out

if __name__ == "__main__":
    import jax
    _d = setup_inputs()
    print(jax.jit(kernel)(*tuple(_d.values())))

</pallas_src>

<mosaic_0001>
#map = affine_map<(d0, d1) -> (0, 0)>
#map1 = affine_map<(d0, d1) -> (0)>
module attributes {stable_mosaic.version = 14 : i64} {
  func.func @_segsum_body(%arg0: i32, %arg1: i32, %arg2: memref<256x128xf32, #tpu.memory_space<hbm>>, %arg3: memref<32768xi32, #tpu.memory_space<hbm>>, %arg4: memref<2x16xf32, #tpu.memory_space<hbm>>, %arg5: memref<8x128xf32, #tpu.memory_space<vmem>>, %arg6: memref<1024xi32, #tpu.memory_space<vmem>>, %arg7: memref<8x128xi32, #tpu.memory_space<vmem>>, %arg8: memref<2048xf32, #tpu.memory_space<vmem>>, %arg9: memref<16xf32, #tpu.memory_space<vmem>>, %arg10: memref<256xf32, #tpu.memory_space<vmem>>, %arg11: memref<32768xf32, #tpu.memory_space<vmem_shared>>, %arg12: memref<256xf32, #tpu.memory_space<vmem_shared>>) attributes {dimension_semantics = [#tpu.dimension_semantics<core_parallel>, #tpu.dimension_semantics<subcore_parallel>], iteration_bounds = array<i64: 2, 16>, scalar_prefetch = 0 : i64, scratch_operands = 8 : i64, tpu.core_type = #tpu.core_type<sc_vector_subcore>, window_params = [{transform_indices = #map}, {transform_indices = #map1}, {transform_indices = #map}]} {
    %mul3A = arith.constant 16 : i32
    %mul3A_0 = arith.muli %arg0, %mul3A : i32
    %add3A = arith.addi %mul3A_0, %arg1 : i32
    %mul3A_1 = arith.constant 8 : i32
    %mul3A_2 = arith.muli %add3A, %mul3A_1 : i32
    "tpu.region"() ({
      %run_scoped3A_2141 = tpu.sem_alloc : memref<!tpu.dma_semaphore, #tpu.memory_space<semaphore_mem>>
      %dma_start3A = arith.constant 0 : i32
      %dma_start3A_2142 = tpu.memref_slice %arg2[%mul3A_2, %dma_start3A] : memref<256x128xf32, #tpu.memory_space<hbm>> -> memref<8x128xf32, #tpu.memory_space<hbm>>
      %dma_start3A_2143 = arith.constant 0 : i32
      %dma_start3A_2144 = tpu.memref_slice %arg2[%mul3A_2, %dma_start3A_2143] : memref<256x128xf32, #tpu.memory_space<hbm>> -> memref<8x128xf32, #tpu.memory_space<hbm>>
      tpu.enqueue_dma source(%dma_start3A_2144 : memref<8x128xf32, #tpu.memory_space<hbm>>) target(%arg5 : memref<8x128xf32, #tpu.memory_space<vmem>>) target_semaphore(%run_scoped3A_2141 : memref<!tpu.dma_semaphore, #tpu.memory_space<semaphore_mem>>)
      %dma_wait3A = arith.constant 0 : i32
      %dma_wait3A_2145 = tpu.memref_slice %arg2[%mul3A_2, %dma_wait3A] : memref<256x128xf32, #tpu.memory_space<hbm>> -> memref<8x128xf32, #tpu.memory_space<hbm>>
      %dma_wait3A_2146 = arith.constant 0 : i32
      %dma_wait3A_2147 = tpu.memref_slice %arg2[%mul3A_2, %dma_wait3A_2146] : memref<256x128xf32, #tpu.memory_space<hbm>> -> memref<8x128xf32, #tpu.memory_space<hbm>>
      tpu.wait_dma2 semaphore(%run_scoped3A_2141 : memref<!tpu.dma_semaphore, #tpu.memory_space<semaphore_mem>>) src(%dma_wait3A_2147 : memref<8x128xf32, #tpu.memory_space<hbm>>) dst(%arg5 : memref<8x128xf32, #tpu.memory_space<vmem>>)
      tpu.yield
    }) : () -> ()
    %mul3A_3 = arith.constant 1024 : i32
    %mul3A_4 = arith.muli %add3A, %mul3A_3 : i32
    "tpu.region"() ({
      %run_scoped3A_2141 = tpu.sem_alloc : memref<!tpu.dma_semaphore, #tpu.memory_space<semaphore_mem>>
      %dma_start3A = tpu.memref_slice %arg3[%mul3A_4] : memref<32768xi32, #tpu.memory_space<hbm>> -> memref<1024xi32, #tpu.memory_space<hbm>>
      %dma_start3A_2142 = tpu.memref_slice %arg3[%mul3A_4] : memref<32768xi32, #tpu.memory_space<hbm>> -> memref<1024xi32, #tpu.memory_space<hbm>>
      tpu.enqueue_dma source(%dma_start3A_2142 : memref<1024xi32, #tpu.memory_space<hbm>>) target(%arg6 : memref<1024xi32, #tpu.memory_space<vmem>>) target_semaphore(%run_scoped3A_2141 : memref<!tpu.dma_semaphore, #tpu.memory_space<semaphore_mem>>)
      %dma_wait3A = tpu.memref_slice %arg3[%mul3A_4] : memref<32768xi32, #tpu.memory_space<hbm>> -> memref<1024xi32, #tpu.memory_space<hbm>>
      %dma_wait3A_2143 = tpu.memref_slice %arg3[%mul3A_4] : memref<32768xi32, #tpu.memory_space<hbm>> -> memref<1024xi32, #tpu.memory_space<hbm>>
      tpu.wait_dma2 semaphore(%run_scoped3A_2141 : memref<!tpu.dma_semaphore, #tpu.memory_space<semaphore_mem>>) src(%dma_wait3A_2143 : memref<1024xi32, #tpu.memory_space<hbm>>) dst(%arg6 : memref<1024xi32, #tpu.memory_space<vmem>>)
      tpu.yield
    }) : () -> ()
    %iota3A = tpu.iota {dimensions = array<i32: 0>} : vector<16xi32>
    %mul3A_5 = arith.constant 2048 : i32
    %mul3A_6 = arith.muli %arg1, %mul3A_5 : i32
    %get3A = arith.constant 0 : index
    %get3A_7 = tpu.vector_load %arg6[%get3A] {strides = array<i32>} : memref<1024xi32, #tpu.memory_space<vmem>>, vector<16xi32>,
    %get3A_8 = vector.shape_cast %get3A_7 : vector<16xi32> to vector<16xi32>
    %add3A_9 = arith.constant 0 : i32
    %add3A_10 = arith.addi %mul3A_6, %add3A_9 : i32
    %add3A_11 = vector.broadcast %add3A_10 : i32 to vector<16xi32>
    %add3A_12 = arith.addi %get3A_8, %add3A_11 : vector<16xi32>
    %mul3A_13 = arith.constant 16 : i32
    %mul3A_14 = vector.broadcast %mul3A_13 : i32 to vector<16xi32>
    %mul3A_15 = arith.muli %iota3A, %mul3A_14 : vector<16xi32>
    %add3A_16 = arith.addi %add3A_12, %mul3A_15 : vector<16xi32>
    %swap3A = arith.constant 0 : i32
    %swap3A_17 = arith.index_cast %swap3A : i32 to index
    %swap3A_18 = arith.constant 0 : index
    %swap3A_19 = tpu.vector_load %arg7[%swap3A_17, %swap3A_18] {strides = array<i32>} : memref<8x128xi32, #tpu.memory_space<vmem>>, vector<1x16xi32>,
    %swap3A_20 = vector.shape_cast %swap3A_19 : vector<1x16xi32> to vector<16xi32>
    %swap3A_21 = vector.shape_cast %add3A_16 : vector<16xi32> to vector<1x16xi32>
    tpu.vector_store %arg7[%swap3A_17, %swap3A_18], %swap3A_21 {strides = array<i32>} : memref<8x128xi32, #tpu.memory_space<vmem>>, vector<1x16xi32>,
    %get3A_22 = arith.constant 16 : index
    %get3A_23 = tpu.vector_load %arg6[%get3A_22] {strides = array<i32>} : memref<1024xi32, #tpu.memory_space<vmem>>, vector<16xi32>,
    %get3A_24 = vector.shape_cast %get3A_23 : vector<16xi32> to vector<16xi32>
    %add3A_25 = arith.constant 256 : i32
    %add3A_26 = arith.addi %mul3A_6, %add3A_25 : i32
    %add3A_27 = vector.broadcast %add3A_26 : i32 to vector<16xi32>
    %add3A_28 = arith.addi %get3A_24, %add3A_27 : vector<16xi32>
    %mul3A_29 = arith.constant 16 : i32
    %mul3A_30 = vector.broadcast %mul3A_29 : i32 to vector<16xi32>
    %mul3A_31 = arith.muli %iota3A, %mul3A_30 : vector<16xi32>
    %add3A_32 = arith.addi %add3A_28, %mul3A_31 : vector<16xi32>
    %swap3A_33 = arith.constant 0 : i32
    %swap3A_34 = arith.index_cast %swap3A_33 : i32 to index
    %swap3A_35 = arith.constant 16 : index
    %swap3A_36 = tpu.vector_load %arg7[%swap3A_34, %swap3A_35] {strides = array<i32>} : memref<8x128xi32, #tpu.memory_space<vmem>>, vector<1x16xi32>,
    %swap3A_37 = vector.shape_cast %swap3A_36 : vector<1x16xi32> to vector<16xi32>
    %swap3A_38 = vector.shape_cast %add3A_32 : vector<16xi32> to vector<1x16xi32>
    tpu.vector_store %arg7[%swap3A_34, %swap3A_35], %swap3A_38 {strides = array<i32>} : memref<8x128xi32, #tpu.memory_space<vmem>>, vector<1x16xi32>,
    %get3A_39 = arith.constant 32 : index
    %get3A_40 = tpu.vector_load %arg6[%get3A_39] {strides = array<i32>} : memref<1024xi32, #tpu.memory_space<vmem>>, vector<16xi32>,
    %get3A_41 = vector.shape_cast %get3A_40 : vector<16xi32> to vector<16xi32>
    %add3A_42 = arith.constant 512 : i32
    %add3A_43 = arith.addi %mul3A_6, %add3A_42 : i32
    %add3A_44 = vector.broadcast %add3A_43 : i32 to vector<16xi32>
    %add3A_45 = arith.addi %get3A_41, %add3A_44 : vector<16xi32>
    %mul3A_46 = arith.constant 16 : i32
    %mul3A_47 = vector.broadcast %mul3A_46 : i32 to vector<16xi32>
    %mul3A_48 = arith.muli %iota3A, %mul3A_47 : vector<16xi32>
    %add3A_49 = arith.addi %add3A_45, %mul3A_48 : vector<16xi32>
    %swap3A_50 = arith.constant 0 : i32
    %swap3A_51 = arith.index_cast %swap3A_50 : i32 to index
    %swap3A_52 = arith.constant 32 : index
    %swap3A_53 = tpu.vector_load %arg7[%swap3A_51, %swap3A_52] {strides = array<i32>} : memref<8x128xi32, #tpu.memory_space<vmem>>, vector<1x16xi32>,
    %swap3A_54 = vector.shape_cast %swap3A_53 : vector<1x16xi32> to vector<16xi32>
    %swap3A_55 = vector.shape_cast %add3A_49 : vector<16xi32> to vector<1x16xi32>
    tpu.vector_store %arg7[%swap3A_51, %swap3A_52], %swap3A_55 {strides = array<i32>} : memref<8x128xi32, #tpu.memory_space<vmem>>, vector<1x16xi32>,
    %get3A_56 = arith.constant 48 : index
    %get3A_57 = tpu.vector_load %arg6[%get3A_56] {strides = array<i32>} : memref<1024xi32, #tpu.memory_space<vmem>>, vector<16xi32>,
    %get3A_58 = vector.shape_cast %get3A_57 : vector<16xi32> to vector<16xi32>
    %add3A_59 = arith.constant 768 : i32
    %add3A_60 = arith.addi %mul3A_6, %add3A_59 : i32
    %add3A_61 = vector.broadcast %add3A_60 : i32 to vector<16xi32>
    %add3A_62 = arith.addi %get3A_58, %add3A_61 : vector<16xi32>
    %mul3A_63 = arith.constant 16 : i32
    %mul3A_64 = vector.broadcast %mul3A_63 : i32 to vector<16xi32>
    %mul3A_65 = arith.muli %iota3A, %mul3A_64 : vector<16xi32>
    %add3A_66 = arith.addi %add3A_62, %mul3A_65 : vector<16xi32>
    %swap3A_67 = arith.constant 0 : i32
    %swap3A_68 = arith.index_cast %swap3A_67 : i32 to index
    %swap3A_69 = arith.constant 48 : index
    %swap3A_70 = tpu.vector_load %arg7[%swap3A_68, %swap3A_69] {strides = array<i32>} : memref<8x128xi32, #tpu.memory_space<vmem>>, vector<1x16xi32>,
    %swap3A_71 = vector.shape_cast %swap3A_70 : vector<1x16xi32> to vector<16xi32>
    %swap3A_72 = vector.shape_cast %add3A_66 : vector<16xi32> to vector<1x16xi32>
    tpu.vector_store %arg7[%swap3A_68, %swap3A_69], %swap3A_72 {strides = array<i32>} : memref<8x128xi32, #tpu.memory_space<vmem>>, vector<1x16xi32>,
    %get3A_73 = arith.constant 64 : index
    %get3A_74 = tpu.vector_load %arg6[%get3A_73] {strides = array<i32>} : memref<1024xi32, #tpu.memory_space<vmem>>, vector<16xi32>,
    %get3A_75 = vector.shape_cast %get3A_74 : vector<16xi32> to vector<16xi32>
    %add3A_76 = arith.constant 1024 : i32
    %add3A_77 = arith.addi %mul3A_6, %add3A_76 : i32
    %add3A_78 = vector.broadcast %add3A_77 : i32 to vector<16xi32>
    %add3A_79 = arith.addi %get3A_75, %add3A_78 : vector<16xi32>
    %mul3A_80 = arith.constant 16 : i32
    %mul3A_81 = vector.broadcast %mul3A_80 : i32 to vector<16xi32>
    %mul3A_82 = arith.muli %iota3A, %mul3A_81 : vector<16xi32>
    %add3A_83 = arith.addi %add3A_79, %mul3A_82 : vector<16xi32>
    %swap3A_84 = arith.constant 0 : i32
    %swap3A_85 = arith.index_cast %swap3A_84 : i32 to index
    %swap3A_86 = arith.constant 64 : index
    %swap3A_87 = tpu.vector_load %arg7[%swap3A_85, %swap3A_86] {strides = array<i32>} : memref<8x128xi32, #tpu.memory_space<vmem>>, vector<1x16xi32>,
    %swap3A_88 = vector.shape_cast %swap3A_87 : vector<1x16xi32> to vector<16xi32>
    %swap3A_89 = vector.shape_cast %add3A_83 : vector<16xi32> to vector<1x16xi32>
    tpu.vector_store %arg7[%swap3A_85, %swap3A_86], %swap3A_89 {strides = array<i32>} : memref<8x128xi32, #tpu.memory_space<vmem>>, vector<1x16xi32>,
    %get3A_90 = arith.constant 80 : index
    %get3A_91 = tpu.vector_load %arg6[%get3A_90] {strides = array<i32>} : memref<1024xi32, #tpu.memory_space<vmem>>, vector<16xi32>,
    %get3A_92 = vector.shape_cast %get3A_91 : vector<16xi32> to vector<16xi32>
    %add3A_93 = arith.constant 1280 : i32
    %add3A_94 = arith.addi %mul3A_6, %add3A_93 : i32
    %add3A_95 = vector.broadcast %add3A_94 : i32 to vector<16xi32>
    %add3A_96 = arith.addi %get3A_92, %add3A_95 : vector<16xi32>
    %mul3A_97 = arith.constant 16 : i32
    %mul3A_98 = vector.broadcast %mul3A_97 : i32 to vector<16xi32>
    %mul3A_99 = arith.muli %iota3A, %mul3A_98 : vector<16xi32>
    %add3A_100 = arith.addi %add3A_96, %mul3A_99 : vector<16xi32>
    %swap3A_101 = arith.constant 0 : i32
    %swap3A_102 = arith.index_cast %swap3A_101 : i32 to index
    %swap3A_103 = arith.constant 80 : index
    %swap3A_104 = tpu.vector_load %arg7[%swap3A_102, %swap3A_103] {strides = array<i32>} : memref<8x128xi32, #tpu.memory_space<vmem>>, vector<1x16xi32>,
    %swap3A_105 = vector.shape_cast %swap3A_104 : vector<1x16xi32> to vector<16xi32>
    %swap3A_106 = vector.shape_cast %add3A_100 : vector<16xi32> to vector<1x16xi32>
    tpu.vector_store %arg7[%swap3A_102, %swap3A_103], %swap3A_106 {strides = array<i32>} : memref<8x128xi32, #tpu.memory_space<vmem>>, vector<1x16xi32>,
    %get3A_107 = arith.constant 96 : index
    %get3A_108 = tpu.vector_load %arg6[%get3A_107] {strides = array<i32>} : memref<1024xi32, #tpu.memory_space<vmem>>, vector<16xi32>,
    %get3A_109 = vector.shape_cast %get3A_108 : vector<16xi32> to vector<16xi32>
    %add3A_110 = arith.constant 1536 : i32
    %add3A_111 = arith.addi %mul3A_6, %add3A_110 : i32
    %add3A_112 = vector.broadcast %add3A_111 : i32 to vector<16xi32>
    %add3A_113 = arith.addi %get3A_109, %add3A_112 : vector<16xi32>
    %mul3A_114 = arith.constant 16 : i32
    %mul3A_115 = vector.broadcast %mul3A_114 : i32 to vector<16xi32>
    %mul3A_116 = arith.muli %iota3A, %mul3A_115 : vector<16xi32>
    %add3A_117 = arith.addi %add3A_113, %mul3A_116 : vector<16xi32>
    %swap3A_118 = arith.constant 0 : i32
    %swap3A_119 = arith.index_cast %swap3A_118 : i32 to index
    %swap3A_120 = arith.constant 96 : index
    %swap3A_121 = tpu.vector_load %arg7[%swap3A_119, %swap3A_120] {strides = array<i32>} : memref<8x128xi32, #tpu.memory_space<vmem>>, vector<1x16xi32>,
    %swap3A_122 = vector.shape_cast %swap3A_121 : vector<1x16xi32> to vector<16xi32>
    %swap3A_123 = vector.shape_cast %add3A_117 : vector<16xi32> to vector<1x16xi32>
    tpu.vector_store %arg7[%swap3A_119, %swap3A_120], %swap3A_123 {strides = array<i32>} : memref<8x128xi32, #tpu.memory_space<vmem>>, vector<1x16xi32>,
    %get3A_124 = arith.constant 112 : index
    %get3A_125 = tpu.vector_load %arg6[%get3A_124] {strides = array<i32>} : memref<1024xi32, #tpu.memory_space<vmem>>, vector<16xi32>,
    %get3A_126 = vector.shape_cast %get3A_125 : vector<16xi32> to vector<16xi32>
    %add3A_127 = arith.constant 1792 : i32
    %add3A_128 = arith.addi %mul3A_6, %add3A_127 : i32
    %add3A_129 = vector.broadcast %add3A_128 : i32 to vector<16xi32>
    %add3A_130 = arith.addi %get3A_126, %add3A_129 : vector<16xi32>
    %mul3A_131 = arith.constant 16 : i32
    %mul3A_132 = vector.broadcast %mul3A_131 : i32 to vector<16xi32>
    %mul3A_133 = arith.muli %iota3A, %mul3A_132 : vector<16xi32>
    %add3A_134 = arith.addi %add3A_130, %mul3A_133 : vector<16xi32>
    %swap3A_135 = arith.constant 0 : i32
    %swap3A_136 = arith.index_cast %swap3A_135 : i32 to index
    %swap3A_137 = arith.constant 112 : index
    %swap3A_138 = tpu.vector_load %arg7[%swap3A_136, %swap3A_137] {strides = array<i32>} : memref<8x128xi32, #tpu.memory_space<vmem>>, vector<1x16xi32>,
    %swap3A_139 = vector.shape_cast %swap3A_138 : vector<1x16xi32> to vector<16xi32>
    %swap3A_140 = vector.shape_cast %add3A_134 : vector<16xi32> to vector<1x16xi32>
    tpu.vector_store %arg7[%swap3A_136, %swap3A_137], %swap3A_140 {strides = array<i32>} : memref<8x128xi32, #tpu.memory_space<vmem>>, vector<1x16xi32>,
    %get3A_141 = arith.constant 128 : index
    %get3A_142 = tpu.vector_load %arg6[%get3A_141] {strides = array<i32>} : memref<1024xi32, #tpu.memory_space<vmem>>, vector<16xi32>,
    %get3A_143 = vector.shape_cast %get3A_142 : vector<16xi32> to vector<16xi32>
    %add3A_144 = arith.constant 0 : i32
    %add3A_145 = arith.addi %mul3A_6, %add3A_144 : i32
    %add3A_146 = vector.broadcast %add3A_145 : i32 to vector<16xi32>
    %add3A_147 = arith.addi %get3A_143, %add3A_146 : vector<16xi32>
    %mul3A_148 = arith.constant 16 : i32
    %mul3A_149 = vector.broadcast %mul3A_148 : i32 to vector<16xi32>
    %mul3A_150 = arith.muli %iota3A, %mul3A_149 : vector<16xi32>
    %add3A_151 = arith.addi %add3A_147, %mul3A_150 : vector<16xi32>
    %swap3A_152 = arith.constant 1 : i32
    %swap3A_153 = arith.index_cast %swap3A_152 : i32 to index
    %swap3A_154 = arith.constant 0 : index
    %swap3A_155 = tpu.vector_load %arg7[%swap3A_153, %swap3A_154] {strides = array<i32>} : memref<8x128xi32, #tpu.memory_space<vmem>>, vector<1x16xi32>,
    %swap3A_156 = vector.shape_cast %swap3A_155 : vector<1x16xi32> to vector<16xi32>
    %swap3A_157 = vector.shape_cast %add3A_151 : vector<16xi32> to vector<1x16xi32>
    tpu.vector_store %arg7[%swap3A_153, %swap3A_154], %swap3A_157 {strides = array<i32>} : memref<8x128xi32, #tpu.memory_space<vmem>>, vector<1x16xi32>,
    %get3A_158 = arith.constant 144 : index
    %get3A_159 = tpu.vector_load %arg6[%get3A_158] {strides = array<i32>} : memref<1024xi32, #tpu.memory_space<vmem>>, vector<16xi32>,
    %get3A_160 = vector.shape_cast %get3A_159 : vector<16xi32> to vector<16xi32>
    %add3A_161 = arith.constant 256 : i32
    %add3A_162 = arith.addi %mul3A_6, %add3A_161 : i32
    %add3A_163 = vector.broadcast %add3A_162 : i32 to vector<16xi32>
    %add3A_164 = arith.addi %get3A_160, %add3A_163 : vector<16xi32>
    %mul3A_165 = arith.constant 16 : i32
    %mul3A_166 = vector.broadcast %mul3A_165 : i32 to vector<16xi32>
    %mul3A_167 = arith.muli %iota3A, %mul3A_166 : vector<16xi32>
    %add3A_168 = arith.addi %add3A_164, %mul3A_167 : vector<16xi32>
    %swap3A_169 = arith.constant 1 : i32
    %swap3A_170 = arith.index_cast %swap3A_169 : i32 to index
    %swap3A_171 = arith.constant 16 : index
    %swap3A_172 = tpu.vector_load %arg7[%swap3A_170, %swap3A_171] {strides = array<i32>} : memref<8x128xi32, #tpu.memory_space<vmem>>, vector<1x16xi32>,
    %swap3A_173 = vector.shape_cast %swap3A_172 : vector<1x16xi32> to vector<16xi32>
    %swap3A_174 = vector.shape_cast %add3A_168 : vector<16xi32> to vector<1x16xi32>
    tpu.vector_store %arg7[%swap3A_170, %swap3A_171], %swap3A_174 {strides = array<i32>} : memref<8x128xi32, #tpu.memory_space<vmem>>, vector<1x16xi32>,
    %get3A_175 = arith.constant 160 : index
    %get3A_176 = tpu.vector_load %arg6[%get3A_175] {strides = array<i32>} : memref<1024xi32, #tpu.memory_space<vmem>>, vector<16xi32>,
    %get3A_177 = vector.shape_cast %get3A_176 : vector<16xi32> to vector<16xi32>
    %add3A_178 = arith.constant 512 : i32
    %add3A_179 = arith.addi %mul3A_6, %add3A_178 : i32
    %add3A_180 = vector.broadcast %add3A_179 : i32 to vector<16xi32>
    %add3A_181 = arith.addi %get3A_177, %add3A_180 : vector<16xi32>
    %mul3A_182 = arith.constant 16 : i32
    %mul3A_183 = vector.broadcast %mul3A_182 : i32 to vector<16xi32>
    %mul3A_184 = arith.muli %iota3A, %mul3A_183 : vector<16xi32>
    %add3A_185 = arith.addi %add3A_181, %mul3A_184 : vector<16xi32>
    %swap3A_186 = arith.constant 1 : i32
    %swap3A_187 = arith.index_cast %swap3A_186 : i32 to index
    %swap3A_188 = arith.constant 32 : index
    %swap3A_189 = tpu.vector_load %arg7[%swap3A_187, %swap3A_188] {strides = array<i32>} : memref<8x128xi32, #tpu.memory_space<vmem>>, vector<1x16xi32>,
    %swap3A_190 = vector.shape_cast %swap3A_189 : vector<1x16xi32> to vector<16xi32>
    %swap3A_191 = vector.shape_cast %add3A_185 : vector<16xi32> to vector<1x16xi32>
    tpu.vector_store %arg7[%swap3A_187, %swap3A_188], %swap3A_191 {strides = array<i32>} : memref<8x128xi32, #tpu.memory_space<vmem>>, vector<1x16xi32>,
    %get3A_192 = arith.constant 176 : index
    %get3A_193 = tpu.vector_load %arg6[%get3A_192] {strides = array<i32>} : memref<1024xi32, #tpu.memory_space<vmem>>, vector<16xi32>,
    %get3A_194 = vector.shape_cast %get3A_193 : vector<16xi32> to vector<16xi32>
    %add3A_195 = arith.constant 768 : i32
    %add3A_196 = arith.addi %mul3A_6, %add3A_195 : i32
    %add3A_197 = vector.broadcast %add3A_196 : i32 to vector<16xi32>
    %add3A_198 = arith.addi %get3A_194, %add3A_197 : vector<16xi32>
    %mul3A_199 = arith.constant 16 : i32
    %mul3A_200 = vector.broadcast %mul3A_199 : i32 to vector<16xi32>
    %mul3A_201 = arith.muli %iota3A, %mul3A_200 : vector<16xi32>
    %add3A_202 = arith.addi %add3A_198, %mul3A_201 : vector<16xi32>
    %swap3A_203 = arith.constant 1 : i32
    %swap3A_204 = arith.index_cast %swap3A_203 : i32 to index
    %swap3A_205 = arith.constant 48 : index
    %swap3A_206 = tpu.vector_load %arg7[%swap3A_204, %swap3A_205] {strides = array<i32>} : memref<8x128xi32, #tpu.memory_space<vmem>>, vector<1x16xi32>,
    %swap3A_207 = vector.shape_cast %swap3A_206 : vector<1x16xi32> to vector<16xi32>
    %swap3A_208 = vector.shape_cast %add3A_202 : vector<16xi32> to vector<1x16xi32>
    tpu.vector_store %arg7[%swap3A_204, %swap3A_205], %swap3A_208 {strides = array<i32>} : memref<8x128xi32, #tpu.memory_space<vmem>>, vector<1x16xi32>,
    %get3A_209 = arith.constant 192 : index
    %get3A_210 = tpu.vector_load %arg6[%get3A_209] {strides = array<i32>} : memref<1024xi32, #tpu.memory_space<vmem>>, vector<16xi32>,
    %get3A_211 = vector.shape_cast %get3A_210 : vector<16xi32> to vector<16xi32>
    %add3A_212 = arith.constant 1024 : i32
    %add3A_213 = arith.addi %mul3A_6, %add3A_212 : i32
    %add3A_214 = vector.broadcast %add3A_213 : i32 to vector<16xi32>
    %add3A_215 = arith.addi %get3A_211, %add3A_214 : vector<16xi32>
    %mul3A_216 = arith.constant 16 : i32
    %mul3A_217 = vector.broadcast %mul3A_216 : i32 to vector<16xi32>
    %mul3A_218 = arith.muli %iota3A, %mul3A_217 : vector<16xi32>
    %add3A_219 = arith.addi %add3A_215, %mul3A_218 : vector<16xi32>
    %swap3A_220 = arith.constant 1 : i32
    %swap3A_221 = arith.index_cast %swap3A_220 : i32 to index
    %swap3A_222 = arith.constant 64 : index
    %swap3A_223 = tpu.vector_load %arg7[%swap3A_221, %swap3A_222] {strides = array<i32>} : memref<8x128xi32, #tpu.memory_space<vmem>>, vector<1x16xi32>,
    %swap3A_224 = vector.shape_cast %swap3A_223 : vector<1x16xi32> to vector<16xi32>
    %swap3A_225 = vector.shape_cast %add3A_219 : vector<16xi32> to vector<1x16xi32>
    tpu.vector_store %arg7[%swap3A_221, %swap3A_222], %swap3A_225 {strides = array<i32>} : memref<8x128xi32, #tpu.memory_space<vmem>>, vector<1x16xi32>,
    %get3A_226 = arith.constant 208 : index
    %get3A_227 = tpu.vector_load %arg6[%get3A_226] {strides = array<i32>} : memref<1024xi32, #tpu.memory_space<vmem>>, vector<16xi32>,
    %get3A_228 = vector.shape_cast %get3A_227 : vector<16xi32> to vector<16xi32>
    %add3A_229 = arith.constant 1280 : i32
    %add3A_230 = arith.addi %mul3A_6, %add3A_229 : i32
    %add3A_231 = vector.broadcast %add3A_230 : i32 to vector<16xi32>
    %add3A_232 = arith.addi %get3A_228, %add3A_231 : vector<16xi32>
    %mul3A_233 = arith.constant 16 : i32
    %mul3A_234 = vector.broadcast %mul3A_233 : i32 to vector<16xi32>
    %mul3A_235 = arith.muli %iota3A, %mul3A_234 : vector<16xi32>
    %add3A_236 = arith.addi %add3A_232, %mul3A_235 : vector<16xi32>
    %swap3A_237 = arith.constant 1 : i32
    %swap3A_238 = arith.index_cast %swap3A_237 : i32 to index
    %swap3A_239 = arith.constant 80 : index
    %swap3A_240 = tpu.vector_load %arg7[%swap3A_238, %swap3A_239] {strides = array<i32>} : memref<8x128xi32, #tpu.memory_space<vmem>>, vector<1x16xi32>,
    %swap3A_241 = vector.shape_cast %swap3A_240 : vector<1x16xi32> to vector<16xi32>
    %swap3A_242 = vector.shape_cast %add3A_236 : vector<16xi32> to vector<1x16xi32>
    tpu.vector_store %arg7[%swap3A_238, %swap3A_239], %swap3A_242 {strides = array<i32>} : memref<8x128xi32, #tpu.memory_space<vmem>>, vector<1x16xi32>,
    %get3A_243 = arith.constant 224 : index
    %get3A_244 = tpu.vector_load %arg6[%get3A_243] {strides = array<i32>} : memref<1024xi32, #tpu.memory_space<vmem>>, vector<16xi32>,
    %get3A_245 = vector.shape_cast %get3A_244 : vector<16xi32> to vector<16xi32>
    %add3A_246 = arith.constant 1536 : i32
    %add3A_247 = arith.addi %mul3A_6, %add3A_246 : i32
    %add3A_248 = vector.broadcast %add3A_247 : i32 to vector<16xi32>
    %add3A_249 = arith.addi %get3A_245, %add3A_248 : vector<16xi32>
    %mul3A_250 = arith.constant 16 : i32
    %mul3A_251 = vector.broadcast %mul3A_250 : i32 to vector<16xi32>
    %mul3A_252 = arith.muli %iota3A, %mul3A_251 : vector<16xi32>
    %add3A_253 = arith.addi %add3A_249, %mul3A_252 : vector<16xi32>
    %swap3A_254 = arith.constant 1 : i32
    %swap3A_255 = arith.index_cast %swap3A_254 : i32 to index
    %swap3A_256 = arith.constant 96 : index
    %swap3A_257 = tpu.vector_load %arg7[%swap3A_255, %swap3A_256] {strides = array<i32>} : memref<8x128xi32, #tpu.memory_space<vmem>>, vector<1x16xi32>,
    %swap3A_258 = vector.shape_cast %swap3A_257 : vector<1x16xi32> to vector<16xi32>
    %swap3A_259 = vector.shape_cast %add3A_253 : vector<16xi32> to vector<1x16xi32>
    tpu.vector_store %arg7[%swap3A_255, %swap3A_256], %swap3A_259 {strides = array<i32>} : memref<8x128xi32, #tpu.memory_space<vmem>>, vector<1x16xi32>,
    %get3A_260 = arith.constant 240 : index
    %get3A_261 = tpu.vector_load %arg6[%get3A_260] {strides = array<i32>} : memref<1024xi32, #tpu.memory_space<vmem>>, vector<16xi32>,
    %get3A_262 = vector.shape_cast %get3A_261 : vector<16xi32> to vector<16xi32>
    %add3A_263 = arith.constant 1792 : i32
    %add3A_264 = arith.addi %mul3A_6, %add3A_263 : i32
    %add3A_265 = vector.broadcast %add3A_264 : i32 to vector<16xi32>
    %add3A_266 = arith.addi %get3A_262, %add3A_265 : vector<16xi32>
    %mul3A_267 = arith.constant 16 : i32
    %mul3A_268 = vector.broadcast %mul3A_267 : i32 to vector<16xi32>
    %mul3A_269 = arith.muli %iota3A, %mul3A_268 : vector<16xi32>
    %add3A_270 = arith.addi %add3A_266, %mul3A_269 : vector<16xi32>
    %swap3A_271 = arith.constant 1 : i32
    %swap3A_272 = arith.index_cast %swap3A_271 : i32 to index
    %swap3A_273 = arith.constant 112 : index
    %swap3A_274 = tpu.vector_load %arg7[%swap3A_272, %swap3A_273] {strides = array<i32>} : memref<8x128xi32, #tpu.memory_space<vmem>>, vector<1x16xi32>,
    %swap3A_275 = vector.shape_cast %swap3A_274 : vector<1x16xi32> to vector<16xi32>
    %swap3A_276 = vector.shape_cast %add3A_270 : vector<16xi32> to vector<1x16xi32>
    tpu.vector_store %arg7[%swap3A_272, %swap3A_273], %swap3A_276 {strides = array<i32>} : memref<8x128xi32, #tpu.memory_space<vmem>>, vector<1x16xi32>,
    %get3A_277 = arith.constant 256 : index
    %get3A_278 = tpu.vector_load %arg6[%get3A_277] {strides = array<i32>} : memref<1024xi32, #tpu.memory_space<vmem>>, vector<16xi32>,
    %get3A_279 = vector.shape_cast %get3A_278 : vector<16xi32> to vector<16xi32>
    %add3A_280 = arith.constant 0 : i32
    %add3A_281 = arith.addi %mul3A_6, %add3A_280 : i32
    %add3A_282 = vector.broadcast %add3A_281 : i32 to vector<16xi32>
    %add3A_283 = arith.addi %get3A_279, %add3A_282 : vector<16xi32>
    %mul3A_284 = arith.constant 16 : i32
    %mul3A_285 = vector.broadcast %mul3A_284 : i32 to vector<16xi32>
    %mul3A_286 = arith.muli %iota3A, %mul3A_285 : vector<16xi32>
    %add3A_287 = arith.addi %add3A_283, %mul3A_286 : vector<16xi32>
    %swap3A_288 = arith.constant 2 : i32
    %swap3A_289 = arith.index_cast %swap3A_288 : i32 to index
    %swap3A_290 = arith.constant 0 : index
    %swap3A_291 = tpu.vector_load %arg7[%swap3A_289, %swap3A_290] {strides = array<i32>} : memref<8x128xi32, #tpu.memory_space<vmem>>, vector<1x16xi32>,
    %swap3A_292 = vector.shape_cast %swap3A_291 : vector<1x16xi32> to vector<16xi32>
    %swap3A_293 = vector.shape_cast %add3A_287 : vector<16xi32> to vector<1x16xi32>
    tpu.vector_store %arg7[%swap3A_289, %swap3A_290], %swap3A_293 {strides = array<i32>} : memref<8x128xi32, #tpu.memory_space<vmem>>, vector<1x16xi32>,
    %get3A_294 = arith.constant 272 : index
    %get3A_295 = tpu.vector_load %arg6[%get3A_294] {strides = array<i32>} : memref<1024xi32, #tpu.memory_space<vmem>>, vector<16xi32>,
    %get3A_296 = vector.shape_cast %get3A_295 : vector<16xi32> to vector<16xi32>
    %add3A_297 = arith.constant 256 : i32
    %add3A_298 = arith.addi %mul3A_6, %add3A_297 : i32
    %add3A_299 = vector.broadcast %add3A_298 : i32 to vector<16xi32>
    %add3A_300 = arith.addi %get3A_296, %add3A_299 : vector<16xi32>
    %mul3A_301 = arith.constant 16 : i32
    %mul3A_302 = vector.broadcast %mul3A_301 : i32 to vector<16xi32>
    %mul3A_303 = arith.muli %iota3A, %mul3A_302 : vector<16xi32>
    %add3A_304 = arith.addi %add3A_300, %mul3A_303 : vector<16xi32>
    %swap3A_305 = arith.constant 2 : i32
    %swap3A_306 = arith.index_cast %swap3A_305 : i32 to index
    %swap3A_307 = arith.constant 16 : index
    %swap3A_308 = tpu.vector_load %arg7[%swap3A_306, %swap3A_307] {strides = array<i32>} : memref<8x128xi32, #tpu.memory_space<vmem>>, vector<1x16xi32>,
    %swap3A_309 = vector.shape_cast %swap3A_308 : vector<1x16xi32> to vector<16xi32>
    %swap3A_310 = vector.shape_cast %add3A_304 : vector<16xi32> to vector<1x16xi32>
    tpu.vector_store %arg7[%swap3A_306, %swap3A_307], %swap3A_310 {strides = array<i32>} : memref<8x128xi32, #tpu.memory_space<vmem>>, vector<1x16xi32>,
    %get3A_311 = arith.constant 288 : index
    %get3A_312 = tpu.vector_load %arg6[%get3A_311] {strides = array<i32>} : memref<1024xi32, #tpu.memory_space<vmem>>, vector<16xi32>,
    %get3A_313 = vector.shape_cast %get3A_312 : vector<16xi32> to vector<16xi32>
    %add3A_314 = arith.constant 512 : i32
    %add3A_315 = arith.addi %mul3A_6, %add3A_314 : i32
    %add3A_316 = vector.broadcast %add3A_315 : i32 to vector<16xi32>
    %add3A_317 = arith.addi %get3A_313, %add3A_316 : vector<16xi32>
    %mul3A_318 = arith.constant 16 : i32
    %mul3A_319 = vector.broadcast %mul3A_318 : i32 to vector<16xi32>
    %mul3A_320 = arith.muli %iota3A, %mul3A_319 : vector<16xi32>
    %add3A_321 = arith.addi %add3A_317, %mul3A_320 : vector<16xi32>
    %swap3A_322 = arith.constant 2 : i32
    %swap3A_323 = arith.index_cast %swap3A_322 : i32 to index
    %swap3A_324 = arith.constant 32 : index
    %swap3A_325 = tpu.vector_load %arg7[%swap3A_323, %swap3A_324] {strides = array<i32>} : memref<8x128xi32, #tpu.memory_space<vmem>>, vector<1x16xi32>,
    %swap3A_326 = vector.shape_cast %swap3A_325 : vector<1x16xi32> to vector<16xi32>
    %swap3A_327 = vector.shape_cast %add3A_321 : vector<16xi32> to vector<1x16xi32>
    tpu.vector_store %arg7[%swap3A_323, %swap3A_324], %swap3A_327 {strides = array<i32>} : memref<8x128xi32, #tpu.memory_space<vmem>>, vector<1x16xi32>,
    %get3A_328 = arith.constant 304 : index
    %get3A_329 = tpu.vector_load %arg6[%get3A_328] {strides = array<i32>} : memref<1024xi32, #tpu.memory_space<vmem>>, vector<16xi32>,
    %get3A_330 = vector.shape_cast %get3A_329 : vector<16xi32> to vector<16xi32>
    %add3A_331 = arith.constant 768 : i32
    %add3A_332 = arith.addi %mul3A_6, %add3A_331 : i32
    %add3A_333 = vector.broadcast %add3A_332 : i32 to vector<16xi32>
    %add3A_334 = arith.addi %get3A_330, %add3A_333 : vector<16xi32>
    %mul3A_335 = arith.constant 16 : i32
    %mul3A_336 = vector.broadcast %mul3A_335 : i32 to vector<16xi32>
    %mul3A_337 = arith.muli %iota3A, %mul3A_336 : vector<16xi32>
    %add3A_338 = arith.addi %add3A_334, %mul3A_337 : vector<16xi32>
    %swap3A_339 = arith.constant 2 : i32
    %swap3A_340 = arith.index_cast %swap3A_339 : i32 to index
    %swap3A_341 = arith.constant 48 : index
    %swap3A_342 = tpu.vector_load %arg7[%swap3A_340, %swap3A_341] {strides = array<i32>} : memref<8x128xi32, #tpu.memory_space<vmem>>, vector<1x16xi32>,
    %swap3A_343 = vector.shape_cast %swap3A_342 : vector<1x16xi32> to vector<16xi32>
    %swap3A_344 = vector.shape_cast %add3A_338 : vector<16xi32> to vector<1x16xi32>
    tpu.vector_store %arg7[%swap3A_340, %swap3A_341], %swap3A_344 {strides = array<i32>} : memref<8x128xi32, #tpu.memory_space<vmem>>, vector<1x16xi32>,
    %get3A_345 = arith.constant 320 : index
    %get3A_346 = tpu.vector_load %arg6[%get3A_345] {strides = array<i32>} : memref<1024xi32, #tpu.memory_space<vmem>>, vector<16xi32>,
    %get3A_347 = vector.shape_cast %get3A_346 : vector<16xi32> to vector<16xi32>
    %add3A_348 = arith.constant 1024 : i32
    %add3A_349 = arith.addi %mul3A_6, %add3A_348 : i32
    %add3A_350 = vector.broadcast %add3A_349 : i32 to vector<16xi32>
    %add3A_351 = arith.addi %get3A_347, %add3A_350 : vector<16xi32>
    %mul3A_352 = arith.constant 16 : i32
    %mul3A_353 = vector.broadcast %mul3A_352 : i32 to vector<16xi32>
    %mul3A_354 = arith.muli %iota3A, %mul3A_353 : vector<16xi32>
    %add3A_355 = arith.addi %add3A_351, %mul3A_354 : vector<16xi32>
    %swap3A_356 = arith.constant 2 : i32
    %swap3A_357 = arith.index_cast %swap3A_356 : i32 to index
    %swap3A_358 = arith.constant 64 : index
    %swap3A_359 = tpu.vector_load %arg7[%swap3A_357, %swap3A_358] {strides = array<i32>} : memref<8x128xi32, #tpu.memory_space<vmem>>, vector<1x16xi32>,
    %swap3A_360 = vector.shape_cast %swap3A_359 : vector<1x16xi32> to vector<16xi32>
    %swap3A_361 = vector.shape_cast %add3A_355 : vector<16xi32> to vector<1x16xi32>
    tpu.vector_store %arg7[%swap3A_357, %swap3A_358], %swap3A_361 {strides = array<i32>} : memref<8x128xi32, #tpu.memory_space<vmem>>, vector<1x16xi32>,
    %get3A_362 = arith.constant 336 : index
    %get3A_363 = tpu.vector_load %arg6[%get3A_362] {strides = array<i32>} : memref<1024xi32, #tpu.memory_space<vmem>>, vector<16xi32>,
    %get3A_364 = vector.shape_cast %get3A_363 : vector<16xi32> to vector<16xi32>
    %add3A_365 = arith.constant 1280 : i32
    %add3A_366 = arith.addi %mul3A_6, %add3A_365 : i32
    %add3A_367 = vector.broadcast %add3A_366 : i32 to vector<16xi32>
    %add3A_368 = arith.addi %get3A_364, %add3A_367 : vector<16xi32>
    %mul3A_369 = arith.constant 16 : i32
    %mul3A_370 = vector.broadcast %mul3A_369 : i32 to vector<16xi32>
    %mul3A_371 = arith.muli %iota3A, %mul3A_370 : vector<16xi32>
    %add3A_372 = arith.addi %add3A_368, %mul3A_371 : vector<16xi32>
    %swap3A_373 = arith.constant 2 : i32
    %swap3A_374 = arith.index_cast %swap3A_373 : i32 to index
    %swap3A_375 = arith.constant 80 : index
    %swap3A_376 = tpu.vector_load %arg7[%swap3A_374, %swap3A_375] {strides = array<i32>} : memref<8x128xi32, #tpu.memory_space<vmem>>, vector<1x16xi32>,
    %swap3A_377 = vector.shape_cast %swap3A_376 : vector<1x16xi32> to vector<16xi32>
    %swap3A_378 = vector.shape_cast %add3A_372 : vector<16xi32> to vector<1x16xi32>
    tpu.vector_store %arg7[%swap3A_374, %swap3A_375], %swap3A_378 {strides = array<i32>} : memref<8x128xi32, #tpu.memory_space<vmem>>, vector<1x16xi32>,
    %get3A_379 = arith.constant 352 : index
    %get3A_380 = tpu.vector_load %arg6[%get3A_379] {strides = array<i32>} : memref<1024xi32, #tpu.memory_space<vmem>>, vector<16xi32>,
    %get3A_381 = vector.shape_cast %get3A_380 : vector<16xi32> to vector<16xi32>
    %add3A_382 = arith.constant 1536 : i32
    %add3A_383 = arith.addi %mul3A_6, %add3A_382 : i32
    %add3A_384 = vector.broadcast %add3A_383 : i32 to vector<16xi32>
    %add3A_385 = arith.addi %get3A_381, %add3A_384 : vector<16xi32>
    %mul3A_386 = arith.constant 16 : i32
    %mul3A_387 = vector.broadcast %mul3A_386 : i32 to vector<16xi32>
    %mul3A_388 = arith.muli %iota3A, %mul3A_387 : vector<16xi32>
    %add3A_389 = arith.addi %add3A_385, %mul3A_388 : vector<16xi32>
    %swap3A_390 = arith.constant 2 : i32
    %swap3A_391 = arith.index_cast %swap3A_390 : i32 to index
    %swap3A_392 = arith.constant 96 : index
    %swap3A_393 = tpu.vector_load %arg7[%swap3A_391, %swap3A_392] {strides = array<i32>} : memref<8x128xi32, #tpu.memory_space<vmem>>, vector<1x16xi32>,
    %swap3A_394 = vector.shape_cast %swap3A_393 : vector<1x16xi32> to vector<16xi32>
    %swap3A_395 = vector.shape_cast %add3A_389 : vector<16xi32> to vector<1x16xi32>
    tpu.vector_store %arg7[%swap3A_391, %swap3A_392], %swap3A_395 {strides = array<i32>} : memref<8x128xi32, #tpu.memory_space<vmem>>, vector<1x16xi32>,
    %get3A_396 = arith.constant 368 : index
    %get3A_397 = tpu.vector_load %arg6[%get3A_396] {strides = array<i32>} : memref<1024xi32, #tpu.memory_space<vmem>>, vector<16xi32>,
    %get3A_398 = vector.shape_cast %get3A_397 : vector<16xi32> to vector<16xi32>
    %add3A_399 = arith.constant 1792 : i32
    %add3A_400 = arith.addi %mul3A_6, %add3A_399 : i32
    %add3A_401 = vector.broadcast %add3A_400 : i32 to vector<16xi32>
    %add3A_402 = arith.addi %get3A_398, %add3A_401 : vector<16xi32>
    %mul3A_403 = arith.constant 16 : i32
    %mul3A_404 = vector.broadcast %mul3A_403 : i32 to vector<16xi32>
    %mul3A_405 = arith.muli %iota3A, %mul3A_404 : vector<16xi32>
    %add3A_406 = arith.addi %add3A_402, %mul3A_405 : vector<16xi32>
    %swap3A_407 = arith.constant 2 : i32
    %swap3A_408 = arith.index_cast %swap3A_407 : i32 to index
    %swap3A_409 = arith.constant 112 : index
    %swap3A_410 = tpu.vector_load %arg7[%swap3A_408, %swap3A_409] {strides = array<i32>} : memref<8x128xi32, #tpu.memory_space<vmem>>, vector<1x16xi32>,
    %swap3A_411 = vector.shape_cast %swap3A_410 : vector<1x16xi32> to vector<16xi32>
    %swap3A_412 = vector.shape_cast %add3A_406 : vector<16xi32> to vector<1x16xi32>
    tpu.vector_store %arg7[%swap3A_408, %swap3A_409], %swap3A_412 {strides = array<i32>} : memref<8x128xi32, #tpu.memory_space<vmem>>, vector<1x16xi32>,
    %get3A_413 = arith.constant 384 : index
    %get3A_414 = tpu.vector_load %arg6[%get3A_413] {strides = array<i32>} : memref<1024xi32, #tpu.memory_space<vmem>>, vector<16xi32>,
    %get3A_415 = vector.shape_cast %get3A_414 : vector<16xi32> to vector<16xi32>
    %add3A_416 = arith.constant 0 : i32
    %add3A_417 = arith.addi %mul3A_6, %add3A_416 : i32
    %add3A_418 = vector.broadcast %add3A_417 : i32 to vector<16xi32>
    %add3A_419 = arith.addi %get3A_415, %add3A_418 : vector<16xi32>
    %mul3A_420 = arith.constant 16 : i32
    %mul3A_421 = vector.broadcast %mul3A_420 : i32 to vector<16xi32>
    %mul3A_422 = arith.muli %iota3A, %mul3A_421 : vector<16xi32>
    %add3A_423 = arith.addi %add3A_419, %mul3A_422 : vector<16xi32>
    %swap3A_424 = arith.constant 3 : i32
    %swap3A_425 = arith.index_cast %swap3A_424 : i32 to index
    %swap3A_426 = arith.constant 0 : index
    %swap3A_427 = tpu.vector_load %arg7[%swap3A_425, %swap3A_426] {strides = array<i32>} : memref<8x128xi32, #tpu.memory_space<vmem>>, vector<1x16xi32>,
    %swap3A_428 = vector.shape_cast %swap3A_427 : vector<1x16xi32> to vector<16xi32>
    %swap3A_429 = vector.shape_cast %add3A_423 : vector<16xi32> to vector<1x16xi32>
    tpu.vector_store %arg7[%swap3A_425, %swap3A_426], %swap3A_429 {strides = array<i32>} : memref<8x128xi32, #tpu.memory_space<vmem>>, vector<1x16xi32>,
    %get3A_430 = arith.constant 400 : index
    %get3A_431 = tpu.vector_load %arg6[%get3A_430] {strides = array<i32>} : memref<1024xi32, #tpu.memory_space<vmem>>, vector<16xi32>,
    %get3A_432 = vector.shape_cast %get3A_431 : vector<16xi32> to vector<16xi32>
    %add3A_433 = arith.constant 256 : i32
    %add3A_434 = arith.addi %mul3A_6, %add3A_433 : i32
    %add3A_435 = vector.broadcast %add3A_434 : i32 to vector<16xi32>
    %add3A_436 = arith.addi %get3A_432, %add3A_435 : vector<16xi32>
    %mul3A_437 = arith.constant 16 : i32
    %mul3A_438 = vector.broadcast %mul3A_437 : i32 to vector<16xi32>
    %mul3A_439 = arith.muli %iota3A, %mul3A_438 : vector<16xi32>
    %add3A_440 = arith.addi %add3A_436, %mul3A_439 : vector<16xi32>
    %swap3A_441 = arith.constant 3 : i32
    %swap3A_442 = arith.index_cast %swap3A_441 : i32 to index
    %swap3A_443 = arith.constant 16 : index
    %swap3A_444 = tpu.vector_load %arg7[%swap3A_442, %swap3A_443] {strides = array<i32>} : memref<8x128xi32, #tpu.memory_space<vmem>>, vector<1x16xi32>,
    %swap3A_445 = vector.shape_cast %swap3A_444 : vector<1x16xi32> to vector<16xi32>
    %swap3A_446 = vector.shape_cast %add3A_440 : vector<16xi32> to vector<1x16xi32>
    tpu.vector_store %arg7[%swap3A_442, %swap3A_443], %swap3A_446 {strides = array<i32>} : memref<8x128xi32, #tpu.memory_space<vmem>>, vector<1x16xi32>,
    %get3A_447 = arith.constant 416 : index
    %get3A_448 = tpu.vector_load %arg6[%get3A_447] {strides = array<i32>} : memref<1024xi32, #tpu.memory_space<vmem>>, vector<16xi32>,
    %get3A_449 = vector.shape_cast %get3A_448 : vector<16xi32> to vector<16xi32>
    %add3A_450 = arith.constant 512 : i32
    %add3A_451 = arith.addi %mul3A_6, %add3A_450 : i32
    %add3A_452 = vector.broadcast %add3A_451 : i32 to vector<16xi32>
    %add3A_453 = arith.addi %get3A_449, %add3A_452 : vector<16xi32>
    %mul3A_454 = arith.constant 16 : i32
    %mul3A_455 = vector.broadcast %mul3A_454 : i32 to vector<16xi32>
    %mul3A_456 = arith.muli %iota3A, %mul3A_455 : vector<16xi32>
    %add3A_457 = arith.addi %add3A_453, %mul3A_456 : vector<16xi32>
    %swap3A_458 = arith.constant 3 : i32
    %swap3A_459 = arith.index_cast %swap3A_458 : i32 to index
    %swap3A_460 = arith.constant 32 : index
    %swap3A_461 = tpu.vector_load %arg7[%swap3A_459, %swap3A_460] {strides = array<i32>} : memref<8x128xi32, #tpu.memory_space<vmem>>, vector<1x16xi32>,
    %swap3A_462 = vector.shape_cast %swap3A_461 : vector<1x16xi32> to vector<16xi32>
    %swap3A_463 = vector.shape_cast %add3A_457 : vector<16xi32> to vector<1x16xi32>
    tpu.vector_store %arg7[%swap3A_459, %swap3A_460], %swap3A_463 {strides = array<i32>} : memref<8x128xi32, #tpu.memory_space<vmem>>, vector<1x16xi32>,
    %get3A_464 = arith.constant 432 : index
    %get3A_465 = tpu.vector_load %arg6[%get3A_464] {strides = array<i32>} : memref<1024xi32, #tpu.memory_space<vmem>>, vector<16xi32>,
    %get3A_466 = vector.shape_cast %get3A_465 : vector<16xi32> to vector<16xi32>
    %add3A_467 = arith.constant 768 : i32
    %add3A_468 = arith.addi %mul3A_6, %add3A_467 : i32
    %add3A_469 = vector.broadcast %add3A_468 : i32 to vector<16xi32>
    %add3A_470 = arith.addi %get3A_466, %add3A_469 : vector<16xi32>
    %mul3A_471 = arith.constant 16 : i32
    %mul3A_472 = vector.broadcast %mul3A_471 : i32 to vector<16xi32>
    %mul3A_473 = arith.muli %iota3A, %mul3A_472 : vector<16xi32>
    %add3A_474 = arith.addi %add3A_470, %mul3A_473 : vector<16xi32>
    %swap3A_475 = arith.constant 3 : i32
    %swap3A_476 = arith.index_cast %swap3A_475 : i32 to index
    %swap3A_477 = arith.constant 48 : index
    %swap3A_478 = tpu.vector_load %arg7[%swap3A_476, %swap3A_477] {strides = array<i32>} : memref<8x128xi32, #tpu.memory_space<vmem>>, vector<1x16xi32>,
    %swap3A_479 = vector.shape_cast %swap3A_478 : vector<1x16xi32> to vector<16xi32>
    %swap3A_480 = vector.shape_cast %add3A_474 : vector<16xi32> to vector<1x16xi32>
    tpu.vector_store %arg7[%swap3A_476, %swap3A_477], %swap3A_480 {strides = array<i32>} : memref<8x128xi32, #tpu.memory_space<vmem>>, vector<1x16xi32>,
    %get3A_481 = arith.constant 448 : index
    %get3A_482 = tpu.vector_load %arg6[%get3A_481] {strides = array<i32>} : memref<1024xi32, #tpu.memory_space<vmem>>, vector<16xi32>,
    %get3A_483 = vector.shape_cast %get3A_482 : vector<16xi32> to vector<16xi32>
    %add3A_484 = arith.constant 1024 : i32
    %add3A_485 = arith.addi %mul3A_6, %add3A_484 : i32
    %add3A_486 = vector.broadcast %add3A_485 : i32 to vector<16xi32>
    %add3A_487 = arith.addi %get3A_483, %add3A_486 : vector<16xi32>
    %mul3A_488 = arith.constant 16 : i32
    %mul3A_489 = vector.broadcast %mul3A_488 : i32 to vector<16xi32>
    %mul3A_490 = arith.muli %iota3A, %mul3A_489 : vector<16xi32>
    %add3A_491 = arith.addi %add3A_487, %mul3A_490 : vector<16xi32>
    %swap3A_492 = arith.constant 3 : i32
    %swap3A_493 = arith.index_cast %swap3A_492 : i32 to index
    %swap3A_494 = arith.constant 64 : index
    %swap3A_495 = tpu.vector_load %arg7[%swap3A_493, %swap3A_494] {strides = array<i32>} : memref<8x128xi32, #tpu.memory_space<vmem>>, vector<1x16xi32>,
    %swap3A_496 = vector.shape_cast %swap3A_495 : vector<1x16xi32> to vector<16xi32>
    %swap3A_497 = vector.shape_cast %add3A_491 : vector<16xi32> to vector<1x16xi32>
    tpu.vector_store %arg7[%swap3A_493, %swap3A_494], %swap3A_497 {strides = array<i32>} : memref<8x128xi32, #tpu.memory_space<vmem>>, vector<1x16xi32>,
    %get3A_498 = arith.constant 464 : index
    %get3A_499 = tpu.vector_load %arg6[%get3A_498] {strides = array<i32>} : memref<1024xi32, #tpu.memory_space<vmem>>, vector<16xi32>,
    %get3A_500 = vector.shape_cast %get3A_499 : vector<16xi32> to vector<16xi32>
    %add3A_501 = arith.constant 1280 : i32
    %add3A_502 = arith.addi %mul3A_6, %add3A_501 : i32
    %add3A_503 = vector.broadcast %add3A_502 : i32 to vector<16xi32>
    %add3A_504 = arith.addi %get3A_500, %add3A_503 : vector<16xi32>
    %mul3A_505 = arith.constant 16 : i32
    %mul3A_506 = vector.broadcast %mul3A_505 : i32 to vector<16xi32>
    %mul3A_507 = arith.muli %iota3A, %mul3A_506 : vector<16xi32>
    %add3A_508 = arith.addi %add3A_504, %mul3A_507 : vector<16xi32>
    %swap3A_509 = arith.constant 3 : i32
    %swap3A_510 = arith.index_cast %swap3A_509 : i32 to index
    %swap3A_511 = arith.constant 80 : index
    %swap3A_512 = tpu.vector_load %arg7[%swap3A_510, %swap3A_511] {strides = array<i32>} : memref<8x128xi32, #tpu.memory_space<vmem>>, vector<1x16xi32>,
    %swap3A_513 = vector.shape_cast %swap3A_512 : vector<1x16xi32> to vector<16xi32>
    %swap3A_514 = vector.shape_cast %add3A_508 : vector<16xi32> to vector<1x16xi32>
    tpu.vector_store %arg7[%swap3A_510, %swap3A_511], %swap3A_514 {strides = array<i32>} : memref<8x128xi32, #tpu.memory_space<vmem>>, vector<1x16xi32>,
    %get3A_515 = arith.constant 480 : index
    %get3A_516 = tpu.vector_load %arg6[%get3A_515] {strides = array<i32>} : memref<1024xi32, #tpu.memory_space<vmem>>, vector<16xi32>,
    %get3A_517 = vector.shape_cast %get3A_516 : vector<16xi32> to vector<16xi32>
    %add3A_518 = arith.constant 1536 : i32
    %add3A_519 = arith.addi %mul3A_6, %add3A_518 : i32
    %add3A_520 = vector.broadcast %add3A_519 : i32 to vector<16xi32>
    %add3A_521 = arith.addi %get3A_517, %add3A_520 : vector<16xi32>
    %mul3A_522 = arith.constant 16 : i32
    %mul3A_523 = vector.broadcast %mul3A_522 : i32 to vector<16xi32>
    %mul3A_524 = arith.muli %iota3A, %mul3A_523 : vector<16xi32>
    %add3A_525 = arith.addi %add3A_521, %mul3A_524 : vector<16xi32>
    %swap3A_526 = arith.constant 3 : i32
    %swap3A_527 = arith.index_cast %swap3A_526 : i32 to index
    %swap3A_528 = arith.constant 96 : index
    %swap3A_529 = tpu.vector_load %arg7[%swap3A_527, %swap3A_528] {strides = array<i32>} : memref<8x128xi32, #tpu.memory_space<vmem>>, vector<1x16xi32>,
    %swap3A_530 = vector.shape_cast %swap3A_529 : vector<1x16xi32> to vector<16xi32>
    %swap3A_531 = vector.shape_cast %add3A_525 : vector<16xi32> to vector<1x16xi32>
    tpu.vector_store %arg7[%swap3A_527, %swap3A_528], %swap3A_531 {strides = array<i32>} : memref<8x128xi32, #tpu.memory_space<vmem>>, vector<1x16xi32>,
    %get3A_532 = arith.constant 496 : index
    %get3A_533 = tpu.vector_load %arg6[%get3A_532] {strides = array<i32>} : memref<1024xi32, #tpu.memory_space<vmem>>, vector<16xi32>,
    %get3A_534 = vector.shape_cast %get3A_533 : vector<16xi32> to vector<16xi32>
    %add3A_535 = arith.constant 1792 : i32
    %add3A_536 = arith.addi %mul3A_6, %add3A_535 : i32
    %add3A_537 = vector.broadcast %add3A_536 : i32 to vector<16xi32>
    %add3A_538 = arith.addi %get3A_534, %add3A_537 : vector<16xi32>
    %mul3A_539 = arith.constant 16 : i32
    %mul3A_540 = vector.broadcast %mul3A_539 : i32 to vector<16xi32>
    %mul3A_541 = arith.muli %iota3A, %mul3A_540 : vector<16xi32>
    %add3A_542 = arith.addi %add3A_538, %mul3A_541 : vector<16xi32>
    %swap3A_543 = arith.constant 3 : i32
    %swap3A_544 = arith.index_cast %swap3A_543 : i32 to index
    %swap3A_545 = arith.constant 112 : index
    %swap3A_546 = tpu.vector_load %arg7[%swap3A_544, %swap3A_545] {strides = array<i32>} : memref<8x128xi32, #tpu.memory_space<vmem>>, vector<1x16xi32>,
    %swap3A_547 = vector.shape_cast %swap3A_546 : vector<1x16xi32> to vector<16xi32>
    %swap3A_548 = vector.shape_cast %add3A_542 : vector<16xi32> to vector<1x16xi32>
    tpu.vector_store %arg7[%swap3A_544, %swap3A_545], %swap3A_548 {strides = array<i32>} : memref<8x128xi32, #tpu.memory_space<vmem>>, vector<1x16xi32>,
    %get3A_549 = arith.constant 512 : index
    %get3A_550 = tpu.vector_load %arg6[%get3A_549] {strides = array<i32>} : memref<1024xi32, #tpu.memory_space<vmem>>, vector<16xi32>,
    %get3A_551 = vector.shape_cast %get3A_550 : vector<16xi32> to vector<16xi32>
    %add3A_552 = arith.constant 0 : i32
    %add3A_553 = arith.addi %mul3A_6, %add3A_552 : i32
    %add3A_554 = vector.broadcast %add3A_553 : i32 to vector<16xi32>
    %add3A_555 = arith.addi %get3A_551, %add3A_554 : vector<16xi32>
    %mul3A_556 = arith.constant 16 : i32
    %mul3A_557 = vector.broadcast %mul3A_556 : i32 to vector<16xi32>
    %mul3A_558 = arith.muli %iota3A, %mul3A_557 : vector<16xi32>
    %add3A_559 = arith.addi %add3A_555, %mul3A_558 : vector<16xi32>
    %swap3A_560 = arith.constant 4 : i32
    %swap3A_561 = arith.index_cast %swap3A_560 : i32 to index
    %swap3A_562 = arith.constant 0 : index
    %swap3A_563 = tpu.vector_load %arg7[%swap3A_561, %swap3A_562] {strides = array<i32>} : memref<8x128xi32, #tpu.memory_space<vmem>>, vector<1x16xi32>,
    %swap3A_564 = vector.shape_cast %swap3A_563 : vector<1x16xi32> to vector<16xi32>
    %swap3A_565 = vector.shape_cast %add3A_559 : vector<16xi32> to vector<1x16xi32>
    tpu.vector_store %arg7[%swap3A_561, %swap3A_562], %swap3A_565 {strides = array<i32>} : memref<8x128xi32, #tpu.memory_space<vmem>>, vector<1x16xi32>,
    %get3A_566 = arith.constant 528 : index
    %get3A_567 = tpu.vector_load %arg6[%get3A_566] {strides = array<i32>} : memref<1024xi32, #tpu.memory_space<vmem>>, vector<16xi32>,
    %get3A_568 = vector.shape_cast %get3A_567 : vector<16xi32> to vector<16xi32>
    %add3A_569 = arith.constant 256 : i32
    %add3A_570 = arith.addi %mul3A_6, %add3A_569 : i32
    %add3A_571 = vector.broadcast %add3A_570 : i32 to vector<16xi32>
    %add3A_572 = arith.addi %get3A_568, %add3A_571 : vector<16xi32>
    %mul3A_573 = arith.constant 16 : i32
    %mul3A_574 = vector.broadcast %mul3A_573 : i32 to vector<16xi32>
    %mul3A_575 = arith.muli %iota3A, %mul3A_574 : vector<16xi32>
    %add3A_576 = arith.addi %add3A_572, %mul3A_575 : vector<16xi32>
    %swap3A_577 = arith.constant 4 : i32
    %swap3A_578 = arith.index_cast %swap3A_577 : i32 to index
    %swap3A_579 = arith.constant 16 : index
    %swap3A_580 = tpu.vector_load %arg7[%swap3A_578, %swap3A_579] {strides = array<i32>} : memref<8x128xi32, #tpu.memory_space<vmem>>, vector<1x16xi32>,
    %swap3A_581 = vector.shape_cast %swap3A_580 : vector<1x16xi32> to vector<16xi32>
    %swap3A_582 = vector.shape_cast %add3A_576 : vector<16xi32> to vector<1x16xi32>
    tpu.vector_store %arg7[%swap3A_578, %swap3A_579], %swap3A_582 {strides = array<i32>} : memref<8x128xi32, #tpu.memory_space<vmem>>, vector<1x16xi32>,
    %get3A_583 = arith.constant 544 : index
    %get3A_584 = tpu.vector_load %arg6[%get3A_583] {strides = array<i32>} : memref<1024xi32, #tpu.memory_space<vmem>>, vector<16xi32>,
    %get3A_585 = vector.shape_cast %get3A_584 : vector<16xi32> to vector<16xi32>
    %add3A_586 = arith.constant 512 : i32
    %add3A_587 = arith.addi %mul3A_6, %add3A_586 : i32
    %add3A_588 = vector.broadcast %add3A_587 : i32 to vector<16xi32>
    %add3A_589 = arith.addi %get3A_585, %add3A_588 : vector<16xi32>
    %mul3A_590 = arith.constant 16 : i32
    %mul3A_591 = vector.broadcast %mul3A_590 : i32 to vector<16xi32>
    %mul3A_592 = arith.muli %iota3A, %mul3A_591 : vector<16xi32>
    %add3A_593 = arith.addi %add3A_589, %mul3A_592 : vector<16xi32>
    %swap3A_594 = arith.constant 4 : i32
    %swap3A_595 = arith.index_cast %swap3A_594 : i32 to index
    %swap3A_596 = arith.constant 32 : index
    %swap3A_597 = tpu.vector_load %arg7[%swap3A_595, %swap3A_596] {strides = array<i32>} : memref<8x128xi32, #tpu.memory_space<vmem>>, vector<1x16xi32>,
    %swap3A_598 = vector.shape_cast %swap3A_597 : vector<1x16xi32> to vector<16xi32>
    %swap3A_599 = vector.shape_cast %add3A_593 : vector<16xi32> to vector<1x16xi32>
    tpu.vector_store %arg7[%swap3A_595, %swap3A_596], %swap3A_599 {strides = array<i32>} : memref<8x128xi32, #tpu.memory_space<vmem>>, vector<1x16xi32>,
    %get3A_600 = arith.constant 560 : index
    %get3A_601 = tpu.vector_load %arg6[%get3A_600] {strides = array<i32>} : memref<1024xi32, #tpu.memory_space<vmem>>, vector<16xi32>,
    %get3A_602 = vector.shape_cast %get3A_601 : vector<16xi32> to vector<16xi32>
    %add3A_603 = arith.constant 768 : i32
    %add3A_604 = arith.addi %mul3A_6, %add3A_603 : i32
    %add3A_605 = vector.broadcast %add3A_604 : i32 to vector<16xi32>
    %add3A_606 = arith.addi %get3A_602, %add3A_605 : vector<16xi32>
    %mul3A_607 = arith.constant 16 : i32
    %mul3A_608 = vector.broadcast %mul3A_607 : i32 to vector<16xi32>
    %mul3A_609 = arith.muli %iota3A, %mul3A_608 : vector<16xi32>
    %add3A_610 = arith.addi %add3A_606, %mul3A_609 : vector<16xi32>
    %swap3A_611 = arith.constant 4 : i32
    %swap3A_612 = arith.index_cast %swap3A_611 : i32 to index
    %swap3A_613 = arith.constant 48 : index
    %swap3A_614 = tpu.vector_load %arg7[%swap3A_612, %swap3A_613] {strides = array<i32>} : memref<8x128xi32, #tpu.memory_space<vmem>>, vector<1x16xi32>,
    %swap3A_615 = vector.shape_cast %swap3A_614 : vector<1x16xi32> to vector<16xi32>
    %swap3A_616 = vector.shape_cast %add3A_610 : vector<16xi32> to vector<1x16xi32>
    tpu.vector_store %arg7[%swap3A_612, %swap3A_613], %swap3A_616 {strides = array<i32>} : memref<8x128xi32, #tpu.memory_space<vmem>>, vector<1x16xi32>,
    %get3A_617 = arith.constant 576 : index
    %get3A_618 = tpu.vector_load %arg6[%get3A_617] {strides = array<i32>} : memref<1024xi32, #tpu.memory_space<vmem>>, vector<16xi32>,
    %get3A_619 = vector.shape_cast %get3A_618 : vector<16xi32> to vector<16xi32>
    %add3A_620 = arith.constant 1024 : i32
    %add3A_621 = arith.addi %mul3A_6, %add3A_620 : i32
    %add3A_622 = vector.broadcast %add3A_621 : i32 to vector<16xi32>
    %add3A_623 = arith.addi %get3A_619, %add3A_622 : vector<16xi32>
    %mul3A_624 = arith.constant 16 : i32
    %mul3A_625 = vector.broadcast %mul3A_624 : i32 to vector<16xi32>
    %mul3A_626 = arith.muli %iota3A, %mul3A_625 : vector<16xi32>
    %add3A_627 = arith.addi %add3A_623, %mul3A_626 : vector<16xi32>
    %swap3A_628 = arith.constant 4 : i32
    %swap3A_629 = arith.index_cast %swap3A_628 : i32 to index
    %swap3A_630 = arith.constant 64 : index
    %swap3A_631 = tpu.vector_load %arg7[%swap3A_629, %swap3A_630] {strides = array<i32>} : memref<8x128xi32, #tpu.memory_space<vmem>>, vector<1x16xi32>,
    %swap3A_632 = vector.shape_cast %swap3A_631 : vector<1x16xi32> to vector<16xi32>
    %swap3A_633 = vector.shape_cast %add3A_627 : vector<16xi32> to vector<1x16xi32>
    tpu.vector_store %arg7[%swap3A_629, %swap3A_630], %swap3A_633 {strides = array<i32>} : memref<8x128xi32, #tpu.memory_space<vmem>>, vector<1x16xi32>,
    %get3A_634 = arith.constant 592 : index
    %get3A_635 = tpu.vector_load %arg6[%get3A_634] {strides = array<i32>} : memref<1024xi32, #tpu.memory_space<vmem>>, vector<16xi32>,
    %get3A_636 = vector.shape_cast %get3A_635 : vector<16xi32> to vector<16xi32>
    %add3A_637 = arith.constant 1280 : i32
    %add3A_638 = arith.addi %mul3A_6, %add3A_637 : i32
    %add3A_639 = vector.broadcast %add3A_638 : i32 to vector<16xi32>
    %add3A_640 = arith.addi %get3A_636, %add3A_639 : vector<16xi32>
    %mul3A_641 = arith.constant 16 : i32
    %mul3A_642 = vector.broadcast %mul3A_641 : i32 to vector<16xi32>
    %mul3A_643 = arith.muli %iota3A, %mul3A_642 : vector<16xi32>
    %add3A_644 = arith.addi %add3A_640, %mul3A_643 : vector<16xi32>
    %swap3A_645 = arith.constant 4 : i32
    %swap3A_646 = arith.index_cast %swap3A_645 : i32 to index
    %swap3A_647 = arith.constant 80 : index
    %swap3A_648 = tpu.vector_load %arg7[%swap3A_646, %swap3A_647] {strides = array<i32>} : memref<8x128xi32, #tpu.memory_space<vmem>>, vector<1x16xi32>,
    %swap3A_649 = vector.shape_cast %swap3A_648 : vector<1x16xi32> to vector<16xi32>
    %swap3A_650 = vector.shape_cast %add3A_644 : vector<16xi32> to vector<1x16xi32>
    tpu.vector_store %arg7[%swap3A_646, %swap3A_647], %swap3A_650 {strides = array<i32>} : memref<8x128xi32, #tpu.memory_space<vmem>>, vector<1x16xi32>,
    %get3A_651 = arith.constant 608 : index
    %get3A_652 = tpu.vector_load %arg6[%get3A_651] {strides = array<i32>} : memref<1024xi32, #tpu.memory_space<vmem>>, vector<16xi32>,
    %get3A_653 = vector.shape_cast %get3A_652 : vector<16xi32> to vector<16xi32>
    %add3A_654 = arith.constant 1536 : i32
    %add3A_655 = arith.addi %mul3A_6, %add3A_654 : i32
    %add3A_656 = vector.broadcast %add3A_655 : i32 to vector<16xi32>
    %add3A_657 = arith.addi %get3A_653, %add3A_656 : vector<16xi32>
    %mul3A_658 = arith.constant 16 : i32
    %mul3A_659 = vector.broadcast %mul3A_658 : i32 to vector<16xi32>
    %mul3A_660 = arith.muli %iota3A, %mul3A_659 : vector<16xi32>
    %add3A_661 = arith.addi %add3A_657, %mul3A_660 : vector<16xi32>
    %swap3A_662 = arith.constant 4 : i32
    %swap3A_663 = arith.index_cast %swap3A_662 : i32 to index
    %swap3A_664 = arith.constant 96 : index
    %swap3A_665 = tpu.vector_load %arg7[%swap3A_663, %swap3A_664] {strides = array<i32>} : memref<8x128xi32, #tpu.memory_space<vmem>>, vector<1x16xi32>,
    %swap3A_666 = vector.shape_cast %swap3A_665 : vector<1x16xi32> to vector<16xi32>
    %swap3A_667 = vector.shape_cast %add3A_661 : vector<16xi32> to vector<1x16xi32>
    tpu.vector_store %arg7[%swap3A_663, %swap3A_664], %swap3A_667 {strides = array<i32>} : memref<8x128xi32, #tpu.memory_space<vmem>>, vector<1x16xi32>,
    %get3A_668 = arith.constant 624 : index
    %get3A_669 = tpu.vector_load %arg6[%get3A_668] {strides = array<i32>} : memref<1024xi32, #tpu.memory_space<vmem>>, vector<16xi32>,
    %get3A_670 = vector.shape_cast %get3A_669 : vector<16xi32> to vector<16xi32>
    %add3A_671 = arith.constant 1792 : i32
    %add3A_672 = arith.addi %mul3A_6, %add3A_671 : i32
    %add3A_673 = vector.broadcast %add3A_672 : i32 to vector<16xi32>
    %add3A_674 = arith.addi %get3A_670, %add3A_673 : vector<16xi32>
    %mul3A_675 = arith.constant 16 : i32
    %mul3A_676 = vector.broadcast %mul3A_675 : i32 to vector<16xi32>
    %mul3A_677 = arith.muli %iota3A, %mul3A_676 : vector<16xi32>
    %add3A_678 = arith.addi %add3A_674, %mul3A_677 : vector<16xi32>
    %swap3A_679 = arith.constant 4 : i32
    %swap3A_680 = arith.index_cast %swap3A_679 : i32 to index
    %swap3A_681 = arith.constant 112 : index
    %swap3A_682 = tpu.vector_load %arg7[%swap3A_680, %swap3A_681] {strides = array<i32>} : memref<8x128xi32, #tpu.memory_space<vmem>>, vector<1x16xi32>,
    %swap3A_683 = vector.shape_cast %swap3A_682 : vector<1x16xi32> to vector<16xi32>
    %swap3A_684 = vector.shape_cast %add3A_678 : vector<16xi32> to vector<1x16xi32>
    tpu.vector_store %arg7[%swap3A_680, %swap3A_681], %swap3A_684 {strides = array<i32>} : memref<8x128xi32, #tpu.memory_space<vmem>>, vector<1x16xi32>,
    %get3A_685 = arith.constant 640 : index
    %get3A_686 = tpu.vector_load %arg6[%get3A_685] {strides = array<i32>} : memref<1024xi32, #tpu.memory_space<vmem>>, vector<16xi32>,
    %get3A_687 = vector.shape_cast %get3A_686 : vector<16xi32> to vector<16xi32>
    %add3A_688 = arith.constant 0 : i32
    %add3A_689 = arith.addi %mul3A_6, %add3A_688 : i32
    %add3A_690 = vector.broadcast %add3A_689 : i32 to vector<16xi32>
    %add3A_691 = arith.addi %get3A_687, %add3A_690 : vector<16xi32>
    %mul3A_692 = arith.constant 16 : i32
    %mul3A_693 = vector.broadcast %mul3A_692 : i32 to vector<16xi32>
    %mul3A_694 = arith.muli %iota3A, %mul3A_693 : vector<16xi32>
    %add3A_695 = arith.addi %add3A_691, %mul3A_694 : vector<16xi32>
    %swap3A_696 = arith.constant 5 : i32
    %swap3A_697 = arith.index_cast %swap3A_696 : i32 to index
    %swap3A_698 = arith.constant 0 : index
    %swap3A_699 = tpu.vector_load %arg7[%swap3A_697, %swap3A_698] {strides = array<i32>} : memref<8x128xi32, #tpu.memory_space<vmem>>, vector<1x16xi32>,
    %swap3A_700 = vector.shape_cast %swap3A_699 : vector<1x16xi32> to vector<16xi32>
    %swap3A_701 = vector.shape_cast %add3A_695 : vector<16xi32> to vector<1x16xi32>
    tpu.vector_store %arg7[%swap3A_697, %swap3A_698], %swap3A_701 {strides = array<i32>} : memref<8x128xi32, #tpu.memory_space<vmem>>, vector<1x16xi32>,
    %get3A_702 = arith.constant 656 : index
    %get3A_703 = tpu.vector_load %arg6[%get3A_702] {strides = array<i32>} : memref<1024xi32, #tpu.memory_space<vmem>>, vector<16xi32>,
    %get3A_704 = vector.shape_cast %get3A_703 : vector<16xi32> to vector<16xi32>
    %add3A_705 = arith.constant 256 : i32
    %add3A_706 = arith.addi %mul3A_6, %add3A_705 : i32
    %add3A_707 = vector.broadcast %add3A_706 : i32 to vector<16xi32>
    %add3A_708 = arith.addi %get3A_704, %add3A_707 : vector<16xi32>
    %mul3A_709 = arith.constant 16 : i32
    %mul3A_710 = vector.broadcast %mul3A_709 : i32 to vector<16xi32>
    %mul3A_711 = arith.muli %iota3A, %mul3A_710 : vector<16xi32>
    %add3A_712 = arith.addi %add3A_708, %mul3A_711 : vector<16xi32>
    %swap3A_713 = arith.constant 5 : i32
    %swap3A_714 = arith.index_cast %swap3A_713 : i32 to index
    %swap3A_715 = arith.constant 16 : index
    %swap3A_716 = tpu.vector_load %arg7[%swap3A_714, %swap3A_715] {strides = array<i32>} : memref<8x128xi32, #tpu.memory_space<vmem>>, vector<1x16xi32>,
    %swap3A_717 = vector.shape_cast %swap3A_716 : vector<1x16xi32> to vector<16xi32>
    %swap3A_718 = vector.shape_cast %add3A_712 : vector<16xi32> to vector<1x16xi32>
    tpu.vector_store %arg7[%swap3A_714, %swap3A_715], %swap3A_718 {strides = array<i32>} : memref<8x128xi32, #tpu.memory_space<vmem>>, vector<1x16xi32>,
    %get3A_719 = arith.constant 672 : index
    %get3A_720 = tpu.vector_load %arg6[%get3A_719] {strides = array<i32>} : memref<1024xi32, #tpu.memory_space<vmem>>, vector<16xi32>,
    %get3A_721 = vector.shape_cast %get3A_720 : vector<16xi32> to vector<16xi32>
    %add3A_722 = arith.constant 512 : i32
    %add3A_723 = arith.addi %mul3A_6, %add3A_722 : i32
    %add3A_724 = vector.broadcast %add3A_723 : i32 to vector<16xi32>
    %add3A_725 = arith.addi %get3A_721, %add3A_724 : vector<16xi32>
    %mul3A_726 = arith.constant 16 : i32
    %mul3A_727 = vector.broadcast %mul3A_726 : i32 to vector<16xi32>
    %mul3A_728 = arith.muli %iota3A, %mul3A_727 : vector<16xi32>
    %add3A_729 = arith.addi %add3A_725, %mul3A_728 : vector<16xi32>
    %swap3A_730 = arith.constant 5 : i32
    %swap3A_731 = arith.index_cast %swap3A_730 : i32 to index
    %swap3A_732 = arith.constant 32 : index
    %swap3A_733 = tpu.vector_load %arg7[%swap3A_731, %swap3A_732] {strides = array<i32>} : memref<8x128xi32, #tpu.memory_space<vmem>>, vector<1x16xi32>,
    %swap3A_734 = vector.shape_cast %swap3A_733 : vector<1x16xi32> to vector<16xi32>
    %swap3A_735 = vector.shape_cast %add3A_729 : vector<16xi32> to vector<1x16xi32>
    tpu.vector_store %arg7[%swap3A_731, %swap3A_732], %swap3A_735 {strides = array<i32>} : memref<8x128xi32, #tpu.memory_space<vmem>>, vector<1x16xi32>,
    %get3A_736 = arith.constant 688 : index
    %get3A_737 = tpu.vector_load %arg6[%get3A_736] {strides = array<i32>} : memref<1024xi32, #tpu.memory_space<vmem>>, vector<16xi32>,
    %get3A_738 = vector.shape_cast %get3A_737 : vector<16xi32> to vector<16xi32>
    %add3A_739 = arith.constant 768 : i32
    %add3A_740 = arith.addi %mul3A_6, %add3A_739 : i32
    %add3A_741 = vector.broadcast %add3A_740 : i32 to vector<16xi32>
    %add3A_742 = arith.addi %get3A_738, %add3A_741 : vector<16xi32>
    %mul3A_743 = arith.constant 16 : i32
    %mul3A_744 = vector.broadcast %mul3A_743 : i32 to vector<16xi32>
    %mul3A_745 = arith.muli %iota3A, %mul3A_744 : vector<16xi32>
    %add3A_746 = arith.addi %add3A_742, %mul3A_745 : vector<16xi32>
    %swap3A_747 = arith.constant 5 : i32
    %swap3A_748 = arith.index_cast %swap3A_747 : i32 to index
    %swap3A_749 = arith.constant 48 : index
    %swap3A_750 = tpu.vector_load %arg7[%swap3A_748, %swap3A_749] {strides = array<i32>} : memref<8x128xi32, #tpu.memory_space<vmem>>, vector<1x16xi32>,
    %swap3A_751 = vector.shape_cast %swap3A_750 : vector<1x16xi32> to vector<16xi32>
    %swap3A_752 = vector.shape_cast %add3A_746 : vector<16xi32> to vector<1x16xi32>
    tpu.vector_store %arg7[%swap3A_748, %swap3A_749], %swap3A_752 {strides = array<i32>} : memref<8x128xi32, #tpu.memory_space<vmem>>, vector<1x16xi32>,
    %get3A_753 = arith.constant 704 : index
    %get3A_754 = tpu.vector_load %arg6[%get3A_753] {strides = array<i32>} : memref<1024xi32, #tpu.memory_space<vmem>>, vector<16xi32>,
    %get3A_755 = vector.shape_cast %get3A_754 : vector<16xi32> to vector<16xi32>
    %add3A_756 = arith.constant 1024 : i32
    %add3A_757 = arith.addi %mul3A_6, %add3A_756 : i32
    %add3A_758 = vector.broadcast %add3A_757 : i32 to vector<16xi32>
    %add3A_759 = arith.addi %get3A_755, %add3A_758 : vector<16xi32>
    %mul3A_760 = arith.constant 16 : i32
    %mul3A_761 = vector.broadcast %mul3A_760 : i32 to vector<16xi32>
    %mul3A_762 = arith.muli %iota3A, %mul3A_761 : vector<16xi32>
    %add3A_763 = arith.addi %add3A_759, %mul3A_762 : vector<16xi32>
    %swap3A_764 = arith.constant 5 : i32
    %swap3A_765 = arith.index_cast %swap3A_764 : i32 to index
    %swap3A_766 = arith.constant 64 : index
    %swap3A_767 = tpu.vector_load %arg7[%swap3A_765, %swap3A_766] {strides = array<i32>} : memref<8x128xi32, #tpu.memory_space<vmem>>, vector<1x16xi32>,
    %swap3A_768 = vector.shape_cast %swap3A_767 : vector<1x16xi32> to vector<16xi32>
    %swap3A_769 = vector.shape_cast %add3A_763 : vector<16xi32> to vector<1x16xi32>
    tpu.vector_store %arg7[%swap3A_765, %swap3A_766], %swap3A_769 {strides = array<i32>} : memref<8x128xi32, #tpu.memory_space<vmem>>, vector<1x16xi32>,
    %get3A_770 = arith.constant 720 : index
    %get3A_771 = tpu.vector_load %arg6[%get3A_770] {strides = array<i32>} : memref<1024xi32, #tpu.memory_space<vmem>>, vector<16xi32>,
    %get3A_772 = vector.shape_cast %get3A_771 : vector<16xi32> to vector<16xi32>
    %add3A_773 = arith.constant 1280 : i32
    %add3A_774 = arith.addi %mul3A_6, %add3A_773 : i32
    %add3A_775 = vector.broadcast %add3A_774 : i32 to vector<16xi32>
    %add3A_776 = arith.addi %get3A_772, %add3A_775 : vector<16xi32>
    %mul3A_777 = arith.constant 16 : i32
    %mul3A_778 = vector.broadcast %mul3A_777 : i32 to vector<16xi32>
    %mul3A_779 = arith.muli %iota3A, %mul3A_778 : vector<16xi32>
    %add3A_780 = arith.addi %add3A_776, %mul3A_779 : vector<16xi32>
    %swap3A_781 = arith.constant 5 : i32
    %swap3A_782 = arith.index_cast %swap3A_781 : i32 to index
    %swap3A_783 = arith.constant 80 : index
    %swap3A_784 = tpu.vector_load %arg7[%swap3A_782, %swap3A_783] {strides = array<i32>} : memref<8x128xi32, #tpu.memory_space<vmem>>, vector<1x16xi32>,
    %swap3A_785 = vector.shape_cast %swap3A_784 : vector<1x16xi32> to vector<16xi32>
    %swap3A_786 = vector.shape_cast %add3A_780 : vector<16xi32> to vector<1x16xi32>
    tpu.vector_store %arg7[%swap3A_782, %swap3A_783], %swap3A_786 {strides = array<i32>} : memref<8x128xi32, #tpu.memory_space<vmem>>, vector<1x16xi32>,
    %get3A_787 = arith.constant 736 : index
    %get3A_788 = tpu.vector_load %arg6[%get3A_787] {strides = array<i32>} : memref<1024xi32, #tpu.memory_space<vmem>>, vector<16xi32>,
    %get3A_789 = vector.shape_cast %get3A_788 : vector<16xi32> to vector<16xi32>
    %add3A_790 = arith.constant 1536 : i32
    %add3A_791 = arith.addi %mul3A_6, %add3A_790 : i32
    %add3A_792 = vector.broadcast %add3A_791 : i32 to vector<16xi32>
    %add3A_793 = arith.addi %get3A_789, %add3A_792 : vector<16xi32>
    %mul3A_794 = arith.constant 16 : i32
    %mul3A_795 = vector.broadcast %mul3A_794 : i32 to vector<16xi32>
    %mul3A_796 = arith.muli %iota3A, %mul3A_795 : vector<16xi32>
    %add3A_797 = arith.addi %add3A_793, %mul3A_796 : vector<16xi32>
    %swap3A_798 = arith.constant 5 : i32
    %swap3A_799 = arith.index_cast %swap3A_798 : i32 to index
    %swap3A_800 = arith.constant 96 : index
    %swap3A_801 = tpu.vector_load %arg7[%swap3A_799, %swap3A_800] {strides = array<i32>} : memref<8x128xi32, #tpu.memory_space<vmem>>, vector<1x16xi32>,
    %swap3A_802 = vector.shape_cast %swap3A_801 : vector<1x16xi32> to vector<16xi32>
    %swap3A_803 = vector.shape_cast %add3A_797 : vector<16xi32> to vector<1x16xi32>
    tpu.vector_store %arg7[%swap3A_799, %swap3A_800], %swap3A_803 {strides = array<i32>} : memref<8x128xi32, #tpu.memory_space<vmem>>, vector<1x16xi32>,
    %get3A_804 = arith.constant 752 : index
    %get3A_805 = tpu.vector_load %arg6[%get3A_804] {strides = array<i32>} : memref<1024xi32, #tpu.memory_space<vmem>>, vector<16xi32>,
    %get3A_806 = vector.shape_cast %get3A_805 : vector<16xi32> to vector<16xi32>
    %add3A_807 = arith.constant 1792 : i32
    %add3A_808 = arith.addi %mul3A_6, %add3A_807 : i32
    %add3A_809 = vector.broadcast %add3A_808 : i32 to vector<16xi32>
    %add3A_810 = arith.addi %get3A_806, %add3A_809 : vector<16xi32>
    %mul3A_811 = arith.constant 16 : i32
    %mul3A_812 = vector.broadcast %mul3A_811 : i32 to vector<16xi32>
    %mul3A_813 = arith.muli %iota3A, %mul3A_812 : vector<16xi32>
    %add3A_814 = arith.addi %add3A_810, %mul3A_813 : vector<16xi32>
    %swap3A_815 = arith.constant 5 : i32
    %swap3A_816 = arith.index_cast %swap3A_815 : i32 to index
    %swap3A_817 = arith.constant 112 : index
    %swap3A_818 = tpu.vector_load %arg7[%swap3A_816, %swap3A_817] {strides = array<i32>} : memref<8x128xi32, #tpu.memory_space<vmem>>, vector<1x16xi32>,
    %swap3A_819 = vector.shape_cast %swap3A_818 : vector<1x16xi32> to vector<16xi32>
    %swap3A_820 = vector.shape_cast %add3A_814 : vector<16xi32> to vector<1x16xi32>
    tpu.vector_store %arg7[%swap3A_816, %swap3A_817], %swap3A_820 {strides = array<i32>} : memref<8x128xi32, #tpu.memory_space<vmem>>, vector<1x16xi32>,
    %get3A_821 = arith.constant 768 : index
    %get3A_822 = tpu.vector_load %arg6[%get3A_821] {strides = array<i32>} : memref<1024xi32, #tpu.memory_space<vmem>>, vector<16xi32>,
    %get3A_823 = vector.shape_cast %get3A_822 : vector<16xi32> to vector<16xi32>
    %add3A_824 = arith.constant 0 : i32
    %add3A_825 = arith.addi %mul3A_6, %add3A_824 : i32
    %add3A_826 = vector.broadcast %add3A_825 : i32 to vector<16xi32>
    %add3A_827 = arith.addi %get3A_823, %add3A_826 : vector<16xi32>
    %mul3A_828 = arith.constant 16 : i32
    %mul3A_829 = vector.broadcast %mul3A_828 : i32 to vector<16xi32>
    %mul3A_830 = arith.muli %iota3A, %mul3A_829 : vector<16xi32>
    %add3A_831 = arith.addi %add3A_827, %mul3A_830 : vector<16xi32>
    %swap3A_832 = arith.constant 6 : i32
    %swap3A_833 = arith.index_cast %swap3A_832 : i32 to index
    %swap3A_834 = arith.constant 0 : index
    %swap3A_835 = tpu.vector_load %arg7[%swap3A_833, %swap3A_834] {strides = array<i32>} : memref<8x128xi32, #tpu.memory_space<vmem>>, vector<1x16xi32>,
    %swap3A_836 = vector.shape_cast %swap3A_835 : vector<1x16xi32> to vector<16xi32>
    %swap3A_837 = vector.shape_cast %add3A_831 : vector<16xi32> to vector<1x16xi32>
    tpu.vector_store %arg7[%swap3A_833, %swap3A_834], %swap3A_837 {strides = array<i32>} : memref<8x128xi32, #tpu.memory_space<vmem>>, vector<1x16xi32>,
    %get3A_838 = arith.constant 784 : index
    %get3A_839 = tpu.vector_load %arg6[%get3A_838] {strides = array<i32>} : memref<1024xi32, #tpu.memory_space<vmem>>, vector<16xi32>,
    %get3A_840 = vector.shape_cast %get3A_839 : vector<16xi32> to vector<16xi32>
    %add3A_841 = arith.constant 256 : i32
    %add3A_842 = arith.addi %mul3A_6, %add3A_841 : i32
    %add3A_843 = vector.broadcast %add3A_842 : i32 to vector<16xi32>
    %add3A_844 = arith.addi %get3A_840, %add3A_843 : vector<16xi32>
    %mul3A_845 = arith.constant 16 : i32
    %mul3A_846 = vector.broadcast %mul3A_845 : i32 to vector<16xi32>
    %mul3A_847 = arith.muli %iota3A, %mul3A_846 : vector<16xi32>
    %add3A_848 = arith.addi %add3A_844, %mul3A_847 : vector<16xi32>
    %swap3A_849 = arith.constant 6 : i32
    %swap3A_850 = arith.index_cast %swap3A_849 : i32 to index
    %swap3A_851 = arith.constant 16 : index
    %swap3A_852 = tpu.vector_load %arg7[%swap3A_850, %swap3A_851] {strides = array<i32>} : memref<8x128xi32, #tpu.memory_space<vmem>>, vector<1x16xi32>,
    %swap3A_853 = vector.shape_cast %swap3A_852 : vector<1x16xi32> to vector<16xi32>
    %swap3A_854 = vector.shape_cast %add3A_848 : vector<16xi32> to vector<1x16xi32>
    tpu.vector_store %arg7[%swap3A_850, %swap3A_851], %swap3A_854 {strides = array<i32>} : memref<8x128xi32, #tpu.memory_space<vmem>>, vector<1x16xi32>,
    %get3A_855 = arith.constant 800 : index
    %get3A_856 = tpu.vector_load %arg6[%get3A_855] {strides = array<i32>} : memref<1024xi32, #tpu.memory_space<vmem>>, vector<16xi32>,
    %get3A_857 = vector.shape_cast %get3A_856 : vector<16xi32> to vector<16xi32>
    %add3A_858 = arith.constant 512 : i32
    %add3A_859 = arith.addi %mul3A_6, %add3A_858 : i32
    %add3A_860 = vector.broadcast %add3A_859 : i32 to vector<16xi32>
    %add3A_861 = arith.addi %get3A_857, %add3A_860 : vector<16xi32>
    %mul3A_862 = arith.constant 16 : i32
    %mul3A_863 = vector.broadcast %mul3A_862 : i32 to vector<16xi32>
    %mul3A_864 = arith.muli %iota3A, %mul3A_863 : vector<16xi32>
    %add3A_865 = arith.addi %add3A_861, %mul3A_864 : vector<16xi32>
    %swap3A_866 = arith.constant 6 : i32
    %swap3A_867 = arith.index_cast %swap3A_866 : i32 to index
    %swap3A_868 = arith.constant 32 : index
    %swap3A_869 = tpu.vector_load %arg7[%swap3A_867, %swap3A_868] {strides = array<i32>} : memref<8x128xi32, #tpu.memory_space<vmem>>, vector<1x16xi32>,
    %swap3A_870 = vector.shape_cast %swap3A_869 : vector<1x16xi32> to vector<16xi32>
    %swap3A_871 = vector.shape_cast %add3A_865 : vector<16xi32> to vector<1x16xi32>
    tpu.vector_store %arg7[%swap3A_867, %swap3A_868], %swap3A_871 {strides = array<i32>} : memref<8x128xi32, #tpu.memory_space<vmem>>, vector<1x16xi32>,
    %get3A_872 = arith.constant 816 : index
    %get3A_873 = tpu.vector_load %arg6[%get3A_872] {strides = array<i32>} : memref<1024xi32, #tpu.memory_space<vmem>>, vector<16xi32>,
    %get3A_874 = vector.shape_cast %get3A_873 : vector<16xi32> to vector<16xi32>
    %add3A_875 = arith.constant 768 : i32
    %add3A_876 = arith.addi %mul3A_6, %add3A_875 : i32
    %add3A_877 = vector.broadcast %add3A_876 : i32 to vector<16xi32>
    %add3A_878 = arith.addi %get3A_874, %add3A_877 : vector<16xi32>
    %mul3A_879 = arith.constant 16 : i32
    %mul3A_880 = vector.broadcast %mul3A_879 : i32 to vector<16xi32>
    %mul3A_881 = arith.muli %iota3A, %mul3A_880 : vector<16xi32>
    %add3A_882 = arith.addi %add3A_878, %mul3A_881 : vector<16xi32>
    %swap3A_883 = arith.constant 6 : i32
    %swap3A_884 = arith.index_cast %swap3A_883 : i32 to index
    %swap3A_885 = arith.constant 48 : index
    %swap3A_886 = tpu.vector_load %arg7[%swap3A_884, %swap3A_885] {strides = array<i32>} : memref<8x128xi32, #tpu.memory_space<vmem>>, vector<1x16xi32>,
    %swap3A_887 = vector.shape_cast %swap3A_886 : vector<1x16xi32> to vector<16xi32>
    %swap3A_888 = vector.shape_cast %add3A_882 : vector<16xi32> to vector<1x16xi32>
    tpu.vector_store %arg7[%swap3A_884, %swap3A_885], %swap3A_888 {strides = array<i32>} : memref<8x128xi32, #tpu.memory_space<vmem>>, vector<1x16xi32>,
    %get3A_889 = arith.constant 832 : index
    %get3A_890 = tpu.vector_load %arg6[%get3A_889] {strides = array<i32>} : memref<1024xi32, #tpu.memory_space<vmem>>, vector<16xi32>,
    %get3A_891 = vector.shape_cast %get3A_890 : vector<16xi32> to vector<16xi32>
    %add3A_892 = arith.constant 1024 : i32
    %add3A_893 = arith.addi %mul3A_6, %add3A_892 : i32
    %add3A_894 = vector.broadcast %add3A_893 : i32 to vector<16xi32>
    %add3A_895 = arith.addi %get3A_891, %add3A_894 : vector<16xi32>
    %mul3A_896 = arith.constant 16 : i32
    %mul3A_897 = vector.broadcast %mul3A_896 : i32 to vector<16xi32>
    %mul3A_898 = arith.muli %iota3A, %mul3A_897 : vector<16xi32>
    %add3A_899 = arith.addi %add3A_895, %mul3A_898 : vector<16xi32>
    %swap3A_900 = arith.constant 6 : i32
    %swap3A_901 = arith.index_cast %swap3A_900 : i32 to index
    %swap3A_902 = arith.constant 64 : index
    %swap3A_903 = tpu.vector_load %arg7[%swap3A_901, %swap3A_902] {strides = array<i32>} : memref<8x128xi32, #tpu.memory_space<vmem>>, vector<1x16xi32>,
    %swap3A_904 = vector.shape_cast %swap3A_903 : vector<1x16xi32> to vector<16xi32>
    %swap3A_905 = vector.shape_cast %add3A_899 : vector<16xi32> to vector<1x16xi32>
    tpu.vector_store %arg7[%swap3A_901, %swap3A_902], %swap3A_905 {strides = array<i32>} : memref<8x128xi32, #tpu.memory_space<vmem>>, vector<1x16xi32>,
    %get3A_906 = arith.constant 848 : index
    %get3A_907 = tpu.vector_load %arg6[%get3A_906] {strides = array<i32>} : memref<1024xi32, #tpu.memory_space<vmem>>, vector<16xi32>,
    %get3A_908 = vector.shape_cast %get3A_907 : vector<16xi32> to vector<16xi32>
    %add3A_909 = arith.constant 1280 : i32
    %add3A_910 = arith.addi %mul3A_6, %add3A_909 : i32
    %add3A_911 = vector.broadcast %add3A_910 : i32 to vector<16xi32>
    %add3A_912 = arith.addi %get3A_908, %add3A_911 : vector<16xi32>
    %mul3A_913 = arith.constant 16 : i32
    %mul3A_914 = vector.broadcast %mul3A_913 : i32 to vector<16xi32>
    %mul3A_915 = arith.muli %iota3A, %mul3A_914 : vector<16xi32>
    %add3A_916 = arith.addi %add3A_912, %mul3A_915 : vector<16xi32>
    %swap3A_917 = arith.constant 6 : i32
    %swap3A_918 = arith.index_cast %swap3A_917 : i32 to index
    %swap3A_919 = arith.constant 80 : index
    %swap3A_920 = tpu.vector_load %arg7[%swap3A_918, %swap3A_919] {strides = array<i32>} : memref<8x128xi32, #tpu.memory_space<vmem>>, vector<1x16xi32>,
    %swap3A_921 = vector.shape_cast %swap3A_920 : vector<1x16xi32> to vector<16xi32>
    %swap3A_922 = vector.shape_cast %add3A_916 : vector<16xi32> to vector<1x16xi32>
    tpu.vector_store %arg7[%swap3A_918, %swap3A_919], %swap3A_922 {strides = array<i32>} : memref<8x128xi32, #tpu.memory_space<vmem>>, vector<1x16xi32>,
    %get3A_923 = arith.constant 864 : index
    %get3A_924 = tpu.vector_load %arg6[%get3A_923] {strides = array<i32>} : memref<1024xi32, #tpu.memory_space<vmem>>, vector<16xi32>,
    %get3A_925 = vector.shape_cast %get3A_924 : vector<16xi32> to vector<16xi32>
    %add3A_926 = arith.constant 1536 : i32
    %add3A_927 = arith.addi %mul3A_6, %add3A_926 : i32
    %add3A_928 = vector.broadcast %add3A_927 : i32 to vector<16xi32>
    %add3A_929 = arith.addi %get3A_925, %add3A_928 : vector<16xi32>
    %mul3A_930 = arith.constant 16 : i32
    %mul3A_931 = vector.broadcast %mul3A_930 : i32 to vector<16xi32>
    %mul3A_932 = arith.muli %iota3A, %mul3A_931 : vector<16xi32>
    %add3A_933 = arith.addi %add3A_929, %mul3A_932 : vector<16xi32>
    %swap3A_934 = arith.constant 6 : i32
    %swap3A_935 = arith.index_cast %swap3A_934 : i32 to index
    %swap3A_936 = arith.constant 96 : index
    %swap3A_937 = tpu.vector_load %arg7[%swap3A_935, %swap3A_936] {strides = array<i32>} : memref<8x128xi32, #tpu.memory_space<vmem>>, vector<1x16xi32>,
    %swap3A_938 = vector.shape_cast %swap3A_937 : vector<1x16xi32> to vector<16xi32>
    %swap3A_939 = vector.shape_cast %add3A_933 : vector<16xi32> to vector<1x16xi32>
    tpu.vector_store %arg7[%swap3A_935, %swap3A_936], %swap3A_939 {strides = array<i32>} : memref<8x128xi32, #tpu.memory_space<vmem>>, vector<1x16xi32>,
    %get3A_940 = arith.constant 880 : index
    %get3A_941 = tpu.vector_load %arg6[%get3A_940] {strides = array<i32>} : memref<1024xi32, #tpu.memory_space<vmem>>, vector<16xi32>,
    %get3A_942 = vector.shape_cast %get3A_941 : vector<16xi32> to vector<16xi32>
    %add3A_943 = arith.constant 1792 : i32
    %add3A_944 = arith.addi %mul3A_6, %add3A_943 : i32
    %add3A_945 = vector.broadcast %add3A_944 : i32 to vector<16xi32>
    %add3A_946 = arith.addi %get3A_942, %add3A_945 : vector<16xi32>
    %mul3A_947 = arith.constant 16 : i32
    %mul3A_948 = vector.broadcast %mul3A_947 : i32 to vector<16xi32>
    %mul3A_949 = arith.muli %iota3A, %mul3A_948 : vector<16xi32>
    %add3A_950 = arith.addi %add3A_946, %mul3A_949 : vector<16xi32>
    %swap3A_951 = arith.constant 6 : i32
    %swap3A_952 = arith.index_cast %swap3A_951 : i32 to index
    %swap3A_953 = arith.constant 112 : index
    %swap3A_954 = tpu.vector_load %arg7[%swap3A_952, %swap3A_953] {strides = array<i32>} : memref<8x128xi32, #tpu.memory_space<vmem>>, vector<1x16xi32>,
    %swap3A_955 = vector.shape_cast %swap3A_954 : vector<1x16xi32> to vector<16xi32>
    %swap3A_956 = vector.shape_cast %add3A_950 : vector<16xi32> to vector<1x16xi32>
    tpu.vector_store %arg7[%swap3A_952, %swap3A_953], %swap3A_956 {strides = array<i32>} : memref<8x128xi32, #tpu.memory_space<vmem>>, vector<1x16xi32>,
    %get3A_957 = arith.constant 896 : index
    %get3A_958 = tpu.vector_load %arg6[%get3A_957] {strides = array<i32>} : memref<1024xi32, #tpu.memory_space<vmem>>, vector<16xi32>,
    %get3A_959 = vector.shape_cast %get3A_958 : vector<16xi32> to vector<16xi32>
    %add3A_960 = arith.constant 0 : i32
    %add3A_961 = arith.addi %mul3A_6, %add3A_960 : i32
    %add3A_962 = vector.broadcast %add3A_961 : i32 to vector<16xi32>
    %add3A_963 = arith.addi %get3A_959, %add3A_962 : vector<16xi32>
    %mul3A_964 = arith.constant 16 : i32
    %mul3A_965 = vector.broadcast %mul3A_964 : i32 to vector<16xi32>
    %mul3A_966 = arith.muli %iota3A, %mul3A_965 : vector<16xi32>
    %add3A_967 = arith.addi %add3A_963, %mul3A_966 : vector<16xi32>
    %swap3A_968 = arith.constant 7 : i32
    %swap3A_969 = arith.index_cast %swap3A_968 : i32 to index
    %swap3A_970 = arith.constant 0 : index
    %swap3A_971 = tpu.vector_load %arg7[%swap3A_969, %swap3A_970] {strides = array<i32>} : memref<8x128xi32, #tpu.memory_space<vmem>>, vector<1x16xi32>,
    %swap3A_972 = vector.shape_cast %swap3A_971 : vector<1x16xi32> to vector<16xi32>
    %swap3A_973 = vector.shape_cast %add3A_967 : vector<16xi32> to vector<1x16xi32>
    tpu.vector_store %arg7[%swap3A_969, %swap3A_970], %swap3A_973 {strides = array<i32>} : memref<8x128xi32, #tpu.memory_space<vmem>>, vector<1x16xi32>,
    %get3A_974 = arith.constant 912 : index
    %get3A_975 = tpu.vector_load %arg6[%get3A_974] {strides = array<i32>} : memref<1024xi32, #tpu.memory_space<vmem>>, vector<16xi32>,
    %get3A_976 = vector.shape_cast %get3A_975 : vector<16xi32> to vector<16xi32>
    %add3A_977 = arith.constant 256 : i32
    %add3A_978 = arith.addi %mul3A_6, %add3A_977 : i32
    %add3A_979 = vector.broadcast %add3A_978 : i32 to vector<16xi32>
    %add3A_980 = arith.addi %get3A_976, %add3A_979 : vector<16xi32>
    %mul3A_981 = arith.constant 16 : i32
    %mul3A_982 = vector.broadcast %mul3A_981 : i32 to vector<16xi32>
    %mul3A_983 = arith.muli %iota3A, %mul3A_982 : vector<16xi32>
    %add3A_984 = arith.addi %add3A_980, %mul3A_983 : vector<16xi32>
    %swap3A_985 = arith.constant 7 : i32
    %swap3A_986 = arith.index_cast %swap3A_985 : i32 to index
    %swap3A_987 = arith.constant 16 : index
    %swap3A_988 = tpu.vector_load %arg7[%swap3A_986, %swap3A_987] {strides = array<i32>} : memref<8x128xi32, #tpu.memory_space<vmem>>, vector<1x16xi32>,
    %swap3A_989 = vector.shape_cast %swap3A_988 : vector<1x16xi32> to vector<16xi32>
    %swap3A_990 = vector.shape_cast %add3A_984 : vector<16xi32> to vector<1x16xi32>
    tpu.vector_store %arg7[%swap3A_986, %swap3A_987], %swap3A_990 {strides = array<i32>} : memref<8x128xi32, #tpu.memory_space<vmem>>, vector<1x16xi32>,
    %get3A_991 = arith.constant 928 : index
    %get3A_992 = tpu.vector_load %arg6[%get3A_991] {strides = array<i32>} : memref<1024xi32, #tpu.memory_space<vmem>>, vector<16xi32>,
    %get3A_993 = vector.shape_cast %get3A_992 : vector<16xi32> to vector<16xi32>
    %add3A_994 = arith.constant 512 : i32
    %add3A_995 = arith.addi %mul3A_6, %add3A_994 : i32
    %add3A_996 = vector.broadcast %add3A_995 : i32 to vector<16xi32>
    %add3A_997 = arith.addi %get3A_993, %add3A_996 : vector<16xi32>
    %mul3A_998 = arith.constant 16 : i32
    %mul3A_999 = vector.broadcast %mul3A_998 : i32 to vector<16xi32>
    %mul3A_1000 = arith.muli %iota3A, %mul3A_999 : vector<16xi32>
    %add3A_1001 = arith.addi %add3A_997, %mul3A_1000 : vector<16xi32>
    %swap3A_1002 = arith.constant 7 : i32
    %swap3A_1003 = arith.index_cast %swap3A_1002 : i32 to index
    %swap3A_1004 = arith.constant 32 : index
    %swap3A_1005 = tpu.vector_load %arg7[%swap3A_1003, %swap3A_1004] {strides = array<i32>} : memref<8x128xi32, #tpu.memory_space<vmem>>, vector<1x16xi32>,
    %swap3A_1006 = vector.shape_cast %swap3A_1005 : vector<1x16xi32> to vector<16xi32>
    %swap3A_1007 = vector.shape_cast %add3A_1001 : vector<16xi32> to vector<1x16xi32>
    tpu.vector_store %arg7[%swap3A_1003, %swap3A_1004], %swap3A_1007 {strides = array<i32>} : memref<8x128xi32, #tpu.memory_space<vmem>>, vector<1x16xi32>,
    %get3A_1008 = arith.constant 944 : index
    %get3A_1009 = tpu.vector_load %arg6[%get3A_1008] {strides = array<i32>} : memref<1024xi32, #tpu.memory_space<vmem>>, vector<16xi32>,
    %get3A_1010 = vector.shape_cast %get3A_1009 : vector<16xi32> to vector<16xi32>
    %add3A_1011 = arith.constant 768 : i32
    %add3A_1012 = arith.addi %mul3A_6, %add3A_1011 : i32
    %add3A_1013 = vector.broadcast %add3A_1012 : i32 to vector<16xi32>
    %add3A_1014 = arith.addi %get3A_1010, %add3A_1013 : vector<16xi32>
    %mul3A_1015 = arith.constant 16 : i32
    %mul3A_1016 = vector.broadcast %mul3A_1015 : i32 to vector<16xi32>
    %mul3A_1017 = arith.muli %iota3A, %mul3A_1016 : vector<16xi32>
    %add3A_1018 = arith.addi %add3A_1014, %mul3A_1017 : vector<16xi32>
    %swap3A_1019 = arith.constant 7 : i32
    %swap3A_1020 = arith.index_cast %swap3A_1019 : i32 to index
    %swap3A_1021 = arith.constant 48 : index
    %swap3A_1022 = tpu.vector_load %arg7[%swap3A_1020, %swap3A_1021] {strides = array<i32>} : memref<8x128xi32, #tpu.memory_space<vmem>>, vector<1x16xi32>,
    %swap3A_1023 = vector.shape_cast %swap3A_1022 : vector<1x16xi32> to vector<16xi32>
    %swap3A_1024 = vector.shape_cast %add3A_1018 : vector<16xi32> to vector<1x16xi32>
    tpu.vector_store %arg7[%swap3A_1020, %swap3A_1021], %swap3A_1024 {strides = array<i32>} : memref<8x128xi32, #tpu.memory_space<vmem>>, vector<1x16xi32>,
    %get3A_1025 = arith.constant 960 : index
    %get3A_1026 = tpu.vector_load %arg6[%get3A_1025] {strides = array<i32>} : memref<1024xi32, #tpu.memory_space<vmem>>, vector<16xi32>,
    %get3A_1027 = vector.shape_cast %get3A_1026 : vector<16xi32> to vector<16xi32>
    %add3A_1028 = arith.constant 1024 : i32
    %add3A_1029 = arith.addi %mul3A_6, %add3A_1028 : i32
    %add3A_1030 = vector.broadcast %add3A_1029 : i32 to vector<16xi32>
    %add3A_1031 = arith.addi %get3A_1027, %add3A_1030 : vector<16xi32>
    %mul3A_1032 = arith.constant 16 : i32
    %mul3A_1033 = vector.broadcast %mul3A_1032 : i32 to vector<16xi32>
    %mul3A_1034 = arith.muli %iota3A, %mul3A_1033 : vector<16xi32>
    %add3A_1035 = arith.addi %add3A_1031, %mul3A_1034 : vector<16xi32>
    %swap3A_1036 = arith.constant 7 : i32
    %swap3A_1037 = arith.index_cast %swap3A_1036 : i32 to index
    %swap3A_1038 = arith.constant 64 : index
    %swap3A_1039 = tpu.vector_load %arg7[%swap3A_1037, %swap3A_1038] {strides = array<i32>} : memref<8x128xi32, #tpu.memory_space<vmem>>, vector<1x16xi32>,
    %swap3A_1040 = vector.shape_cast %swap3A_1039 : vector<1x16xi32> to vector<16xi32>
    %swap3A_1041 = vector.shape_cast %add3A_1035 : vector<16xi32> to vector<1x16xi32>
    tpu.vector_store %arg7[%swap3A_1037, %swap3A_1038], %swap3A_1041 {strides = array<i32>} : memref<8x128xi32, #tpu.memory_space<vmem>>, vector<1x16xi32>,
    %get3A_1042 = arith.constant 976 : index
    %get3A_1043 = tpu.vector_load %arg6[%get3A_1042] {strides = array<i32>} : memref<1024xi32, #tpu.memory_space<vmem>>, vector<16xi32>,
    %get3A_1044 = vector.shape_cast %get3A_1043 : vector<16xi32> to vector<16xi32>
    %add3A_1045 = arith.constant 1280 : i32
    %add3A_1046 = arith.addi %mul3A_6, %add3A_1045 : i32
    %add3A_1047 = vector.broadcast %add3A_1046 : i32 to vector<16xi32>
    %add3A_1048 = arith.addi %get3A_1044, %add3A_1047 : vector<16xi32>
    %mul3A_1049 = arith.constant 16 : i32
    %mul3A_1050 = vector.broadcast %mul3A_1049 : i32 to vector<16xi32>
    %mul3A_1051 = arith.muli %iota3A, %mul3A_1050 : vector<16xi32>
    %add3A_1052 = arith.addi %add3A_1048, %mul3A_1051 : vector<16xi32>
    %swap3A_1053 = arith.constant 7 : i32
    %swap3A_1054 = arith.index_cast %swap3A_1053 : i32 to index
    %swap3A_1055 = arith.constant 80 : index
    %swap3A_1056 = tpu.vector_load %arg7[%swap3A_1054, %swap3A_1055] {strides = array<i32>} : memref<8x128xi32, #tpu.memory_space<vmem>>, vector<1x16xi32>,
    %swap3A_1057 = vector.shape_cast %swap3A_1056 : vector<1x16xi32> to vector<16xi32>
    %swap3A_1058 = vector.shape_cast %add3A_1052 : vector<16xi32> to vector<1x16xi32>
    tpu.vector_store %arg7[%swap3A_1054, %swap3A_1055], %swap3A_1058 {strides = array<i32>} : memref<8x128xi32, #tpu.memory_space<vmem>>, vector<1x16xi32>,
    %get3A_1059 = arith.constant 992 : index
    %get3A_1060 = tpu.vector_load %arg6[%get3A_1059] {strides = array<i32>} : memref<1024xi32, #tpu.memory_space<vmem>>, vector<16xi32>,
    %get3A_1061 = vector.shape_cast %get3A_1060 : vector<16xi32> to vector<16xi32>
    %add3A_1062 = arith.constant 1536 : i32
    %add3A_1063 = arith.addi %mul3A_6, %add3A_1062 : i32
    %add3A_1064 = vector.broadcast %add3A_1063 : i32 to vector<16xi32>
    %add3A_1065 = arith.addi %get3A_1061, %add3A_1064 : vector<16xi32>
    %mul3A_1066 = arith.constant 16 : i32
    %mul3A_1067 = vector.broadcast %mul3A_1066 : i32 to vector<16xi32>
    %mul3A_1068 = arith.muli %iota3A, %mul3A_1067 : vector<16xi32>
    %add3A_1069 = arith.addi %add3A_1065, %mul3A_1068 : vector<16xi32>
    %swap3A_1070 = arith.constant 7 : i32
    %swap3A_1071 = arith.index_cast %swap3A_1070 : i32 to index
    %swap3A_1072 = arith.constant 96 : index
    %swap3A_1073 = tpu.vector_load %arg7[%swap3A_1071, %swap3A_1072] {strides = array<i32>} : memref<8x128xi32, #tpu.memory_space<vmem>>, vector<1x16xi32>,
    %swap3A_1074 = vector.shape_cast %swap3A_1073 : vector<1x16xi32> to vector<16xi32>
    %swap3A_1075 = vector.shape_cast %add3A_1069 : vector<16xi32> to vector<1x16xi32>
    tpu.vector_store %arg7[%swap3A_1071, %swap3A_1072], %swap3A_1075 {strides = array<i32>} : memref<8x128xi32, #tpu.memory_space<vmem>>, vector<1x16xi32>,
    %get3A_1076 = arith.constant 1008 : index
    %get3A_1077 = tpu.vector_load %arg6[%get3A_1076] {strides = array<i32>} : memref<1024xi32, #tpu.memory_space<vmem>>, vector<16xi32>,
    %get3A_1078 = vector.shape_cast %get3A_1077 : vector<16xi32> to vector<16xi32>
    %add3A_1079 = arith.constant 1792 : i32
    %add3A_1080 = arith.addi %mul3A_6, %add3A_1079 : i32
    %add3A_1081 = vector.broadcast %add3A_1080 : i32 to vector<16xi32>
    %add3A_1082 = arith.addi %get3A_1078, %add3A_1081 : vector<16xi32>
    %mul3A_1083 = arith.constant 16 : i32
    %mul3A_1084 = vector.broadcast %mul3A_1083 : i32 to vector<16xi32>
    %mul3A_1085 = arith.muli %iota3A, %mul3A_1084 : vector<16xi32>
    %add3A_1086 = arith.addi %add3A_1082, %mul3A_1085 : vector<16xi32>
    %swap3A_1087 = arith.constant 7 : i32
    %swap3A_1088 = arith.index_cast %swap3A_1087 : i32 to index
    %swap3A_1089 = arith.constant 112 : index
    %swap3A_1090 = tpu.vector_load %arg7[%swap3A_1088, %swap3A_1089] {strides = array<i32>} : memref<8x128xi32, #tpu.memory_space<vmem>>, vector<1x16xi32>,
    %swap3A_1091 = vector.shape_cast %swap3A_1090 : vector<1x16xi32> to vector<16xi32>
    %swap3A_1092 = vector.shape_cast %add3A_1086 : vector<16xi32> to vector<1x16xi32>
    tpu.vector_store %arg7[%swap3A_1088, %swap3A_1089], %swap3A_1092 {strides = array<i32>} : memref<8x128xi32, #tpu.memory_space<vmem>>, vector<1x16xi32>,
    %broadcast_in_dim3A = arith.constant 0.000000e+00 : f32
    %broadcast_in_dim3A_1093 = vector.broadcast %broadcast_in_dim3A : f32 to vector<16xf32>
    %swap3A_1094 = arith.constant 0 : index
    %swap3A_1095 = tpu.vector_load %arg8[%swap3A_1094] {strides = array<i32>} : memref<2048xf32, #tpu.memory_space<vmem>>, vector<16xf32>,
    %swap3A_1096 = vector.shape_cast %swap3A_1095 : vector<16xf32> to vector<16xf32>
    %swap3A_1097 = vector.shape_cast %broadcast_in_dim3A_1093 : vector<16xf32> to vector<16xf32>
    tpu.vector_store %arg8[%swap3A_1094], %swap3A_1097 {strides = array<i32>} : memref<2048xf32, #tpu.memory_space<vmem>>, vector<16xf32>,
    %swap3A_1098 = arith.constant 16 : index
    %swap3A_1099 = tpu.vector_load %arg8[%swap3A_1098] {strides = array<i32>} : memref<2048xf32, #tpu.memory_space<vmem>>, vector<16xf32>,
    %swap3A_1100 = vector.shape_cast %swap3A_1099 : vector<16xf32> to vector<16xf32>
    %swap3A_1101 = vector.shape_cast %broadcast_in_dim3A_1093 : vector<16xf32> to vector<16xf32>
    tpu.vector_store %arg8[%swap3A_1098], %swap3A_1101 {strides = array<i32>} : memref<2048xf32, #tpu.memory_space<vmem>>, vector<16xf32>,
    %swap3A_1102 = arith.constant 32 : index
    %swap3A_1103 = tpu.vector_load %arg8[%swap3A_1102] {strides = array<i32>} : memref<2048xf32, #tpu.memory_space<vmem>>, vector<16xf32>,
    %swap3A_1104 = vector.shape_cast %swap3A_1103 : vector<16xf32> to vector<16xf32>
    %swap3A_1105 = vector.shape_cast %broadcast_in_dim3A_1093 : vector<16xf32> to vector<16xf32>
    tpu.vector_store %arg8[%swap3A_1102], %swap3A_1105 {strides = array<i32>} : memref<2048xf32, #tpu.memory_space<vmem>>, vector<16xf32>,
    %swap3A_1106 = arith.constant 48 : index
    %swap3A_1107 = tpu.vector_load %arg8[%swap3A_1106] {strides = array<i32>} : memref<2048xf32, #tpu.memory_space<vmem>>, vector<16xf32>,
    %swap3A_1108 = vector.shape_cast %swap3A_1107 : vector<16xf32> to vector<16xf32>
    %swap3A_1109 = vector.shape_cast %broadcast_in_dim3A_1093 : vector<16xf32> to vector<16xf32>
    tpu.vector_store %arg8[%swap3A_1106], %swap3A_1109 {strides = array<i32>} : memref<2048xf32, #tpu.memory_space<vmem>>, vector<16xf32>,
    %swap3A_1110 = arith.constant 64 : index
    %swap3A_1111 = tpu.vector_load %arg8[%swap3A_1110] {strides = array<i32>} : memref<2048xf32, #tpu.memory_space<vmem>>, vector<16xf32>,
    %swap3A_1112 = vector.shape_cast %swap3A_1111 : vector<16xf32> to vector<16xf32>
    %swap3A_1113 = vector.shape_cast %broadcast_in_dim3A_1093 : vector<16xf32> to vector<16xf32>
    tpu.vector_store %arg8[%swap3A_1110], %swap3A_1113 {strides = array<i32>} : memref<2048xf32, #tpu.memory_space<vmem>>, vector<16xf32>,
    %swap3A_1114 = arith.constant 80 : index
    %swap3A_1115 = tpu.vector_load %arg8[%swap3A_1114] {strides = array<i32>} : memref<2048xf32, #tpu.memory_space<vmem>>, vector<16xf32>,
    %swap3A_1116 = vector.shape_cast %swap3A_1115 : vector<16xf32> to vector<16xf32>
    %swap3A_1117 = vector.shape_cast %broadcast_in_dim3A_1093 : vector<16xf32> to vector<16xf32>
    tpu.vector_store %arg8[%swap3A_1114], %swap3A_1117 {strides = array<i32>} : memref<2048xf32, #tpu.memory_space<vmem>>, vector<16xf32>,
    %swap3A_1118 = arith.constant 96 : index
    %swap3A_1119 = tpu.vector_load %arg8[%swap3A_1118] {strides = array<i32>} : memref<2048xf32, #tpu.memory_space<vmem>>, vector<16xf32>,
    %swap3A_1120 = vector.shape_cast %swap3A_1119 : vector<16xf32> to vector<16xf32>
    %swap3A_1121 = vector.shape_cast %broadcast_in_dim3A_1093 : vector<16xf32> to vector<16xf32>
    tpu.vector_store %arg8[%swap3A_1118], %swap3A_1121 {strides = array<i32>} : memref<2048xf32, #tpu.memory_space<vmem>>, vector<16xf32>,
    %swap3A_1122 = arith.constant 112 : index
    %swap3A_1123 = tpu.vector_load %arg8[%swap3A_1122] {strides = array<i32>} : memref<2048xf32, #tpu.memory_space<vmem>>, vector<16xf32>,
    %swap3A_1124 = vector.shape_cast %swap3A_1123 : vector<16xf32> to vector<16xf32>
    %swap3A_1125 = vector.shape_cast %broadcast_in_dim3A_1093 : vector<16xf32> to vector<16xf32>
    tpu.vector_store %arg8[%swap3A_1122], %swap3A_1125 {strides = array<i32>} : memref<2048xf32, #tpu.memory_space<vmem>>, vector<16xf32>,
    %swap3A_1126 = arith.constant 128 : index
    %swap3A_1127 = tpu.vector_load %arg8[%swap3A_1126] {strides = array<i32>} : memref<2048xf32, #tpu.memory_space<vmem>>, vector<16xf32>,
    %swap3A_1128 = vector.shape_cast %swap3A_1127 : vector<16xf32> to vector<16xf32>
    %swap3A_1129 = vector.shape_cast %broadcast_in_dim3A_1093 : vector<16xf32> to vector<16xf32>
    tpu.vector_store %arg8[%swap3A_1126], %swap3A_1129 {strides = array<i32>} : memref<2048xf32, #tpu.memory_space<vmem>>, vector<16xf32>,
    %swap3A_1130 = arith.constant 144 : index
    %swap3A_1131 = tpu.vector_load %arg8[%swap3A_1130] {strides = array<i32>} : memref<2048xf32, #tpu.memory_space<vmem>>, vector<16xf32>,
    %swap3A_1132 = vector.shape_cast %swap3A_1131 : vector<16xf32> to vector<16xf32>
    %swap3A_1133 = vector.shape_cast %broadcast_in_dim3A_1093 : vector<16xf32> to vector<16xf32>
    tpu.vector_store %arg8[%swap3A_1130], %swap3A_1133 {strides = array<i32>} : memref<2048xf32, #tpu.memory_space<vmem>>, vector<16xf32>,
    %swap3A_1134 = arith.constant 160 : index
    %swap3A_1135 = tpu.vector_load %arg8[%swap3A_1134] {strides = array<i32>} : memref<2048xf32, #tpu.memory_space<vmem>>, vector<16xf32>,
    %swap3A_1136 = vector.shape_cast %swap3A_1135 : vector<16xf32> to vector<16xf32>
    %swap3A_1137 = vector.shape_cast %broadcast_in_dim3A_1093 : vector<16xf32> to vector<16xf32>
    tpu.vector_store %arg8[%swap3A_1134], %swap3A_1137 {strides = array<i32>} : memref<2048xf32, #tpu.memory_space<vmem>>, vector<16xf32>,
    %swap3A_1138 = arith.constant 176 : index
    %swap3A_1139 = tpu.vector_load %arg8[%swap3A_1138] {strides = array<i32>} : memref<2048xf32, #tpu.memory_space<vmem>>, vector<16xf32>,
    %swap3A_1140 = vector.shape_cast %swap3A_1139 : vector<16xf32> to vector<16xf32>
    %swap3A_1141 = vector.shape_cast %broadcast_in_dim3A_1093 : vector<16xf32> to vector<16xf32>
    tpu.vector_store %arg8[%swap3A_1138], %swap3A_1141 {strides = array<i32>} : memref<2048xf32, #tpu.memory_space<vmem>>, vector<16xf32>,
    %swap3A_1142 = arith.constant 192 : index
    %swap3A_1143 = tpu.vector_load %arg8[%swap3A_1142] {strides = array<i32>} : memref<2048xf32, #tpu.memory_space<vmem>>, vector<16xf32>,
    %swap3A_1144 = vector.shape_cast %swap3A_1143 : vector<16xf32> to vector<16xf32>
    %swap3A_1145 = vector.shape_cast %broadcast_in_dim3A_1093 : vector<16xf32> to vector<16xf32>
    tpu.vector_store %arg8[%swap3A_1142], %swap3A_1145 {strides = array<i32>} : memref<2048xf32, #tpu.memory_space<vmem>>, vector<16xf32>,
    %swap3A_1146 = arith.constant 208 : index
    %swap3A_1147 = tpu.vector_load %arg8[%swap3A_1146] {strides = array<i32>} : memref<2048xf32, #tpu.memory_space<vmem>>, vector<16xf32>,
    %swap3A_1148 = vector.shape_cast %swap3A_1147 : vector<16xf32> to vector<16xf32>
    %swap3A_1149 = vector.shape_cast %broadcast_in_dim3A_1093 : vector<16xf32> to vector<16xf32>
    tpu.vector_store %arg8[%swap3A_1146], %swap3A_1149 {strides = array<i32>} : memref<2048xf32, #tpu.memory_space<vmem>>, vector<16xf32>,
    %swap3A_1150 = arith.constant 224 : index
    %swap3A_1151 = tpu.vector_load %arg8[%swap3A_1150] {strides = array<i32>} : memref<2048xf32, #tpu.memory_space<vmem>>, vector<16xf32>,
    %swap3A_1152 = vector.shape_cast %swap3A_1151 : vector<16xf32> to vector<16xf32>
    %swap3A_1153 = vector.shape_cast %broadcast_in_dim3A_1093 : vector<16xf32> to vector<16xf32>
    tpu.vector_store %arg8[%swap3A_1150], %swap3A_1153 {strides = array<i32>} : memref<2048xf32, #tpu.memory_space<vmem>>, vector<16xf32>,
    %swap3A_1154 = arith.constant 240 : index
    %swap3A_1155 = tpu.vector_load %arg8[%swap3A_1154] {strides = array<i32>} : memref<2048xf32, #tpu.memory_space<vmem>>, vector<16xf32>,
    %swap3A_1156 = vector.shape_cast %swap3A_1155 : vector<16xf32> to vector<16xf32>
    %swap3A_1157 = vector.shape_cast %broadcast_in_dim3A_1093 : vector<16xf32> to vector<16xf32>
    tpu.vector_store %arg8[%swap3A_1154], %swap3A_1157 {strides = array<i32>} : memref<2048xf32, #tpu.memory_space<vmem>>, vector<16xf32>,
    %swap3A_1158 = arith.constant 256 : index
    %swap3A_1159 = tpu.vector_load %arg8[%swap3A_1158] {strides = array<i32>} : memref<2048xf32, #tpu.memory_space<vmem>>, vector<16xf32>,
    %swap3A_1160 = vector.shape_cast %swap3A_1159 : vector<16xf32> to vector<16xf32>
    %swap3A_1161 = vector.shape_cast %broadcast_in_dim3A_1093 : vector<16xf32> to vector<16xf32>
    tpu.vector_store %arg8[%swap3A_1158], %swap3A_1161 {strides = array<i32>} : memref<2048xf32, #tpu.memory_space<vmem>>, vector<16xf32>,
    %swap3A_1162 = arith.constant 272 : index
    %swap3A_1163 = tpu.vector_load %arg8[%swap3A_1162] {strides = array<i32>} : memref<2048xf32, #tpu.memory_space<vmem>>, vector<16xf32>,
    %swap3A_1164 = vector.shape_cast %swap3A_1163 : vector<16xf32> to vector<16xf32>
    %swap3A_1165 = vector.shape_cast %broadcast_in_dim3A_1093 : vector<16xf32> to vector<16xf32>
    tpu.vector_store %arg8[%swap3A_1162], %swap3A_1165 {strides = array<i32>} : memref<2048xf32, #tpu.memory_space<vmem>>, vector<16xf32>,
    %swap3A_1166 = arith.constant 288 : index
    %swap3A_1167 = tpu.vector_load %arg8[%swap3A_1166] {strides = array<i32>} : memref<2048xf32, #tpu.memory_space<vmem>>, vector<16xf32>,
    %swap3A_1168 = vector.shape_cast %swap3A_1167 : vector<16xf32> to vector<16xf32>
    %swap3A_1169 = vector.shape_cast %broadcast_in_dim3A_1093 : vector<16xf32> to vector<16xf32>
    tpu.vector_store %arg8[%swap3A_1166], %swap3A_1169 {strides = array<i32>} : memref<2048xf32, #tpu.memory_space<vmem>>, vector<16xf32>,
    %swap3A_1170 = arith.constant 304 : index
    %swap3A_1171 = tpu.vector_load %arg8[%swap3A_1170] {strides = array<i32>} : memref<2048xf32, #tpu.memory_space<vmem>>, vector<16xf32>,
    %swap3A_1172 = vector.shape_cast %swap3A_1171 : vector<16xf32> to vector<16xf32>
    %swap3A_1173 = vector.shape_cast %broadcast_in_dim3A_1093 : vector<16xf32> to vector<16xf32>
    tpu.vector_store %arg8[%swap3A_1170], %swap3A_1173 {strides = array<i32>} : memref<2048xf32, #tpu.memory_space<vmem>>, vector<16xf32>,
    %swap3A_1174 = arith.constant 320 : index
    %swap3A_1175 = tpu.vector_load %arg8[%swap3A_1174] {strides = array<i32>} : memref<2048xf32, #tpu.memory_space<vmem>>, vector<16xf32>,
    %swap3A_1176 = vector.shape_cast %swap3A_1175 : vector<16xf32> to vector<16xf32>
    %swap3A_1177 = vector.shape_cast %broadcast_in_dim3A_1093 : vector<16xf32> to vector<16xf32>
    tpu.vector_store %arg8[%swap3A_1174], %swap3A_1177 {strides = array<i32>} : memref<2048xf32, #tpu.memory_space<vmem>>, vector<16xf32>,
    %swap3A_1178 = arith.constant 336 : index
    %swap3A_1179 = tpu.vector_load %arg8[%swap3A_1178] {strides = array<i32>} : memref<2048xf32, #tpu.memory_space<vmem>>, vector<16xf32>,
    %swap3A_1180 = vector.shape_cast %swap3A_1179 : vector<16xf32> to vector<16xf32>
    %swap3A_1181 = vector.shape_cast %broadcast_in_dim3A_1093 : vector<16xf32> to vector<16xf32>
    tpu.vector_store %arg8[%swap3A_1178], %swap3A_1181 {strides = array<i32>} : memref<2048xf32, #tpu.memory_space<vmem>>, vector<16xf32>,
    %swap3A_1182 = arith.constant 352 : index
    %swap3A_1183 = tpu.vector_load %arg8[%swap3A_1182] {strides = array<i32>} : memref<2048xf32, #tpu.memory_space<vmem>>, vector<16xf32>,
    %swap3A_1184 = vector.shape_cast %swap3A_1183 : vector<16xf32> to vector<16xf32>
    %swap3A_1185 = vector.shape_cast %broadcast_in_dim3A_1093 : vector<16xf32> to vector<16xf32>
    tpu.vector_store %arg8[%swap3A_1182], %swap3A_1185 {strides = array<i32>} : memref<2048xf32, #tpu.memory_space<vmem>>, vector<16xf32>,
    %swap3A_1186 = arith.constant 368 : index
    %swap3A_1187 = tpu.vector_load %arg8[%swap3A_1186] {strides = array<i32>} : memref<2048xf32, #tpu.memory_space<vmem>>, vector<16xf32>,
    %swap3A_1188 = vector.shape_cast %swap3A_1187 : vector<16xf32> to vector<16xf32>
    %swap3A_1189 = vector.shape_cast %broadcast_in_dim3A_1093 : vector<16xf32> to vector<16xf32>
    tpu.vector_store %arg8[%swap3A_1186], %swap3A_1189 {strides = array<i32>} : memref<2048xf32, #tpu.memory_space<vmem>>, vector<16xf32>,
    %swap3A_1190 = arith.constant 384 : index
    %swap3A_1191 = tpu.vector_load %arg8[%swap3A_1190] {strides = array<i32>} : memref<2048xf32, #tpu.memory_space<vmem>>, vector<16xf32>,
    %swap3A_1192 = vector.shape_cast %swap3A_1191 : vector<16xf32> to vector<16xf32>
    %swap3A_1193 = vector.shape_cast %broadcast_in_dim3A_1093 : vector<16xf32> to vector<16xf32>
    tpu.vector_store %arg8[%swap3A_1190], %swap3A_1193 {strides = array<i32>} : memref<2048xf32, #tpu.memory_space<vmem>>, vector<16xf32>,
    %swap3A_1194 = arith.constant 400 : index
    %swap3A_1195 = tpu.vector_load %arg8[%swap3A_1194] {strides = array<i32>} : memref<2048xf32, #tpu.memory_space<vmem>>, vector<16xf32>,
    %swap3A_1196 = vector.shape_cast %swap3A_1195 : vector<16xf32> to vector<16xf32>
    %swap3A_1197 = vector.shape_cast %broadcast_in_dim3A_1093 : vector<16xf32> to vector<16xf32>
    tpu.vector_store %arg8[%swap3A_1194], %swap3A_1197 {strides = array<i32>} : memref<2048xf32, #tpu.memory_space<vmem>>, vector<16xf32>,
    %swap3A_1198 = arith.constant 416 : index
    %swap3A_1199 = tpu.vector_load %arg8[%swap3A_1198] {strides = array<i32>} : memref<2048xf32, #tpu.memory_space<vmem>>, vector<16xf32>,
    %swap3A_1200 = vector.shape_cast %swap3A_1199 : vector<16xf32> to vector<16xf32>
    %swap3A_1201 = vector.shape_cast %broadcast_in_dim3A_1093 : vector<16xf32> to vector<16xf32>
    tpu.vector_store %arg8[%swap3A_1198], %swap3A_1201 {strides = array<i32>} : memref<2048xf32, #tpu.memory_space<vmem>>, vector<16xf32>,
    %swap3A_1202 = arith.constant 432 : index
    %swap3A_1203 = tpu.vector_load %arg8[%swap3A_1202] {strides = array<i32>} : memref<2048xf32, #tpu.memory_space<vmem>>, vector<16xf32>,
    %swap3A_1204 = vector.shape_cast %swap3A_1203 : vector<16xf32> to vector<16xf32>
    %swap3A_1205 = vector.shape_cast %broadcast_in_dim3A_1093 : vector<16xf32> to vector<16xf32>
    tpu.vector_store %arg8[%swap3A_1202], %swap3A_1205 {strides = array<i32>} : memref<2048xf32, #tpu.memory_space<vmem>>, vector<16xf32>,
    %swap3A_1206 = arith.constant 448 : index
    %swap3A_1207 = tpu.vector_load %arg8[%swap3A_1206] {strides = array<i32>} : memref<2048xf32, #tpu.memory_space<vmem>>, vector<16xf32>,
    %swap3A_1208 = vector.shape_cast %swap3A_1207 : vector<16xf32> to vector<16xf32>
    %swap3A_1209 = vector.shape_cast %broadcast_in_dim3A_1093 : vector<16xf32> to vector<16xf32>
    tpu.vector_store %arg8[%swap3A_1206], %swap3A_1209 {strides = array<i32>} : memref<2048xf32, #tpu.memory_space<vmem>>, vector<16xf32>,
    %swap3A_1210 = arith.constant 464 : index
    %swap3A_1211 = tpu.vector_load %arg8[%swap3A_1210] {strides = array<i32>} : memref<2048xf32, #tpu.memory_space<vmem>>, vector<16xf32>,
    %swap3A_1212 = vector.shape_cast %swap3A_1211 : vector<16xf32> to vector<16xf32>
    %swap3A_1213 = vector.shape_cast %broadcast_in_dim3A_1093 : vector<16xf32> to vector<16xf32>
    tpu.vector_store %arg8[%swap3A_1210], %swap3A_1213 {strides = array<i32>} : memref<2048xf32, #tpu.memory_space<vmem>>, vector<16xf32>,
    %swap3A_1214 = arith.constant 480 : index
    %swap3A_1215 = tpu.vector_load %arg8[%swap3A_1214] {strides = array<i32>} : memref<2048xf32, #tpu.memory_space<vmem>>, vector<16xf32>,
    %swap3A_1216 = vector.shape_cast %swap3A_1215 : vector<16xf32> to vector<16xf32>
    %swap3A_1217 = vector.shape_cast %broadcast_in_dim3A_1093 : vector<16xf32> to vector<16xf32>
    tpu.vector_store %arg8[%swap3A_1214], %swap3A_1217 {strides = array<i32>} : memref<2048xf32, #tpu.memory_space<vmem>>, vector<16xf32>,
    %swap3A_1218 = arith.constant 496 : index
    %swap3A_1219 = tpu.vector_load %arg8[%swap3A_1218] {strides = array<i32>} : memref<2048xf32, #tpu.memory_space<vmem>>, vector<16xf32>,
    %swap3A_1220 = vector.shape_cast %swap3A_1219 : vector<16xf32> to vector<16xf32>
    %swap3A_1221 = vector.shape_cast %broadcast_in_dim3A_1093 : vector<16xf32> to vector<16xf32>
    tpu.vector_store %arg8[%swap3A_1218], %swap3A_1221 {strides = array<i32>} : memref<2048xf32, #tpu.memory_space<vmem>>, vector<16xf32>,
    %swap3A_1222 = arith.constant 512 : index
    %swap3A_1223 = tpu.vector_load %arg8[%swap3A_1222] {strides = array<i32>} : memref<2048xf32, #tpu.memory_space<vmem>>, vector<16xf32>,
    %swap3A_1224 = vector.shape_cast %swap3A_1223 : vector<16xf32> to vector<16xf32>
    %swap3A_1225 = vector.shape_cast %broadcast_in_dim3A_1093 : vector<16xf32> to vector<16xf32>
    tpu.vector_store %arg8[%swap3A_1222], %swap3A_1225 {strides = array<i32>} : memref<2048xf32, #tpu.memory_space<vmem>>, vector<16xf32>,
    %swap3A_1226 = arith.constant 528 : index
    %swap3A_1227 = tpu.vector_load %arg8[%swap3A_1226] {strides = array<i32>} : memref<2048xf32, #tpu.memory_space<vmem>>, vector<16xf32>,
    %swap3A_1228 = vector.shape_cast %swap3A_1227 : vector<16xf32> to vector<16xf32>
    %swap3A_1229 = vector.shape_cast %broadcast_in_dim3A_1093 : vector<16xf32> to vector<16xf32>
    tpu.vector_store %arg8[%swap3A_1226], %swap3A_1229 {strides = array<i32>} : memref<2048xf32, #tpu.memory_space<vmem>>, vector<16xf32>,
    %swap3A_1230 = arith.constant 544 : index
    %swap3A_1231 = tpu.vector_load %arg8[%swap3A_1230] {strides = array<i32>} : memref<2048xf32, #tpu.memory_space<vmem>>, vector<16xf32>,
    %swap3A_1232 = vector.shape_cast %swap3A_1231 : vector<16xf32> to vector<16xf32>
    %swap3A_1233 = vector.shape_cast %broadcast_in_dim3A_1093 : vector<16xf32> to vector<16xf32>
    tpu.vector_store %arg8[%swap3A_1230], %swap3A_1233 {strides = array<i32>} : memref<2048xf32, #tpu.memory_space<vmem>>, vector<16xf32>,
    %swap3A_1234 = arith.constant 560 : index
    %swap3A_1235 = tpu.vector_load %arg8[%swap3A_1234] {strides = array<i32>} : memref<2048xf32, #tpu.memory_space<vmem>>, vector<16xf32>,
    %swap3A_1236 = vector.shape_cast %swap3A_1235 : vector<16xf32> to vector<16xf32>
    %swap3A_1237 = vector.shape_cast %broadcast_in_dim3A_1093 : vector<16xf32> to vector<16xf32>
    tpu.vector_store %arg8[%swap3A_1234], %swap3A_1237 {strides = array<i32>} : memref<2048xf32, #tpu.memory_space<vmem>>, vector<16xf32>,
    %swap3A_1238 = arith.constant 576 : index
    %swap3A_1239 = tpu.vector_load %arg8[%swap3A_1238] {strides = array<i32>} : memref<2048xf32, #tpu.memory_space<vmem>>, vector<16xf32>,
    %swap3A_1240 = vector.shape_cast %swap3A_1239 : vector<16xf32> to vector<16xf32>
    %swap3A_1241 = vector.shape_cast %broadcast_in_dim3A_1093 : vector<16xf32> to vector<16xf32>
    tpu.vector_store %arg8[%swap3A_1238], %swap3A_1241 {strides = array<i32>} : memref<2048xf32, #tpu.memory_space<vmem>>, vector<16xf32>,
    %swap3A_1242 = arith.constant 592 : index
    %swap3A_1243 = tpu.vector_load %arg8[%swap3A_1242] {strides = array<i32>} : memref<2048xf32, #tpu.memory_space<vmem>>, vector<16xf32>,
    %swap3A_1244 = vector.shape_cast %swap3A_1243 : vector<16xf32> to vector<16xf32>
    %swap3A_1245 = vector.shape_cast %broadcast_in_dim3A_1093 : vector<16xf32> to vector<16xf32>
    tpu.vector_store %arg8[%swap3A_1242], %swap3A_1245 {strides = array<i32>} : memref<2048xf32, #tpu.memory_space<vmem>>, vector<16xf32>,
    %swap3A_1246 = arith.constant 608 : index
    %swap3A_1247 = tpu.vector_load %arg8[%swap3A_1246] {strides = array<i32>} : memref<2048xf32, #tpu.memory_space<vmem>>, vector<16xf32>,
    %swap3A_1248 = vector.shape_cast %swap3A_1247 : vector<16xf32> to vector<16xf32>
    %swap3A_1249 = vector.shape_cast %broadcast_in_dim3A_1093 : vector<16xf32> to vector<16xf32>
    tpu.vector_store %arg8[%swap3A_1246], %swap3A_1249 {strides = array<i32>} : memref<2048xf32, #tpu.memory_space<vmem>>, vector<16xf32>,
    %swap3A_1250 = arith.constant 624 : index
    %swap3A_1251 = tpu.vector_load %arg8[%swap3A_1250] {strides = array<i32>} : memref<2048xf32, #tpu.memory_space<vmem>>, vector<16xf32>,
    %swap3A_1252 = vector.shape_cast %swap3A_1251 : vector<16xf32> to vector<16xf32>
    %swap3A_1253 = vector.shape_cast %broadcast_in_dim3A_1093 : vector<16xf32> to vector<16xf32>
    tpu.vector_store %arg8[%swap3A_1250], %swap3A_1253 {strides = array<i32>} : memref<2048xf32, #tpu.memory_space<vmem>>, vector<16xf32>,
    %swap3A_1254 = arith.constant 640 : index
    %swap3A_1255 = tpu.vector_load %arg8[%swap3A_1254] {strides = array<i32>} : memref<2048xf32, #tpu.memory_space<vmem>>, vector<16xf32>,
    %swap3A_1256 = vector.shape_cast %swap3A_1255 : vector<16xf32> to vector<16xf32>
    %swap3A_1257 = vector.shape_cast %broadcast_in_dim3A_1093 : vector<16xf32> to vector<16xf32>
    tpu.vector_store %arg8[%swap3A_1254], %swap3A_1257 {strides = array<i32>} : memref<2048xf32, #tpu.memory_space<vmem>>, vector<16xf32>,
    %swap3A_1258 = arith.constant 656 : index
    %swap3A_1259 = tpu.vector_load %arg8[%swap3A_1258] {strides = array<i32>} : memref<2048xf32, #tpu.memory_space<vmem>>, vector<16xf32>,
    %swap3A_1260 = vector.shape_cast %swap3A_1259 : vector<16xf32> to vector<16xf32>
    %swap3A_1261 = vector.shape_cast %broadcast_in_dim3A_1093 : vector<16xf32> to vector<16xf32>
    tpu.vector_store %arg8[%swap3A_1258], %swap3A_1261 {strides = array<i32>} : memref<2048xf32, #tpu.memory_space<vmem>>, vector<16xf32>,
    %swap3A_1262 = arith.constant 672 : index
    %swap3A_1263 = tpu.vector_load %arg8[%swap3A_1262] {strides = array<i32>} : memref<2048xf32, #tpu.memory_space<vmem>>, vector<16xf32>,
    %swap3A_1264 = vector.shape_cast %swap3A_1263 : vector<16xf32> to vector<16xf32>
    %swap3A_1265 = vector.shape_cast %broadcast_in_dim3A_1093 : vector<16xf32> to vector<16xf32>
    tpu.vector_store %arg8[%swap3A_1262], %swap3A_1265 {strides = array<i32>} : memref<2048xf32, #tpu.memory_space<vmem>>, vector<16xf32>,
    %swap3A_1266 = arith.constant 688 : index
    %swap3A_1267 = tpu.vector_load %arg8[%swap3A_1266] {strides = array<i32>} : memref<2048xf32, #tpu.memory_space<vmem>>, vector<16xf32>,
    %swap3A_1268 = vector.shape_cast %swap3A_1267 : vector<16xf32> to vector<16xf32>
    %swap3A_1269 = vector.shape_cast %broadcast_in_dim3A_1093 : vector<16xf32> to vector<16xf32>
    tpu.vector_store %arg8[%swap3A_1266], %swap3A_1269 {strides = array<i32>} : memref<2048xf32, #tpu.memory_space<vmem>>, vector<16xf32>,
    %swap3A_1270 = arith.constant 704 : index
    %swap3A_1271 = tpu.vector_load %arg8[%swap3A_1270] {strides = array<i32>} : memref<2048xf32, #tpu.memory_space<vmem>>, vector<16xf32>,
    %swap3A_1272 = vector.shape_cast %swap3A_1271 : vector<16xf32> to vector<16xf32>
    %swap3A_1273 = vector.shape_cast %broadcast_in_dim3A_1093 : vector<16xf32> to vector<16xf32>
    tpu.vector_store %arg8[%swap3A_1270], %swap3A_1273 {strides = array<i32>} : memref<2048xf32, #tpu.memory_space<vmem>>, vector<16xf32>,
    %swap3A_1274 = arith.constant 720 : index
    %swap3A_1275 = tpu.vector_load %arg8[%swap3A_1274] {strides = array<i32>} : memref<2048xf32, #tpu.memory_space<vmem>>, vector<16xf32>,
    %swap3A_1276 = vector.shape_cast %swap3A_1275 : vector<16xf32> to vector<16xf32>
    %swap3A_1277 = vector.shape_cast %broadcast_in_dim3A_1093 : vector<16xf32> to vector<16xf32>
    tpu.vector_store %arg8[%swap3A_1274], %swap3A_1277 {strides = array<i32>} : memref<2048xf32, #tpu.memory_space<vmem>>, vector<16xf32>,
    %swap3A_1278 = arith.constant 736 : index
    %swap3A_1279 = tpu.vector_load %arg8[%swap3A_1278] {strides = array<i32>} : memref<2048xf32, #tpu.memory_space<vmem>>, vector<16xf32>,
    %swap3A_1280 = vector.shape_cast %swap3A_1279 : vector<16xf32> to vector<16xf32>
    %swap3A_1281 = vector.shape_cast %broadcast_in_dim3A_1093 : vector<16xf32> to vector<16xf32>
    tpu.vector_store %arg8[%swap3A_1278], %swap3A_1281 {strides = array<i32>} : memref<2048xf32, #tpu.memory_space<vmem>>, vector<16xf32>,
    %swap3A_1282 = arith.constant 752 : index
    %swap3A_1283 = tpu.vector_load %arg8[%swap3A_1282] {strides = array<i32>} : memref<2048xf32, #tpu.memory_space<vmem>>, vector<16xf32>,
    %swap3A_1284 = vector.shape_cast %swap3A_1283 : vector<16xf32> to vector<16xf32>
    %swap3A_1285 = vector.shape_cast %broadcast_in_dim3A_1093 : vector<16xf32> to vector<16xf32>
    tpu.vector_store %arg8[%swap3A_1282], %swap3A_1285 {strides = array<i32>} : memref<2048xf32, #tpu.memory_space<vmem>>, vector<16xf32>,
    %swap3A_1286 = arith.constant 768 : index
    %swap3A_1287 = tpu.vector_load %arg8[%swap3A_1286] {strides = array<i32>} : memref<2048xf32, #tpu.memory_space<vmem>>, vector<16xf32>,
    %swap3A_1288 = vector.shape_cast %swap3A_1287 : vector<16xf32> to vector<16xf32>
    %swap3A_1289 = vector.shape_cast %broadcast_in_dim3A_1093 : vector<16xf32> to vector<16xf32>
    tpu.vector_store %arg8[%swap3A_1286], %swap3A_1289 {strides = array<i32>} : memref<2048xf32, #tpu.memory_space<vmem>>, vector<16xf32>,
    %swap3A_1290 = arith.constant 784 : index
    %swap3A_1291 = tpu.vector_load %arg8[%swap3A_1290] {strides = array<i32>} : memref<2048xf32, #tpu.memory_space<vmem>>, vector<16xf32>,
    %swap3A_1292 = vector.shape_cast %swap3A_1291 : vector<16xf32> to vector<16xf32>
    %swap3A_1293 = vector.shape_cast %broadcast_in_dim3A_1093 : vector<16xf32> to vector<16xf32>
    tpu.vector_store %arg8[%swap3A_1290], %swap3A_1293 {strides = array<i32>} : memref<2048xf32, #tpu.memory_space<vmem>>, vector<16xf32>,
    %swap3A_1294 = arith.constant 800 : index
    %swap3A_1295 = tpu.vector_load %arg8[%swap3A_1294] {strides = array<i32>} : memref<2048xf32, #tpu.memory_space<vmem>>, vector<16xf32>,
    %swap3A_1296 = vector.shape_cast %swap3A_1295 : vector<16xf32> to vector<16xf32>
    %swap3A_1297 = vector.shape_cast %broadcast_in_dim3A_1093 : vector<16xf32> to vector<16xf32>
    tpu.vector_store %arg8[%swap3A_1294], %swap3A_1297 {strides = array<i32>} : memref<2048xf32, #tpu.memory_space<vmem>>, vector<16xf32>,
    %swap3A_1298 = arith.constant 816 : index
    %swap3A_1299 = tpu.vector_load %arg8[%swap3A_1298] {strides = array<i32>} : memref<2048xf32, #tpu.memory_space<vmem>>, vector<16xf32>,
    %swap3A_1300 = vector.shape_cast %swap3A_1299 : vector<16xf32> to vector<16xf32>
    %swap3A_1301 = vector.shape_cast %broadcast_in_dim3A_1093 : vector<16xf32> to vector<16xf32>
    tpu.vector_store %arg8[%swap3A_1298], %swap3A_1301 {strides = array<i32>} : memref<2048xf32, #tpu.memory_space<vmem>>, vector<16xf32>,
    %swap3A_1302 = arith.constant 832 : index
    %swap3A_1303 = tpu.vector_load %arg8[%swap3A_1302] {strides = array<i32>} : memref<2048xf32, #tpu.memory_space<vmem>>, vector<16xf32>,
    %swap3A_1304 = vector.shape_cast %swap3A_1303 : vector<16xf32> to vector<16xf32>
    %swap3A_1305 = vector.shape_cast %broadcast_in_dim3A_1093 : vector<16xf32> to vector<16xf32>
    tpu.vector_store %arg8[%swap3A_1302], %swap3A_1305 {strides = array<i32>} : memref<2048xf32, #tpu.memory_space<vmem>>, vector<16xf32>,
    %swap3A_1306 = arith.constant 848 : index
    %swap3A_1307 = tpu.vector_load %arg8[%swap3A_1306] {strides = array<i32>} : memref<2048xf32, #tpu.memory_space<vmem>>, vector<16xf32>,
    %swap3A_1308 = vector.shape_cast %swap3A_1307 : vector<16xf32> to vector<16xf32>
    %swap3A_1309 = vector.shape_cast %broadcast_in_dim3A_1093 : vector<16xf32> to vector<16xf32>
    tpu.vector_store %arg8[%swap3A_1306], %swap3A_1309 {strides = array<i32>} : memref<2048xf32, #tpu.memory_space<vmem>>, vector<16xf32>,
    %swap3A_1310 = arith.constant 864 : index
    %swap3A_1311 = tpu.vector_load %arg8[%swap3A_1310] {strides = array<i32>} : memref<2048xf32, #tpu.memory_space<vmem>>, vector<16xf32>,
    %swap3A_1312 = vector.shape_cast %swap3A_1311 : vector<16xf32> to vector<16xf32>
    %swap3A_1313 = vector.shape_cast %broadcast_in_dim3A_1093 : vector<16xf32> to vector<16xf32>
    tpu.vector_store %arg8[%swap3A_1310], %swap3A_1313 {strides = array<i32>} : memref<2048xf32, #tpu.memory_space<vmem>>, vector<16xf32>,
    %swap3A_1314 = arith.constant 880 : index
    %swap3A_1315 = tpu.vector_load %arg8[%swap3A_1314] {strides = array<i32>} : memref<2048xf32, #tpu.memory_space<vmem>>, vector<16xf32>,
    %swap3A_1316 = vector.shape_cast %swap3A_1315 : vector<16xf32> to vector<16xf32>
    %swap3A_1317 = vector.shape_cast %broadcast_in_dim3A_1093 : vector<16xf32> to vector<16xf32>
    tpu.vector_store %arg8[%swap3A_1314], %swap3A_1317 {strides = array<i32>} : memref<2048xf32, #tpu.memory_space<vmem>>, vector<16xf32>,
    %swap3A_1318 = arith.constant 896 : index
    %swap3A_1319 = tpu.vector_load %arg8[%swap3A_1318] {strides = array<i32>} : memref<2048xf32, #tpu.memory_space<vmem>>, vector<16xf32>,
    %swap3A_1320 = vector.shape_cast %swap3A_1319 : vector<16xf32> to vector<16xf32>
    %swap3A_1321 = vector.shape_cast %broadcast_in_dim3A_1093 : vector<16xf32> to vector<16xf32>
    tpu.vector_store %arg8[%swap3A_1318], %swap3A_1321 {strides = array<i32>} : memref<2048xf32, #tpu.memory_space<vmem>>, vector<16xf32>,
    %swap3A_1322 = arith.constant 912 : index
    %swap3A_1323 = tpu.vector_load %arg8[%swap3A_1322] {strides = array<i32>} : memref<2048xf32, #tpu.memory_space<vmem>>, vector<16xf32>,
    %swap3A_1324 = vector.shape_cast %swap3A_1323 : vector<16xf32> to vector<16xf32>
    %swap3A_1325 = vector.shape_cast %broadcast_in_dim3A_1093 : vector<16xf32> to vector<16xf32>
    tpu.vector_store %arg8[%swap3A_1322], %swap3A_1325 {strides = array<i32>} : memref<2048xf32, #tpu.memory_space<vmem>>, vector<16xf32>,
    %swap3A_1326 = arith.constant 928 : index
    %swap3A_1327 = tpu.vector_load %arg8[%swap3A_1326] {strides = array<i32>} : memref<2048xf32, #tpu.memory_space<vmem>>, vector<16xf32>,
    %swap3A_1328 = vector.shape_cast %swap3A_1327 : vector<16xf32> to vector<16xf32>
    %swap3A_1329 = vector.shape_cast %broadcast_in_dim3A_1093 : vector<16xf32> to vector<16xf32>
    tpu.vector_store %arg8[%swap3A_1326], %swap3A_1329 {strides = array<i32>} : memref<2048xf32, #tpu.memory_space<vmem>>, vector<16xf32>,
    %swap3A_1330 = arith.constant 944 : index
    %swap3A_1331 = tpu.vector_load %arg8[%swap3A_1330] {strides = array<i32>} : memref<2048xf32, #tpu.memory_space<vmem>>, vector<16xf32>,
    %swap3A_1332 = vector.shape_cast %swap3A_1331 : vector<16xf32> to vector<16xf32>
    %swap3A_1333 = vector.shape_cast %broadcast_in_dim3A_1093 : vector<16xf32> to vector<16xf32>
    tpu.vector_store %arg8[%swap3A_1330], %swap3A_1333 {strides = array<i32>} : memref<2048xf32, #tpu.memory_space<vmem>>, vector<16xf32>,
    %swap3A_1334 = arith.constant 960 : index
    %swap3A_1335 = tpu.vector_load %arg8[%swap3A_1334] {strides = array<i32>} : memref<2048xf32, #tpu.memory_space<vmem>>, vector<16xf32>,
    %swap3A_1336 = vector.shape_cast %swap3A_1335 : vector<16xf32> to vector<16xf32>
    %swap3A_1337 = vector.shape_cast %broadcast_in_dim3A_1093 : vector<16xf32> to vector<16xf32>
    tpu.vector_store %arg8[%swap3A_1334], %swap3A_1337 {strides = array<i32>} : memref<2048xf32, #tpu.memory_space<vmem>>, vector<16xf32>,
    %swap3A_1338 = arith.constant 976 : index
    %swap3A_1339 = tpu.vector_load %arg8[%swap3A_1338] {strides = array<i32>} : memref<2048xf32, #tpu.memory_space<vmem>>, vector<16xf32>,
    %swap3A_1340 = vector.shape_cast %swap3A_1339 : vector<16xf32> to vector<16xf32>
    %swap3A_1341 = vector.shape_cast %broadcast_in_dim3A_1093 : vector<16xf32> to vector<16xf32>
    tpu.vector_store %arg8[%swap3A_1338], %swap3A_1341 {strides = array<i32>} : memref<2048xf32, #tpu.memory_space<vmem>>, vector<16xf32>,
    %swap3A_1342 = arith.constant 992 : index
    %swap3A_1343 = tpu.vector_load %arg8[%swap3A_1342] {strides = array<i32>} : memref<2048xf32, #tpu.memory_space<vmem>>, vector<16xf32>,
    %swap3A_1344 = vector.shape_cast %swap3A_1343 : vector<16xf32> to vector<16xf32>
    %swap3A_1345 = vector.shape_cast %broadcast_in_dim3A_1093 : vector<16xf32> to vector<16xf32>
    tpu.vector_store %arg8[%swap3A_1342], %swap3A_1345 {strides = array<i32>} : memref<2048xf32, #tpu.memory_space<vmem>>, vector<16xf32>,
    %swap3A_1346 = arith.constant 1008 : index
    %swap3A_1347 = tpu.vector_load %arg8[%swap3A_1346] {strides = array<i32>} : memref<2048xf32, #tpu.memory_space<vmem>>, vector<16xf32>,
    %swap3A_1348 = vector.shape_cast %swap3A_1347 : vector<16xf32> to vector<16xf32>
    %swap3A_1349 = vector.shape_cast %broadcast_in_dim3A_1093 : vector<16xf32> to vector<16xf32>
    tpu.vector_store %arg8[%swap3A_1346], %swap3A_1349 {strides = array<i32>} : memref<2048xf32, #tpu.memory_space<vmem>>, vector<16xf32>,
    %swap3A_1350 = arith.constant 1024 : index
    %swap3A_1351 = tpu.vector_load %arg8[%swap3A_1350] {strides = array<i32>} : memref<2048xf32, #tpu.memory_space<vmem>>, vector<16xf32>,
    %swap3A_1352 = vector.shape_cast %swap3A_1351 : vector<16xf32> to vector<16xf32>
    %swap3A_1353 = vector.shape_cast %broadcast_in_dim3A_1093 : vector<16xf32> to vector<16xf32>
    tpu.vector_store %arg8[%swap3A_1350], %swap3A_1353 {strides = array<i32>} : memref<2048xf32, #tpu.memory_space<vmem>>, vector<16xf32>,
    %swap3A_1354 = arith.constant 1040 : index
    %swap3A_1355 = tpu.vector_load %arg8[%swap3A_1354] {strides = array<i32>} : memref<2048xf32, #tpu.memory_space<vmem>>, vector<16xf32>,
    %swap3A_1356 = vector.shape_cast %swap3A_1355 : vector<16xf32> to vector<16xf32>
    %swap3A_1357 = vector.shape_cast %broadcast_in_dim3A_1093 : vector<16xf32> to vector<16xf32>
    tpu.vector_store %arg8[%swap3A_1354], %swap3A_1357 {strides = array<i32>} : memref<2048xf32, #tpu.memory_space<vmem>>, vector<16xf32>,
    %swap3A_1358 = arith.constant 1056 : index
    %swap3A_1359 = tpu.vector_load %arg8[%swap3A_1358] {strides = array<i32>} : memref<2048xf32, #tpu.memory_space<vmem>>, vector<16xf32>,
    %swap3A_1360 = vector.shape_cast %swap3A_1359 : vector<16xf32> to vector<16xf32>
    %swap3A_1361 = vector.shape_cast %broadcast_in_dim3A_1093 : vector<16xf32> to vector<16xf32>
    tpu.vector_store %arg8[%swap3A_1358], %swap3A_1361 {strides = array<i32>} : memref<2048xf32, #tpu.memory_space<vmem>>, vector<16xf32>,
    %swap3A_1362 = arith.constant 1072 : index
    %swap3A_1363 = tpu.vector_load %arg8[%swap3A_1362] {strides = array<i32>} : memref<2048xf32, #tpu.memory_space<vmem>>, vector<16xf32>,
    %swap3A_1364 = vector.shape_cast %swap3A_1363 : vector<16xf32> to vector<16xf32>
    %swap3A_1365 = vector.shape_cast %broadcast_in_dim3A_1093 : vector<16xf32> to vector<16xf32>
    tpu.vector_store %arg8[%swap3A_1362], %swap3A_1365 {strides = array<i32>} : memref<2048xf32, #tpu.memory_space<vmem>>, vector<16xf32>,
    %swap3A_1366 = arith.constant 1088 : index
    %swap3A_1367 = tpu.vector_load %arg8[%swap3A_1366] {strides = array<i32>} : memref<2048xf32, #tpu.memory_space<vmem>>, vector<16xf32>,
    %swap3A_1368 = vector.shape_cast %swap3A_1367 : vector<16xf32> to vector<16xf32>
    %swap3A_1369 = vector.shape_cast %broadcast_in_dim3A_1093 : vector<16xf32> to vector<16xf32>
    tpu.vector_store %arg8[%swap3A_1366], %swap3A_1369 {strides = array<i32>} : memref<2048xf32, #tpu.memory_space<vmem>>, vector<16xf32>,
    %swap3A_1370 = arith.constant 1104 : index
    %swap3A_1371 = tpu.vector_load %arg8[%swap3A_1370] {strides = array<i32>} : memref<2048xf32, #tpu.memory_space<vmem>>, vector<16xf32>,
    %swap3A_1372 = vector.shape_cast %swap3A_1371 : vector<16xf32> to vector<16xf32>
    %swap3A_1373 = vector.shape_cast %broadcast_in_dim3A_1093 : vector<16xf32> to vector<16xf32>
    tpu.vector_store %arg8[%swap3A_1370], %swap3A_1373 {strides = array<i32>} : memref<2048xf32, #tpu.memory_space<vmem>>, vector<16xf32>,
    %swap3A_1374 = arith.constant 1120 : index
    %swap3A_1375 = tpu.vector_load %arg8[%swap3A_1374] {strides = array<i32>} : memref<2048xf32, #tpu.memory_space<vmem>>, vector<16xf32>,
    %swap3A_1376 = vector.shape_cast %swap3A_1375 : vector<16xf32> to vector<16xf32>
    %swap3A_1377 = vector.shape_cast %broadcast_in_dim3A_1093 : vector<16xf32> to vector<16xf32>
    tpu.vector_store %arg8[%swap3A_1374], %swap3A_1377 {strides = array<i32>} : memref<2048xf32, #tpu.memory_space<vmem>>, vector<16xf32>,
    %swap3A_1378 = arith.constant 1136 : index
    %swap3A_1379 = tpu.vector_load %arg8[%swap3A_1378] {strides = array<i32>} : memref<2048xf32, #tpu.memory_space<vmem>>, vector<16xf32>,
    %swap3A_1380 = vector.shape_cast %swap3A_1379 : vector<16xf32> to vector<16xf32>
    %swap3A_1381 = vector.shape_cast %broadcast_in_dim3A_1093 : vector<16xf32> to vector<16xf32>
    tpu.vector_store %arg8[%swap3A_1378], %swap3A_1381 {strides = array<i32>} : memref<2048xf32, #tpu.memory_space<vmem>>, vector<16xf32>,
    %swap3A_1382 = arith.constant 1152 : index
    %swap3A_1383 = tpu.vector_load %arg8[%swap3A_1382] {strides = array<i32>} : memref<2048xf32, #tpu.memory_space<vmem>>, vector<16xf32>,
    %swap3A_1384 = vector.shape_cast %swap3A_1383 : vector<16xf32> to vector<16xf32>
    %swap3A_1385 = vector.shape_cast %broadcast_in_dim3A_1093 : vector<16xf32> to vector<16xf32>
    tpu.vector_store %arg8[%swap3A_1382], %swap3A_1385 {strides = array<i32>} : memref<2048xf32, #tpu.memory_space<vmem>>, vector<16xf32>,
    %swap3A_1386 = arith.constant 1168 : index
    %swap3A_1387 = tpu.vector_load %arg8[%swap3A_1386] {strides = array<i32>} : memref<2048xf32, #tpu.memory_space<vmem>>, vector<16xf32>,
    %swap3A_1388 = vector.shape_cast %swap3A_1387 : vector<16xf32> to vector<16xf32>
    %swap3A_1389 = vector.shape_cast %broadcast_in_dim3A_1093 : vector<16xf32> to vector<16xf32>
    tpu.vector_store %arg8[%swap3A_1386], %swap3A_1389 {strides = array<i32>} : memref<2048xf32, #tpu.memory_space<vmem>>, vector<16xf32>,
    %swap3A_1390 = arith.constant 1184 : index
    %swap3A_1391 = tpu.vector_load %arg8[%swap3A_1390] {strides = array<i32>} : memref<2048xf32, #tpu.memory_space<vmem>>, vector<16xf32>,
    %swap3A_1392 = vector.shape_cast %swap3A_1391 : vector<16xf32> to vector<16xf32>
    %swap3A_1393 = vector.shape_cast %broadcast_in_dim3A_1093 : vector<16xf32> to vector<16xf32>
    tpu.vector_store %arg8[%swap3A_1390], %swap3A_1393 {strides = array<i32>} : memref<2048xf32, #tpu.memory_space<vmem>>, vector<16xf32>,
    %swap3A_1394 = arith.constant 1200 : index
    %swap3A_1395 = tpu.vector_load %arg8[%swap3A_1394] {strides = array<i32>} : memref<2048xf32, #tpu.memory_space<vmem>>, vector<16xf32>,
    %swap3A_1396 = vector.shape_cast %swap3A_1395 : vector<16xf32> to vector<16xf32>
    %swap3A_1397 = vector.shape_cast %broadcast_in_dim3A_1093 : vector<16xf32> to vector<16xf32>
    tpu.vector_store %arg8[%swap3A_1394], %swap3A_1397 {strides = array<i32>} : memref<2048xf32, #tpu.memory_space<vmem>>, vector<16xf32>,
    %swap3A_1398 = arith.constant 1216 : index
    %swap3A_1399 = tpu.vector_load %arg8[%swap3A_1398] {strides = array<i32>} : memref<2048xf32, #tpu.memory_space<vmem>>, vector<16xf32>,
    %swap3A_1400 = vector.shape_cast %swap3A_1399 : vector<16xf32> to vector<16xf32>
    %swap3A_1401 = vector.shape_cast %broadcast_in_dim3A_1093 : vector<16xf32> to vector<16xf32>
    tpu.vector_store %arg8[%swap3A_1398], %swap3A_1401 {strides = array<i32>} : memref<2048xf32, #tpu.memory_space<vmem>>, vector<16xf32>,
    %swap3A_1402 = arith.constant 1232 : index
    %swap3A_1403 = tpu.vector_load %arg8[%swap3A_1402] {strides = array<i32>} : memref<2048xf32, #tpu.memory_space<vmem>>, vector<16xf32>,
    %swap3A_1404 = vector.shape_cast %swap3A_1403 : vector<16xf32> to vector<16xf32>
    %swap3A_1405 = vector.shape_cast %broadcast_in_dim3A_1093 : vector<16xf32> to vector<16xf32>
    tpu.vector_store %arg8[%swap3A_1402], %swap3A_1405 {strides = array<i32>} : memref<2048xf32, #tpu.memory_space<vmem>>, vector<16xf32>,
    %swap3A_1406 = arith.constant 1248 : index
    %swap3A_1407 = tpu.vector_load %arg8[%swap3A_1406] {strides = array<i32>} : memref<2048xf32, #tpu.memory_space<vmem>>, vector<16xf32>,
    %swap3A_1408 = vector.shape_cast %swap3A_1407 : vector<16xf32> to vector<16xf32>
    %swap3A_1409 = vector.shape_cast %broadcast_in_dim3A_1093 : vector<16xf32> to vector<16xf32>
    tpu.vector_store %arg8[%swap3A_1406], %swap3A_1409 {strides = array<i32>} : memref<2048xf32, #tpu.memory_space<vmem>>, vector<16xf32>,
    %swap3A_1410 = arith.constant 1264 : index
    %swap3A_1411 = tpu.vector_load %arg8[%swap3A_1410] {strides = array<i32>} : memref<2048xf32, #tpu.memory_space<vmem>>, vector<16xf32>,
    %swap3A_1412 = vector.shape_cast %swap3A_1411 : vector<16xf32> to vector<16xf32>
    %swap3A_1413 = vector.shape_cast %broadcast_in_dim3A_1093 : vector<16xf32> to vector<16xf32>
    tpu.vector_store %arg8[%swap3A_1410], %swap3A_1413 {strides = array<i32>} : memref<2048xf32, #tpu.memory_space<vmem>>, vector<16xf32>,
    %swap3A_1414 = arith.constant 1280 : index
    %swap3A_1415 = tpu.vector_load %arg8[%swap3A_1414] {strides = array<i32>} : memref<2048xf32, #tpu.memory_space<vmem>>, vector<16xf32>,
    %swap3A_1416 = vector.shape_cast %swap3A_1415 : vector<16xf32> to vector<16xf32>
    %swap3A_1417 = vector.shape_cast %broadcast_in_dim3A_1093 : vector<16xf32> to vector<16xf32>
    tpu.vector_store %arg8[%swap3A_1414], %swap3A_1417 {strides = array<i32>} : memref<2048xf32, #tpu.memory_space<vmem>>, vector<16xf32>,
    %swap3A_1418 = arith.constant 1296 : index
    %swap3A_1419 = tpu.vector_load %arg8[%swap3A_1418] {strides = array<i32>} : memref<2048xf32, #tpu.memory_space<vmem>>, vector<16xf32>,
    %swap3A_1420 = vector.shape_cast %swap3A_1419 : vector<16xf32> to vector<16xf32>
    %swap3A_1421 = vector.shape_cast %broadcast_in_dim3A_1093 : vector<16xf32> to vector<16xf32>
    tpu.vector_store %arg8[%swap3A_1418], %swap3A_1421 {strides = array<i32>} : memref<2048xf32, #tpu.memory_space<vmem>>, vector<16xf32>,
    %swap3A_1422 = arith.constant 1312 : index
    %swap3A_1423 = tpu.vector_load %arg8[%swap3A_1422] {strides = array<i32>} : memref<2048xf32, #tpu.memory_space<vmem>>, vector<16xf32>,
    %swap3A_1424 = vector.shape_cast %swap3A_1423 : vector<16xf32> to vector<16xf32>
    %swap3A_1425 = vector.shape_cast %broadcast_in_dim3A_1093 : vector<16xf32> to vector<16xf32>
    tpu.vector_store %arg8[%swap3A_1422], %swap3A_1425 {strides = array<i32>} : memref<2048xf32, #tpu.memory_space<vmem>>, vector<16xf32>,
    %swap3A_1426 = arith.constant 1328 : index
    %swap3A_1427 = tpu.vector_load %arg8[%swap3A_1426] {strides = array<i32>} : memref<2048xf32, #tpu.memory_space<vmem>>, vector<16xf32>,
    %swap3A_1428 = vector.shape_cast %swap3A_1427 : vector<16xf32> to vector<16xf32>
    %swap3A_1429 = vector.shape_cast %broadcast_in_dim3A_1093 : vector<16xf32> to vector<16xf32>
    tpu.vector_store %arg8[%swap3A_1426], %swap3A_1429 {strides = array<i32>} : memref<2048xf32, #tpu.memory_space<vmem>>, vector<16xf32>,
    %swap3A_1430 = arith.constant 1344 : index
    %swap3A_1431 = tpu.vector_load %arg8[%swap3A_1430] {strides = array<i32>} : memref<2048xf32, #tpu.memory_space<vmem>>, vector<16xf32>,
    %swap3A_1432 = vector.shape_cast %swap3A_1431 : vector<16xf32> to vector<16xf32>
    %swap3A_1433 = vector.shape_cast %broadcast_in_dim3A_1093 : vector<16xf32> to vector<16xf32>
    tpu.vector_store %arg8[%swap3A_1430], %swap3A_1433 {strides = array<i32>} : memref<2048xf32, #tpu.memory_space<vmem>>, vector<16xf32>,
    %swap3A_1434 = arith.constant 1360 : index
    %swap3A_1435 = tpu.vector_load %arg8[%swap3A_1434] {strides = array<i32>} : memref<2048xf32, #tpu.memory_space<vmem>>, vector<16xf32>,
    %swap3A_1436 = vector.shape_cast %swap3A_1435 : vector<16xf32> to vector<16xf32>
    %swap3A_1437 = vector.shape_cast %broadcast_in_dim3A_1093 : vector<16xf32> to vector<16xf32>
    tpu.vector_store %arg8[%swap3A_1434], %swap3A_1437 {strides = array<i32>} : memref<2048xf32, #tpu.memory_space<vmem>>, vector<16xf32>,
    %swap3A_1438 = arith.constant 1376 : index
    %swap3A_1439 = tpu.vector_load %arg8[%swap3A_1438] {strides = array<i32>} : memref<2048xf32, #tpu.memory_space<vmem>>, vector<16xf32>,
    %swap3A_1440 = vector.shape_cast %swap3A_1439 : vector<16xf32> to vector<16xf32>
    %swap3A_1441 = vector.shape_cast %broadcast_in_dim3A_1093 : vector<16xf32> to vector<16xf32>
    tpu.vector_store %arg8[%swap3A_1438], %swap3A_1441 {strides = array<i32>} : memref<2048xf32, #tpu.memory_space<vmem>>, vector<16xf32>,
    %swap3A_1442 = arith.constant 1392 : index
    %swap3A_1443 = tpu.vector_load %arg8[%swap3A_1442] {strides = array<i32>} : memref<2048xf32, #tpu.memory_space<vmem>>, vector<16xf32>,
    %swap3A_1444 = vector.shape_cast %swap3A_1443 : vector<16xf32> to vector<16xf32>
    %swap3A_1445 = vector.shape_cast %broadcast_in_dim3A_1093 : vector<16xf32> to vector<16xf32>
    tpu.vector_store %arg8[%swap3A_1442], %swap3A_1445 {strides = array<i32>} : memref<2048xf32, #tpu.memory_space<vmem>>, vector<16xf32>,
    %swap3A_1446 = arith.constant 1408 : index
    %swap3A_1447 = tpu.vector_load %arg8[%swap3A_1446] {strides = array<i32>} : memref<2048xf32, #tpu.memory_space<vmem>>, vector<16xf32>,
    %swap3A_1448 = vector.shape_cast %swap3A_1447 : vector<16xf32> to vector<16xf32>
    %swap3A_1449 = vector.shape_cast %broadcast_in_dim3A_1093 : vector<16xf32> to vector<16xf32>
    tpu.vector_store %arg8[%swap3A_1446], %swap3A_1449 {strides = array<i32>} : memref<2048xf32, #tpu.memory_space<vmem>>, vector<16xf32>,
    %swap3A_1450 = arith.constant 1424 : index
    %swap3A_1451 = tpu.vector_load %arg8[%swap3A_1450] {strides = array<i32>} : memref<2048xf32, #tpu.memory_space<vmem>>, vector<16xf32>,
    %swap3A_1452 = vector.shape_cast %swap3A_1451 : vector<16xf32> to vector<16xf32>
    %swap3A_1453 = vector.shape_cast %broadcast_in_dim3A_1093 : vector<16xf32> to vector<16xf32>
    tpu.vector_store %arg8[%swap3A_1450], %swap3A_1453 {strides = array<i32>} : memref<2048xf32, #tpu.memory_space<vmem>>, vector<16xf32>,
    %swap3A_1454 = arith.constant 1440 : index
    %swap3A_1455 = tpu.vector_load %arg8[%swap3A_1454] {strides = array<i32>} : memref<2048xf32, #tpu.memory_space<vmem>>, vector<16xf32>,
    %swap3A_1456 = vector.shape_cast %swap3A_1455 : vector<16xf32> to vector<16xf32>
    %swap3A_1457 = vector.shape_cast %broadcast_in_dim3A_1093 : vector<16xf32> to vector<16xf32>
    tpu.vector_store %arg8[%swap3A_1454], %swap3A_1457 {strides = array<i32>} : memref<2048xf32, #tpu.memory_space<vmem>>, vector<16xf32>,
    %swap3A_1458 = arith.constant 1456 : index
    %swap3A_1459 = tpu.vector_load %arg8[%swap3A_1458] {strides = array<i32>} : memref<2048xf32, #tpu.memory_space<vmem>>, vector<16xf32>,
    %swap3A_1460 = vector.shape_cast %swap3A_1459 : vector<16xf32> to vector<16xf32>
    %swap3A_1461 = vector.shape_cast %broadcast_in_dim3A_1093 : vector<16xf32> to vector<16xf32>
    tpu.vector_store %arg8[%swap3A_1458], %swap3A_1461 {strides = array<i32>} : memref<2048xf32, #tpu.memory_space<vmem>>, vector<16xf32>,
    %swap3A_1462 = arith.constant 1472 : index
    %swap3A_1463 = tpu.vector_load %arg8[%swap3A_1462] {strides = array<i32>} : memref<2048xf32, #tpu.memory_space<vmem>>, vector<16xf32>,
    %swap3A_1464 = vector.shape_cast %swap3A_1463 : vector<16xf32> to vector<16xf32>
    %swap3A_1465 = vector.shape_cast %broadcast_in_dim3A_1093 : vector<16xf32> to vector<16xf32>
    tpu.vector_store %arg8[%swap3A_1462], %swap3A_1465 {strides = array<i32>} : memref<2048xf32, #tpu.memory_space<vmem>>, vector<16xf32>,
    %swap3A_1466 = arith.constant 1488 : index
    %swap3A_1467 = tpu.vector_load %arg8[%swap3A_1466] {strides = array<i32>} : memref<2048xf32, #tpu.memory_space<vmem>>, vector<16xf32>,
    %swap3A_1468 = vector.shape_cast %swap3A_1467 : vector<16xf32> to vector<16xf32>
    %swap3A_1469 = vector.shape_cast %broadcast_in_dim3A_1093 : vector<16xf32> to vector<16xf32>
    tpu.vector_store %arg8[%swap3A_1466], %swap3A_1469 {strides = array<i32>} : memref<2048xf32, #tpu.memory_space<vmem>>, vector<16xf32>,
    %swap3A_1470 = arith.constant 1504 : index
    %swap3A_1471 = tpu.vector_load %arg8[%swap3A_1470] {strides = array<i32>} : memref<2048xf32, #tpu.memory_space<vmem>>, vector<16xf32>,
    %swap3A_1472 = vector.shape_cast %swap3A_1471 : vector<16xf32> to vector<16xf32>
    %swap3A_1473 = vector.shape_cast %broadcast_in_dim3A_1093 : vector<16xf32> to vector<16xf32>
    tpu.vector_store %arg8[%swap3A_1470], %swap3A_1473 {strides = array<i32>} : memref<2048xf32, #tpu.memory_space<vmem>>, vector<16xf32>,
    %swap3A_1474 = arith.constant 1520 : index
    %swap3A_1475 = tpu.vector_load %arg8[%swap3A_1474] {strides = array<i32>} : memref<2048xf32, #tpu.memory_space<vmem>>, vector<16xf32>,
    %swap3A_1476 = vector.shape_cast %swap3A_1475 : vector<16xf32> to vector<16xf32>
    %swap3A_1477 = vector.shape_cast %broadcast_in_dim3A_1093 : vector<16xf32> to vector<16xf32>
    tpu.vector_store %arg8[%swap3A_1474], %swap3A_1477 {strides = array<i32>} : memref<2048xf32, #tpu.memory_space<vmem>>, vector<16xf32>,
    %swap3A_1478 = arith.constant 1536 : index
    %swap3A_1479 = tpu.vector_load %arg8[%swap3A_1478] {strides = array<i32>} : memref<2048xf32, #tpu.memory_space<vmem>>, vector<16xf32>,
    %swap3A_1480 = vector.shape_cast %swap3A_1479 : vector<16xf32> to vector<16xf32>
    %swap3A_1481 = vector.shape_cast %broadcast_in_dim3A_1093 : vector<16xf32> to vector<16xf32>
    tpu.vector_store %arg8[%swap3A_1478], %swap3A_1481 {strides = array<i32>} : memref<2048xf32, #tpu.memory_space<vmem>>, vector<16xf32>,
    %swap3A_1482 = arith.constant 1552 : index
    %swap3A_1483 = tpu.vector_load %arg8[%swap3A_1482] {strides = array<i32>} : memref<2048xf32, #tpu.memory_space<vmem>>, vector<16xf32>,
    %swap3A_1484 = vector.shape_cast %swap3A_1483 : vector<16xf32> to vector<16xf32>
    %swap3A_1485 = vector.shape_cast %broadcast_in_dim3A_1093 : vector<16xf32> to vector<16xf32>
    tpu.vector_store %arg8[%swap3A_1482], %swap3A_1485 {strides = array<i32>} : memref<2048xf32, #tpu.memory_space<vmem>>, vector<16xf32>,
    %swap3A_1486 = arith.constant 1568 : index
    %swap3A_1487 = tpu.vector_load %arg8[%swap3A_1486] {strides = array<i32>} : memref<2048xf32, #tpu.memory_space<vmem>>, vector<16xf32>,
    %swap3A_1488 = vector.shape_cast %swap3A_1487 : vector<16xf32> to vector<16xf32>
    %swap3A_1489 = vector.shape_cast %broadcast_in_dim3A_1093 : vector<16xf32> to vector<16xf32>
    tpu.vector_store %arg8[%swap3A_1486], %swap3A_1489 {strides = array<i32>} : memref<2048xf32, #tpu.memory_space<vmem>>, vector<16xf32>,
    %swap3A_1490 = arith.constant 1584 : index
    %swap3A_1491 = tpu.vector_load %arg8[%swap3A_1490] {strides = array<i32>} : memref<2048xf32, #tpu.memory_space<vmem>>, vector<16xf32>,
    %swap3A_1492 = vector.shape_cast %swap3A_1491 : vector<16xf32> to vector<16xf32>
    %swap3A_1493 = vector.shape_cast %broadcast_in_dim3A_1093 : vector<16xf32> to vector<16xf32>
    tpu.vector_store %arg8[%swap3A_1490], %swap3A_1493 {strides = array<i32>} : memref<2048xf32, #tpu.memory_space<vmem>>, vector<16xf32>,
    %swap3A_1494 = arith.constant 1600 : index
    %swap3A_1495 = tpu.vector_load %arg8[%swap3A_1494] {strides = array<i32>} : memref<2048xf32, #tpu.memory_space<vmem>>, vector<16xf32>,
    %swap3A_1496 = vector.shape_cast %swap3A_1495 : vector<16xf32> to vector<16xf32>
    %swap3A_1497 = vector.shape_cast %broadcast_in_dim3A_1093 : vector<16xf32> to vector<16xf32>
    tpu.vector_store %arg8[%swap3A_1494], %swap3A_1497 {strides = array<i32>} : memref<2048xf32, #tpu.memory_space<vmem>>, vector<16xf32>,
    %swap3A_1498 = arith.constant 1616 : index
    %swap3A_1499 = tpu.vector_load %arg8[%swap3A_1498] {strides = array<i32>} : memref<2048xf32, #tpu.memory_space<vmem>>, vector<16xf32>,
    %swap3A_1500 = vector.shape_cast %swap3A_1499 : vector<16xf32> to vector<16xf32>
    %swap3A_1501 = vector.shape_cast %broadcast_in_dim3A_1093 : vector<16xf32> to vector<16xf32>
    tpu.vector_store %arg8[%swap3A_1498], %swap3A_1501 {strides = array<i32>} : memref<2048xf32, #tpu.memory_space<vmem>>, vector<16xf32>,
    %swap3A_1502 = arith.constant 1632 : index
    %swap3A_1503 = tpu.vector_load %arg8[%swap3A_1502] {strides = array<i32>} : memref<2048xf32, #tpu.memory_space<vmem>>, vector<16xf32>,
    %swap3A_1504 = vector.shape_cast %swap3A_1503 : vector<16xf32> to vector<16xf32>
    %swap3A_1505 = vector.shape_cast %broadcast_in_dim3A_1093 : vector<16xf32> to vector<16xf32>
    tpu.vector_store %arg8[%swap3A_1502], %swap3A_1505 {strides = array<i32>} : memref<2048xf32, #tpu.memory_space<vmem>>, vector<16xf32>,
    %swap3A_1506 = arith.constant 1648 : index
    %swap3A_1507 = tpu.vector_load %arg8[%swap3A_1506] {strides = array<i32>} : memref<2048xf32, #tpu.memory_space<vmem>>, vector<16xf32>,
    %swap3A_1508 = vector.shape_cast %swap3A_1507 : vector<16xf32> to vector<16xf32>
    %swap3A_1509 = vector.shape_cast %broadcast_in_dim3A_1093 : vector<16xf32> to vector<16xf32>
    tpu.vector_store %arg8[%swap3A_1506], %swap3A_1509 {strides = array<i32>} : memref<2048xf32, #tpu.memory_space<vmem>>, vector<16xf32>,
    %swap3A_1510 = arith.constant 1664 : index
    %swap3A_1511 = tpu.vector_load %arg8[%swap3A_1510] {strides = array<i32>} : memref<2048xf32, #tpu.memory_space<vmem>>, vector<16xf32>,
    %swap3A_1512 = vector.shape_cast %swap3A_1511 : vector<16xf32> to vector<16xf32>
    %swap3A_1513 = vector.shape_cast %broadcast_in_dim3A_1093 : vector<16xf32> to vector<16xf32>
    tpu.vector_store %arg8[%swap3A_1510], %swap3A_1513 {strides = array<i32>} : memref<2048xf32, #tpu.memory_space<vmem>>, vector<16xf32>,
    %swap3A_1514 = arith.constant 1680 : index
    %swap3A_1515 = tpu.vector_load %arg8[%swap3A_1514] {strides = array<i32>} : memref<2048xf32, #tpu.memory_space<vmem>>, vector<16xf32>,
    %swap3A_1516 = vector.shape_cast %swap3A_1515 : vector<16xf32> to vector<16xf32>
    %swap3A_1517 = vector.shape_cast %broadcast_in_dim3A_1093 : vector<16xf32> to vector<16xf32>
    tpu.vector_store %arg8[%swap3A_1514], %swap3A_1517 {strides = array<i32>} : memref<2048xf32, #tpu.memory_space<vmem>>, vector<16xf32>,
    %swap3A_1518 = arith.constant 1696 : index
    %swap3A_1519 = tpu.vector_load %arg8[%swap3A_1518] {strides = array<i32>} : memref<2048xf32, #tpu.memory_space<vmem>>, vector<16xf32>,
    %swap3A_1520 = vector.shape_cast %swap3A_1519 : vector<16xf32> to vector<16xf32>
    %swap3A_1521 = vector.shape_cast %broadcast_in_dim3A_1093 : vector<16xf32> to vector<16xf32>
    tpu.vector_store %arg8[%swap3A_1518], %swap3A_1521 {strides = array<i32>} : memref<2048xf32, #tpu.memory_space<vmem>>, vector<16xf32>,
    %swap3A_1522 = arith.constant 1712 : index
    %swap3A_1523 = tpu.vector_load %arg8[%swap3A_1522] {strides = array<i32>} : memref<2048xf32, #tpu.memory_space<vmem>>, vector<16xf32>,
    %swap3A_1524 = vector.shape_cast %swap3A_1523 : vector<16xf32> to vector<16xf32>
    %swap3A_1525 = vector.shape_cast %broadcast_in_dim3A_1093 : vector<16xf32> to vector<16xf32>
    tpu.vector_store %arg8[%swap3A_1522], %swap3A_1525 {strides = array<i32>} : memref<2048xf32, #tpu.memory_space<vmem>>, vector<16xf32>,
    %swap3A_1526 = arith.constant 1728 : index
    %swap3A_1527 = tpu.vector_load %arg8[%swap3A_1526] {strides = array<i32>} : memref<2048xf32, #tpu.memory_space<vmem>>, vector<16xf32>,
    %swap3A_1528 = vector.shape_cast %swap3A_1527 : vector<16xf32> to vector<16xf32>
    %swap3A_1529 = vector.shape_cast %broadcast_in_dim3A_1093 : vector<16xf32> to vector<16xf32>
    tpu.vector_store %arg8[%swap3A_1526], %swap3A_1529 {strides = array<i32>} : memref<2048xf32, #tpu.memory_space<vmem>>, vector<16xf32>,
    %swap3A_1530 = arith.constant 1744 : index
    %swap3A_1531 = tpu.vector_load %arg8[%swap3A_1530] {strides = array<i32>} : memref<2048xf32, #tpu.memory_space<vmem>>, vector<16xf32>,
    %swap3A_1532 = vector.shape_cast %swap3A_1531 : vector<16xf32> to vector<16xf32>
    %swap3A_1533 = vector.shape_cast %broadcast_in_dim3A_1093 : vector<16xf32> to vector<16xf32>
    tpu.vector_store %arg8[%swap3A_1530], %swap3A_1533 {strides = array<i32>} : memref<2048xf32, #tpu.memory_space<vmem>>, vector<16xf32>,
    %swap3A_1534 = arith.constant 1760 : index
    %swap3A_1535 = tpu.vector_load %arg8[%swap3A_1534] {strides = array<i32>} : memref<2048xf32, #tpu.memory_space<vmem>>, vector<16xf32>,
    %swap3A_1536 = vector.shape_cast %swap3A_1535 : vector<16xf32> to vector<16xf32>
    %swap3A_1537 = vector.shape_cast %broadcast_in_dim3A_1093 : vector<16xf32> to vector<16xf32>
    tpu.vector_store %arg8[%swap3A_1534], %swap3A_1537 {strides = array<i32>} : memref<2048xf32, #tpu.memory_space<vmem>>, vector<16xf32>,
    %swap3A_1538 = arith.constant 1776 : index
    %swap3A_1539 = tpu.vector_load %arg8[%swap3A_1538] {strides = array<i32>} : memref<2048xf32, #tpu.memory_space<vmem>>, vector<16xf32>,
    %swap3A_1540 = vector.shape_cast %swap3A_1539 : vector<16xf32> to vector<16xf32>
    %swap3A_1541 = vector.shape_cast %broadcast_in_dim3A_1093 : vector<16xf32> to vector<16xf32>
    tpu.vector_store %arg8[%swap3A_1538], %swap3A_1541 {strides = array<i32>} : memref<2048xf32, #tpu.memory_space<vmem>>, vector<16xf32>,
    %swap3A_1542 = arith.constant 1792 : index
    %swap3A_1543 = tpu.vector_load %arg8[%swap3A_1542] {strides = array<i32>} : memref<2048xf32, #tpu.memory_space<vmem>>, vector<16xf32>,
    %swap3A_1544 = vector.shape_cast %swap3A_1543 : vector<16xf32> to vector<16xf32>
    %swap3A_1545 = vector.shape_cast %broadcast_in_dim3A_1093 : vector<16xf32> to vector<16xf32>
    tpu.vector_store %arg8[%swap3A_1542], %swap3A_1545 {strides = array<i32>} : memref<2048xf32, #tpu.memory_space<vmem>>, vector<16xf32>,
    %swap3A_1546 = arith.constant 1808 : index
    %swap3A_1547 = tpu.vector_load %arg8[%swap3A_1546] {strides = array<i32>} : memref<2048xf32, #tpu.memory_space<vmem>>, vector<16xf32>,
    %swap3A_1548 = vector.shape_cast %swap3A_1547 : vector<16xf32> to vector<16xf32>
    %swap3A_1549 = vector.shape_cast %broadcast_in_dim3A_1093 : vector<16xf32> to vector<16xf32>
    tpu.vector_store %arg8[%swap3A_1546], %swap3A_1549 {strides = array<i32>} : memref<2048xf32, #tpu.memory_space<vmem>>, vector<16xf32>,
    %swap3A_1550 = arith.constant 1824 : index
    %swap3A_1551 = tpu.vector_load %arg8[%swap3A_1550] {strides = array<i32>} : memref<2048xf32, #tpu.memory_space<vmem>>, vector<16xf32>,
    %swap3A_1552 = vector.shape_cast %swap3A_1551 : vector<16xf32> to vector<16xf32>
    %swap3A_1553 = vector.shape_cast %broadcast_in_dim3A_1093 : vector<16xf32> to vector<16xf32>
    tpu.vector_store %arg8[%swap3A_1550], %swap3A_1553 {strides = array<i32>} : memref<2048xf32, #tpu.memory_space<vmem>>, vector<16xf32>,
    %swap3A_1554 = arith.constant 1840 : index
    %swap3A_1555 = tpu.vector_load %arg8[%swap3A_1554] {strides = array<i32>} : memref<2048xf32, #tpu.memory_space<vmem>>, vector<16xf32>,
    %swap3A_1556 = vector.shape_cast %swap3A_1555 : vector<16xf32> to vector<16xf32>
    %swap3A_1557 = vector.shape_cast %broadcast_in_dim3A_1093 : vector<16xf32> to vector<16xf32>
    tpu.vector_store %arg8[%swap3A_1554], %swap3A_1557 {strides = array<i32>} : memref<2048xf32, #tpu.memory_space<vmem>>, vector<16xf32>,
    %swap3A_1558 = arith.constant 1856 : index
    %swap3A_1559 = tpu.vector_load %arg8[%swap3A_1558] {strides = array<i32>} : memref<2048xf32, #tpu.memory_space<vmem>>, vector<16xf32>,
    %swap3A_1560 = vector.shape_cast %swap3A_1559 : vector<16xf32> to vector<16xf32>
    %swap3A_1561 = vector.shape_cast %broadcast_in_dim3A_1093 : vector<16xf32> to vector<16xf32>
    tpu.vector_store %arg8[%swap3A_1558], %swap3A_1561 {strides = array<i32>} : memref<2048xf32, #tpu.memory_space<vmem>>, vector<16xf32>,
    %swap3A_1562 = arith.constant 1872 : index
    %swap3A_1563 = tpu.vector_load %arg8[%swap3A_1562] {strides = array<i32>} : memref<2048xf32, #tpu.memory_space<vmem>>, vector<16xf32>,
    %swap3A_1564 = vector.shape_cast %swap3A_1563 : vector<16xf32> to vector<16xf32>
    %swap3A_1565 = vector.shape_cast %broadcast_in_dim3A_1093 : vector<16xf32> to vector<16xf32>
    tpu.vector_store %arg8[%swap3A_1562], %swap3A_1565 {strides = array<i32>} : memref<2048xf32, #tpu.memory_space<vmem>>, vector<16xf32>,
    %swap3A_1566 = arith.constant 1888 : index
    %swap3A_1567 = tpu.vector_load %arg8[%swap3A_1566] {strides = array<i32>} : memref<2048xf32, #tpu.memory_space<vmem>>, vector<16xf32>,
    %swap3A_1568 = vector.shape_cast %swap3A_1567 : vector<16xf32> to vector<16xf32>
    %swap3A_1569 = vector.shape_cast %broadcast_in_dim3A_1093 : vector<16xf32> to vector<16xf32>
    tpu.vector_store %arg8[%swap3A_1566], %swap3A_1569 {strides = array<i32>} : memref<2048xf32, #tpu.memory_space<vmem>>, vector<16xf32>,
    %swap3A_1570 = arith.constant 1904 : index
    %swap3A_1571 = tpu.vector_load %arg8[%swap3A_1570] {strides = array<i32>} : memref<2048xf32, #tpu.memory_space<vmem>>, vector<16xf32>,
    %swap3A_1572 = vector.shape_cast %swap3A_1571 : vector<16xf32> to vector<16xf32>
    %swap3A_1573 = vector.shape_cast %broadcast_in_dim3A_1093 : vector<16xf32> to vector<16xf32>
    tpu.vector_store %arg8[%swap3A_1570], %swap3A_1573 {strides = array<i32>} : memref<2048xf32, #tpu.memory_space<vmem>>, vector<16xf32>,
    %swap3A_1574 = arith.constant 1920 : index
    %swap3A_1575 = tpu.vector_load %arg8[%swap3A_1574] {strides = array<i32>} : memref<2048xf32, #tpu.memory_space<vmem>>, vector<16xf32>,
    %swap3A_1576 = vector.shape_cast %swap3A_1575 : vector<16xf32> to vector<16xf32>
    %swap3A_1577 = vector.shape_cast %broadcast_in_dim3A_1093 : vector<16xf32> to vector<16xf32>
    tpu.vector_store %arg8[%swap3A_1574], %swap3A_1577 {strides = array<i32>} : memref<2048xf32, #tpu.memory_space<vmem>>, vector<16xf32>,
    %swap3A_1578 = arith.constant 1936 : index
    %swap3A_1579 = tpu.vector_load %arg8[%swap3A_1578] {strides = array<i32>} : memref<2048xf32, #tpu.memory_space<vmem>>, vector<16xf32>,
    %swap3A_1580 = vector.shape_cast %swap3A_1579 : vector<16xf32> to vector<16xf32>
    %swap3A_1581 = vector.shape_cast %broadcast_in_dim3A_1093 : vector<16xf32> to vector<16xf32>
    tpu.vector_store %arg8[%swap3A_1578], %swap3A_1581 {strides = array<i32>} : memref<2048xf32, #tpu.memory_space<vmem>>, vector<16xf32>,
    %swap3A_1582 = arith.constant 1952 : index
    %swap3A_1583 = tpu.vector_load %arg8[%swap3A_1582] {strides = array<i32>} : memref<2048xf32, #tpu.memory_space<vmem>>, vector<16xf32>,
    %swap3A_1584 = vector.shape_cast %swap3A_1583 : vector<16xf32> to vector<16xf32>
    %swap3A_1585 = vector.shape_cast %broadcast_in_dim3A_1093 : vector<16xf32> to vector<16xf32>
    tpu.vector_store %arg8[%swap3A_1582], %swap3A_1585 {strides = array<i32>} : memref<2048xf32, #tpu.memory_space<vmem>>, vector<16xf32>,
    %swap3A_1586 = arith.constant 1968 : index
    %swap3A_1587 = tpu.vector_load %arg8[%swap3A_1586] {strides = array<i32>} : memref<2048xf32, #tpu.memory_space<vmem>>, vector<16xf32>,
    %swap3A_1588 = vector.shape_cast %swap3A_1587 : vector<16xf32> to vector<16xf32>
    %swap3A_1589 = vector.shape_cast %broadcast_in_dim3A_1093 : vector<16xf32> to vector<16xf32>
    tpu.vector_store %arg8[%swap3A_1586], %swap3A_1589 {strides = array<i32>} : memref<2048xf32, #tpu.memory_space<vmem>>, vector<16xf32>,
    %swap3A_1590 = arith.constant 1984 : index
    %swap3A_1591 = tpu.vector_load %arg8[%swap3A_1590] {strides = array<i32>} : memref<2048xf32, #tpu.memory_space<vmem>>, vector<16xf32>,
    %swap3A_1592 = vector.shape_cast %swap3A_1591 : vector<16xf32> to vector<16xf32>
    %swap3A_1593 = vector.shape_cast %broadcast_in_dim3A_1093 : vector<16xf32> to vector<16xf32>
    tpu.vector_store %arg8[%swap3A_1590], %swap3A_1593 {strides = array<i32>} : memref<2048xf32, #tpu.memory_space<vmem>>, vector<16xf32>,
    %swap3A_1594 = arith.constant 2000 : index
    %swap3A_1595 = tpu.vector_load %arg8[%swap3A_1594] {strides = array<i32>} : memref<2048xf32, #tpu.memory_space<vmem>>, vector<16xf32>,
    %swap3A_1596 = vector.shape_cast %swap3A_1595 : vector<16xf32> to vector<16xf32>
    %swap3A_1597 = vector.shape_cast %broadcast_in_dim3A_1093 : vector<16xf32> to vector<16xf32>
    tpu.vector_store %arg8[%swap3A_1594], %swap3A_1597 {strides = array<i32>} : memref<2048xf32, #tpu.memory_space<vmem>>, vector<16xf32>,
    %swap3A_1598 = arith.constant 2016 : index
    %swap3A_1599 = tpu.vector_load %arg8[%swap3A_1598] {strides = array<i32>} : memref<2048xf32, #tpu.memory_space<vmem>>, vector<16xf32>,
    %swap3A_1600 = vector.shape_cast %swap3A_1599 : vector<16xf32> to vector<16xf32>
    %swap3A_1601 = vector.shape_cast %broadcast_in_dim3A_1093 : vector<16xf32> to vector<16xf32>
    tpu.vector_store %arg8[%swap3A_1598], %swap3A_1601 {strides = array<i32>} : memref<2048xf32, #tpu.memory_space<vmem>>, vector<16xf32>,
    %swap3A_1602 = arith.constant 2032 : index
    %swap3A_1603 = tpu.vector_load %arg8[%swap3A_1602] {strides = array<i32>} : memref<2048xf32, #tpu.memory_space<vmem>>, vector<16xf32>,
    %swap3A_1604 = vector.shape_cast %swap3A_1603 : vector<16xf32> to vector<16xf32>
    %swap3A_1605 = vector.shape_cast %broadcast_in_dim3A_1093 : vector<16xf32> to vector<16xf32>
    tpu.vector_store %arg8[%swap3A_1602], %swap3A_1605 {strides = array<i32>} : memref<2048xf32, #tpu.memory_space<vmem>>, vector<16xf32>,
    "tpu.region"() ({
      %run_scoped3A_2141 = tpu.sem_alloc : memref<!tpu.dma_semaphore, #tpu.memory_space<semaphore_mem>>
      %dma_start3A = tpu.memref_slice %arg11[%mul3A_6] : memref<32768xf32, #tpu.memory_space<vmem_shared>> -> memref<2048xf32, #tpu.memory_space<vmem_shared>>
      %dma_start3A_2142 = tpu.memref_slice %arg11[%mul3A_6] : memref<32768xf32, #tpu.memory_space<vmem_shared>> -> memref<2048xf32, #tpu.memory_space<vmem_shared>>
      tpu.enqueue_dma source(%arg8 : memref<2048xf32, #tpu.memory_space<vmem>>) target(%dma_start3A_2142 : memref<2048xf32, #tpu.memory_space<vmem_shared>>) target_semaphore(%run_scoped3A_2141 : memref<!tpu.dma_semaphore, #tpu.memory_space<semaphore_mem>>)
      %dma_wait3A = tpu.memref_slice %arg11[%mul3A_6] : memref<32768xf32, #tpu.memory_space<vmem_shared>> -> memref<2048xf32, #tpu.memory_space<vmem_shared>>
      %dma_wait3A_2143 = tpu.memref_slice %arg11[%mul3A_6] : memref<32768xf32, #tpu.memory_space<vmem_shared>> -> memref<2048xf32, #tpu.memory_space<vmem_shared>>
      tpu.wait_dma2 semaphore(%run_scoped3A_2141 : memref<!tpu.dma_semaphore, #tpu.memory_space<semaphore_mem>>) src(%arg8 : memref<2048xf32, #tpu.memory_space<vmem>>) dst(%dma_wait3A_2143 : memref<2048xf32, #tpu.memory_space<vmem_shared>>)
      tpu.yield
    }) : () -> ()
    %run_scoped3A = arith.constant 0 : i32
    %run_scoped3A_1606 = arith.constant 0 : i32
    "tpu.region"() ({
      %run_scoped3A_2141 = tpu.sem_alloc : memref<!tpu.dma_semaphore, #tpu.memory_space<semaphore_mem>>
      %dma_start3A = arith.constant 0 : i32
      %dma_start3A_2142 = tpu.memref_slice %arg5[%run_scoped3A, %dma_start3A] : memref<8x128xf32, #tpu.memory_space<vmem>> -> memref<1x128xf32, #tpu.memory_space<vmem>>
      %dma_start3A_2143 = tpu.memref_squeeze %dma_start3A_2142 : memref<1x128xf32, #tpu.memory_space<vmem>> -> memref<128xf32, #tpu.memory_space<vmem>>
      %dma_start3A_2144 = arith.constant 0 : i32
      %dma_start3A_2145 = tpu.memref_slice %arg7[%run_scoped3A_1606, %dma_start3A_2144] : memref<8x128xi32, #tpu.memory_space<vmem>> -> memref<1x128xi32, #tpu.memory_space<vmem>>
      %dma_start3A_2146 = tpu.memref_squeeze %dma_start3A_2145 : memref<1x128xi32, #tpu.memory_space<vmem>> -> memref<128xi32, #tpu.memory_space<vmem>>
      %dma_start3A_2147 = arith.constant 0 : i32
      %dma_start3A_2148 = tpu.memref_slice %arg11[%dma_start3A_2147] : memref<32768xf32, #tpu.memory_space<vmem_shared>> -> memref<32768xf32, #tpu.memory_space<vmem_shared>>
      tpu.enqueue_indirect_dma source(%dma_start3A_2143 : memref<128xf32, #tpu.memory_space<vmem>>) target(%dma_start3A_2148 : memref<32768xf32, #tpu.memory_space<vmem_shared>>) offsets(%dma_start3A_2146 : memref<128xi32, #tpu.memory_space<vmem>>) semaphore(%run_scoped3A_2141 : memref<!tpu.dma_semaphore, #tpu.memory_space<semaphore_mem>>) {add = true}
      %dma_wait3A = arith.constant 0 : i32
      %dma_wait3A_2149 = tpu.memref_slice %arg5[%run_scoped3A, %dma_wait3A] : memref<8x128xf32, #tpu.memory_space<vmem>> -> memref<1x128xf32, #tpu.memory_space<vmem>>
      %dma_wait3A_2150 = tpu.memref_squeeze %dma_wait3A_2149 : memref<1x128xf32, #tpu.memory_space<vmem>> -> memref<128xf32, #tpu.memory_space<vmem>>
      %dma_wait3A_2151 = arith.constant 0 : i32
      %dma_wait3A_2152 = tpu.memref_slice %arg7[%run_scoped3A_1606, %dma_wait3A_2151] : memref<8x128xi32, #tpu.memory_space<vmem>> -> memref<1x128xi32, #tpu.memory_space<vmem>>
      %dma_wait3A_2153 = tpu.memref_squeeze %dma_wait3A_2152 : memref<1x128xi32, #tpu.memory_space<vmem>> -> memref<128xi32, #tpu.memory_space<vmem>>
      %dma_wait3A_2154 = arith.constant 0 : i32
      %dma_wait3A_2155 = tpu.memref_slice %arg11[%dma_wait3A_2154] : memref<32768xf32, #tpu.memory_space<vmem_shared>> -> memref<32768xf32, #tpu.memory_space<vmem_shared>>
      tpu.wait_indirect_dma semaphore(%run_scoped3A_2141 : memref<!tpu.dma_semaphore, #tpu.memory_space<semaphore_mem>>) src(%dma_wait3A_2150 : memref<128xf32, #tpu.memory_space<vmem>>) dst(%dma_wait3A_2155 : memref<32768xf32, #tpu.memory_space<vmem_shared>>)
      tpu.yield
    }) : () -> ()
    %run_scoped3A_1607 = arith.constant 1 : i32
    %run_scoped3A_1608 = arith.constant 1 : i32
    "tpu.region"() ({
      %run_scoped3A_2141 = tpu.sem_alloc : memref<!tpu.dma_semaphore, #tpu.memory_space<semaphore_mem>>
      %dma_start3A = arith.constant 0 : i32
      %dma_start3A_2142 = tpu.memref_slice %arg5[%run_scoped3A_1607, %dma_start3A] : memref<8x128xf32, #tpu.memory_space<vmem>> -> memref<1x128xf32, #tpu.memory_space<vmem>>
      %dma_start3A_2143 = tpu.memref_squeeze %dma_start3A_2142 : memref<1x128xf32, #tpu.memory_space<vmem>> -> memref<128xf32, #tpu.memory_space<vmem>>
      %dma_start3A_2144 = arith.constant 0 : i32
      %dma_start3A_2145 = tpu.memref_slice %arg7[%run_scoped3A_1608, %dma_start3A_2144] : memref<8x128xi32, #tpu.memory_space<vmem>> -> memref<1x128xi32, #tpu.memory_space<vmem>>
      %dma_start3A_2146 = tpu.memref_squeeze %dma_start3A_2145 : memref<1x128xi32, #tpu.memory_space<vmem>> -> memref<128xi32, #tpu.memory_space<vmem>>
      %dma_start3A_2147 = arith.constant 0 : i32
      %dma_start3A_2148 = tpu.memref_slice %arg11[%dma_start3A_2147] : memref<32768xf32, #tpu.memory_space<vmem_shared>> -> memref<32768xf32, #tpu.memory_space<vmem_shared>>
      tpu.enqueue_indirect_dma source(%dma_start3A_2143 : memref<128xf32, #tpu.memory_space<vmem>>) target(%dma_start3A_2148 : memref<32768xf32, #tpu.memory_space<vmem_shared>>) offsets(%dma_start3A_2146 : memref<128xi32, #tpu.memory_space<vmem>>) semaphore(%run_scoped3A_2141 : memref<!tpu.dma_semaphore, #tpu.memory_space<semaphore_mem>>) {add = true}
      %dma_wait3A = arith.constant 0 : i32
      %dma_wait3A_2149 = tpu.memref_slice %arg5[%run_scoped3A_1607, %dma_wait3A] : memref<8x128xf32, #tpu.memory_space<vmem>> -> memref<1x128xf32, #tpu.memory_space<vmem>>
      %dma_wait3A_2150 = tpu.memref_squeeze %dma_wait3A_2149 : memref<1x128xf32, #tpu.memory_space<vmem>> -> memref<128xf32, #tpu.memory_space<vmem>>
      %dma_wait3A_2151 = arith.constant 0 : i32
      %dma_wait3A_2152 = tpu.memref_slice %arg7[%run_scoped3A_1608, %dma_wait3A_2151] : memref<8x128xi32, #tpu.memory_space<vmem>> -> memref<1x128xi32, #tpu.memory_space<vmem>>
      %dma_wait3A_2153 = tpu.memref_squeeze %dma_wait3A_2152 : memref<1x128xi32, #tpu.memory_space<vmem>> -> memref<128xi32, #tpu.memory_space<vmem>>
      %dma_wait3A_2154 = arith.constant 0 : i32
      %dma_wait3A_2155 = tpu.memref_slice %arg11[%dma_wait3A_2154] : memref<32768xf32, #tpu.memory_space<vmem_shared>> -> memref<32768xf32, #tpu.memory_space<vmem_shared>>
      tpu.wait_indirect_dma semaphore(%run_scoped3A_2141 : memref<!tpu.dma_semaphore, #tpu.memory_space<semaphore_mem>>) src(%dma_wait3A_2150 : memref<128xf32, #tpu.memory_space<vmem>>) dst(%dma_wait3A_2155 : memref<32768xf32, #tpu.memory_space<vmem_shared>>)
      tpu.yield
    }) : () -> ()
    %run_scoped3A_1609 = arith.constant 2 : i32
    %run_scoped3A_1610 = arith.constant 2 : i32
    "tpu.region"() ({
      %run_scoped3A_2141 = tpu.sem_alloc : memref<!tpu.dma_semaphore, #tpu.memory_space<semaphore_mem>>
      %dma_start3A = arith.constant 0 : i32
      %dma_start3A_2142 = tpu.memref_slice %arg5[%run_scoped3A_1609, %dma_start3A] : memref<8x128xf32, #tpu.memory_space<vmem>> -> memref<1x128xf32, #tpu.memory_space<vmem>>
      %dma_start3A_2143 = tpu.memref_squeeze %dma_start3A_2142 : memref<1x128xf32, #tpu.memory_space<vmem>> -> memref<128xf32, #tpu.memory_space<vmem>>
      %dma_start3A_2144 = arith.constant 0 : i32
      %dma_start3A_2145 = tpu.memref_slice %arg7[%run_scoped3A_1610, %dma_start3A_2144] : memref<8x128xi32, #tpu.memory_space<vmem>> -> memref<1x128xi32, #tpu.memory_space<vmem>>
      %dma_start3A_2146 = tpu.memref_squeeze %dma_start3A_2145 : memref<1x128xi32, #tpu.memory_space<vmem>> -> memref<128xi32, #tpu.memory_space<vmem>>
      %dma_start3A_2147 = arith.constant 0 : i32
      %dma_start3A_2148 = tpu.memref_slice %arg11[%dma_start3A_2147] : memref<32768xf32, #tpu.memory_space<vmem_shared>> -> memref<32768xf32, #tpu.memory_space<vmem_shared>>
      tpu.enqueue_indirect_dma source(%dma_start3A_2143 : memref<128xf32, #tpu.memory_space<vmem>>) target(%dma_start3A_2148 : memref<32768xf32, #tpu.memory_space<vmem_shared>>) offsets(%dma_start3A_2146 : memref<128xi32, #tpu.memory_space<vmem>>) semaphore(%run_scoped3A_2141 : memref<!tpu.dma_semaphore, #tpu.memory_space<semaphore_mem>>) {add = true}
      %dma_wait3A = arith.constant 0 : i32
      %dma_wait3A_2149 = tpu.memref_slice %arg5[%run_scoped3A_1609, %dma_wait3A] : memref<8x128xf32, #tpu.memory_space<vmem>> -> memref<1x128xf32, #tpu.memory_space<vmem>>
      %dma_wait3A_2150 = tpu.memref_squeeze %dma_wait3A_2149 : memref<1x128xf32, #tpu.memory_space<vmem>> -> memref<128xf32, #tpu.memory_space<vmem>>
      %dma_wait3A_2151 = arith.constant 0 : i32
      %dma_wait3A_2152 = tpu.memref_slice %arg7[%run_scoped3A_1610, %dma_wait3A_2151] : memref<8x128xi32, #tpu.memory_space<vmem>> -> memref<1x128xi32, #tpu.memory_space<vmem>>
      %dma_wait3A_2153 = tpu.memref_squeeze %dma_wait3A_2152 : memref<1x128xi32, #tpu.memory_space<vmem>> -> memref<128xi32, #tpu.memory_space<vmem>>
      %dma_wait3A_2154 = arith.constant 0 : i32
      %dma_wait3A_2155 = tpu.memref_slice %arg11[%dma_wait3A_2154] : memref<32768xf32, #tpu.memory_space<vmem_shared>> -> memref<32768xf32, #tpu.memory_space<vmem_shared>>
      tpu.wait_indirect_dma semaphore(%run_scoped3A_2141 : memref<!tpu.dma_semaphore, #tpu.memory_space<semaphore_mem>>) src(%dma_wait3A_2150 : memref<128xf32, #tpu.memory_space<vmem>>) dst(%dma_wait3A_2155 : memref<32768xf32, #tpu.memory_space<vmem_shared>>)
      tpu.yield
    }) : () -> ()
    %run_scoped3A_1611 = arith.constant 3 : i32
    %run_scoped3A_1612 = arith.constant 3 : i32
    "tpu.region"() ({
      %run_scoped3A_2141 = tpu.sem_alloc : memref<!tpu.dma_semaphore, #tpu.memory_space<semaphore_mem>>
      %dma_start3A = arith.constant 0 : i32
      %dma_start3A_2142 = tpu.memref_slice %arg5[%run_scoped3A_1611, %dma_start3A] : memref<8x128xf32, #tpu.memory_space<vmem>> -> memref<1x128xf32, #tpu.memory_space<vmem>>
      %dma_start3A_2143 = tpu.memref_squeeze %dma_start3A_2142 : memref<1x128xf32, #tpu.memory_space<vmem>> -> memref<128xf32, #tpu.memory_space<vmem>>
      %dma_start3A_2144 = arith.constant 0 : i32
      %dma_start3A_2145 = tpu.memref_slice %arg7[%run_scoped3A_1612, %dma_start3A_2144] : memref<8x128xi32, #tpu.memory_space<vmem>> -> memref<1x128xi32, #tpu.memory_space<vmem>>
      %dma_start3A_2146 = tpu.memref_squeeze %dma_start3A_2145 : memref<1x128xi32, #tpu.memory_space<vmem>> -> memref<128xi32, #tpu.memory_space<vmem>>
      %dma_start3A_2147 = arith.constant 0 : i32
      %dma_start3A_2148 = tpu.memref_slice %arg11[%dma_start3A_2147] : memref<32768xf32, #tpu.memory_space<vmem_shared>> -> memref<32768xf32, #tpu.memory_space<vmem_shared>>
      tpu.enqueue_indirect_dma source(%dma_start3A_2143 : memref<128xf32, #tpu.memory_space<vmem>>) target(%dma_start3A_2148 : memref<32768xf32, #tpu.memory_space<vmem_shared>>) offsets(%dma_start3A_2146 : memref<128xi32, #tpu.memory_space<vmem>>) semaphore(%run_scoped3A_2141 : memref<!tpu.dma_semaphore, #tpu.memory_space<semaphore_mem>>) {add = true}
      %dma_wait3A = arith.constant 0 : i32
      %dma_wait3A_2149 = tpu.memref_slice %arg5[%run_scoped3A_1611, %dma_wait3A] : memref<8x128xf32, #tpu.memory_space<vmem>> -> memref<1x128xf32, #tpu.memory_space<vmem>>
      %dma_wait3A_2150 = tpu.memref_squeeze %dma_wait3A_2149 : memref<1x128xf32, #tpu.memory_space<vmem>> -> memref<128xf32, #tpu.memory_space<vmem>>
      %dma_wait3A_2151 = arith.constant 0 : i32
      %dma_wait3A_2152 = tpu.memref_slice %arg7[%run_scoped3A_1612, %dma_wait3A_2151] : memref<8x128xi32, #tpu.memory_space<vmem>> -> memref<1x128xi32, #tpu.memory_space<vmem>>
      %dma_wait3A_2153 = tpu.memref_squeeze %dma_wait3A_2152 : memref<1x128xi32, #tpu.memory_space<vmem>> -> memref<128xi32, #tpu.memory_space<vmem>>
      %dma_wait3A_2154 = arith.constant 0 : i32
      %dma_wait3A_2155 = tpu.memref_slice %arg11[%dma_wait3A_2154] : memref<32768xf32, #tpu.memory_space<vmem_shared>> -> memref<32768xf32, #tpu.memory_space<vmem_shared>>
      tpu.wait_indirect_dma semaphore(%run_scoped3A_2141 : memref<!tpu.dma_semaphore, #tpu.memory_space<semaphore_mem>>) src(%dma_wait3A_2150 : memref<128xf32, #tpu.memory_space<vmem>>) dst(%dma_wait3A_2155 : memref<32768xf32, #tpu.memory_space<vmem_shared>>)
      tpu.yield
    }) : () -> ()
    %run_scoped3A_1613 = arith.constant 4 : i32
    %run_scoped3A_1614 = arith.constant 4 : i32
    "tpu.region"() ({
      %run_scoped3A_2141 = tpu.sem_alloc : memref<!tpu.dma_semaphore, #tpu.memory_space<semaphore_mem>>
      %dma_start3A = arith.constant 0 : i32
      %dma_start3A_2142 = tpu.memref_slice %arg5[%run_scoped3A_1613, %dma_start3A] : memref<8x128xf32, #tpu.memory_space<vmem>> -> memref<1x128xf32, #tpu.memory_space<vmem>>
      %dma_start3A_2143 = tpu.memref_squeeze %dma_start3A_2142 : memref<1x128xf32, #tpu.memory_space<vmem>> -> memref<128xf32, #tpu.memory_space<vmem>>
      %dma_start3A_2144 = arith.constant 0 : i32
      %dma_start3A_2145 = tpu.memref_slice %arg7[%run_scoped3A_1614, %dma_start3A_2144] : memref<8x128xi32, #tpu.memory_space<vmem>> -> memref<1x128xi32, #tpu.memory_space<vmem>>
      %dma_start3A_2146 = tpu.memref_squeeze %dma_start3A_2145 : memref<1x128xi32, #tpu.memory_space<vmem>> -> memref<128xi32, #tpu.memory_space<vmem>>
      %dma_start3A_2147 = arith.constant 0 : i32
      %dma_start3A_2148 = tpu.memref_slice %arg11[%dma_start3A_2147] : memref<32768xf32, #tpu.memory_space<vmem_shared>> -> memref<32768xf32, #tpu.memory_space<vmem_shared>>
      tpu.enqueue_indirect_dma source(%dma_start3A_2143 : memref<128xf32, #tpu.memory_space<vmem>>) target(%dma_start3A_2148 : memref<32768xf32, #tpu.memory_space<vmem_shared>>) offsets(%dma_start3A_2146 : memref<128xi32, #tpu.memory_space<vmem>>) semaphore(%run_scoped3A_2141 : memref<!tpu.dma_semaphore, #tpu.memory_space<semaphore_mem>>) {add = true}
      %dma_wait3A = arith.constant 0 : i32
      %dma_wait3A_2149 = tpu.memref_slice %arg5[%run_scoped3A_1613, %dma_wait3A] : memref<8x128xf32, #tpu.memory_space<vmem>> -> memref<1x128xf32, #tpu.memory_space<vmem>>
      %dma_wait3A_2150 = tpu.memref_squeeze %dma_wait3A_2149 : memref<1x128xf32, #tpu.memory_space<vmem>> -> memref<128xf32, #tpu.memory_space<vmem>>
      %dma_wait3A_2151 = arith.constant 0 : i32
      %dma_wait3A_2152 = tpu.memref_slice %arg7[%run_scoped3A_1614, %dma_wait3A_2151] : memref<8x128xi32, #tpu.memory_space<vmem>> -> memref<1x128xi32, #tpu.memory_space<vmem>>
      %dma_wait3A_2153 = tpu.memref_squeeze %dma_wait3A_2152 : memref<1x128xi32, #tpu.memory_space<vmem>> -> memref<128xi32, #tpu.memory_space<vmem>>
      %dma_wait3A_2154 = arith.constant 0 : i32
      %dma_wait3A_2155 = tpu.memref_slice %arg11[%dma_wait3A_2154] : memref<32768xf32, #tpu.memory_space<vmem_shared>> -> memref<32768xf32, #tpu.memory_space<vmem_shared>>
      tpu.wait_indirect_dma semaphore(%run_scoped3A_2141 : memref<!tpu.dma_semaphore, #tpu.memory_space<semaphore_mem>>) src(%dma_wait3A_2150 : memref<128xf32, #tpu.memory_space<vmem>>) dst(%dma_wait3A_2155 : memref<32768xf32, #tpu.memory_space<vmem_shared>>)
      tpu.yield
    }) : () -> ()
    %run_scoped3A_1615 = arith.constant 5 : i32
    %run_scoped3A_1616 = arith.constant 5 : i32
    "tpu.region"() ({
      %run_scoped3A_2141 = tpu.sem_alloc : memref<!tpu.dma_semaphore, #tpu.memory_space<semaphore_mem>>
      %dma_start3A = arith.constant 0 : i32
      %dma_start3A_2142 = tpu.memref_slice %arg5[%run_scoped3A_1615, %dma_start3A] : memref<8x128xf32, #tpu.memory_space<vmem>> -> memref<1x128xf32, #tpu.memory_space<vmem>>
      %dma_start3A_2143 = tpu.memref_squeeze %dma_start3A_2142 : memref<1x128xf32, #tpu.memory_space<vmem>> -> memref<128xf32, #tpu.memory_space<vmem>>
      %dma_start3A_2144 = arith.constant 0 : i32
      %dma_start3A_2145 = tpu.memref_slice %arg7[%run_scoped3A_1616, %dma_start3A_2144] : memref<8x128xi32, #tpu.memory_space<vmem>> -> memref<1x128xi32, #tpu.memory_space<vmem>>
      %dma_start3A_2146 = tpu.memref_squeeze %dma_start3A_2145 : memref<1x128xi32, #tpu.memory_space<vmem>> -> memref<128xi32, #tpu.memory_space<vmem>>
      %dma_start3A_2147 = arith.constant 0 : i32
      %dma_start3A_2148 = tpu.memref_slice %arg11[%dma_start3A_2147] : memref<32768xf32, #tpu.memory_space<vmem_shared>> -> memref<32768xf32, #tpu.memory_space<vmem_shared>>
      tpu.enqueue_indirect_dma source(%dma_start3A_2143 : memref<128xf32, #tpu.memory_space<vmem>>) target(%dma_start3A_2148 : memref<32768xf32, #tpu.memory_space<vmem_shared>>) offsets(%dma_start3A_2146 : memref<128xi32, #tpu.memory_space<vmem>>) semaphore(%run_scoped3A_2141 : memref<!tpu.dma_semaphore, #tpu.memory_space<semaphore_mem>>) {add = true}
      %dma_wait3A = arith.constant 0 : i32
      %dma_wait3A_2149 = tpu.memref_slice %arg5[%run_scoped3A_1615, %dma_wait3A] : memref<8x128xf32, #tpu.memory_space<vmem>> -> memref<1x128xf32, #tpu.memory_space<vmem>>
      %dma_wait3A_2150 = tpu.memref_squeeze %dma_wait3A_2149 : memref<1x128xf32, #tpu.memory_space<vmem>> -> memref<128xf32, #tpu.memory_space<vmem>>
      %dma_wait3A_2151 = arith.constant 0 : i32
      %dma_wait3A_2152 = tpu.memref_slice %arg7[%run_scoped3A_1616, %dma_wait3A_2151] : memref<8x128xi32, #tpu.memory_space<vmem>> -> memref<1x128xi32, #tpu.memory_space<vmem>>
      %dma_wait3A_2153 = tpu.memref_squeeze %dma_wait3A_2152 : memref<1x128xi32, #tpu.memory_space<vmem>> -> memref<128xi32, #tpu.memory_space<vmem>>
      %dma_wait3A_2154 = arith.constant 0 : i32
      %dma_wait3A_2155 = tpu.memref_slice %arg11[%dma_wait3A_2154] : memref<32768xf32, #tpu.memory_space<vmem_shared>> -> memref<32768xf32, #tpu.memory_space<vmem_shared>>
      tpu.wait_indirect_dma semaphore(%run_scoped3A_2141 : memref<!tpu.dma_semaphore, #tpu.memory_space<semaphore_mem>>) src(%dma_wait3A_2150 : memref<128xf32, #tpu.memory_space<vmem>>) dst(%dma_wait3A_2155 : memref<32768xf32, #tpu.memory_space<vmem_shared>>)
      tpu.yield
    }) : () -> ()
    %run_scoped3A_1617 = arith.constant 6 : i32
    %run_scoped3A_1618 = arith.constant 6 : i32
    "tpu.region"() ({
      %run_scoped3A_2141 = tpu.sem_alloc : memref<!tpu.dma_semaphore, #tpu.memory_space<semaphore_mem>>
      %dma_start3A = arith.constant 0 : i32
      %dma_start3A_2142 = tpu.memref_slice %arg5[%run_scoped3A_1617, %dma_start3A] : memref<8x128xf32, #tpu.memory_space<vmem>> -> memref<1x128xf32, #tpu.memory_space<vmem>>
      %dma_start3A_2143 = tpu.memref_squeeze %dma_start3A_2142 : memref<1x128xf32, #tpu.memory_space<vmem>> -> memref<128xf32, #tpu.memory_space<vmem>>
      %dma_start3A_2144 = arith.constant 0 : i32
      %dma_start3A_2145 = tpu.memref_slice %arg7[%run_scoped3A_1618, %dma_start3A_2144] : memref<8x128xi32, #tpu.memory_space<vmem>> -> memref<1x128xi32, #tpu.memory_space<vmem>>
      %dma_start3A_2146 = tpu.memref_squeeze %dma_start3A_2145 : memref<1x128xi32, #tpu.memory_space<vmem>> -> memref<128xi32, #tpu.memory_space<vmem>>
      %dma_start3A_2147 = arith.constant 0 : i32
      %dma_start3A_2148 = tpu.memref_slice %arg11[%dma_start3A_2147] : memref<32768xf32, #tpu.memory_space<vmem_shared>> -> memref<32768xf32, #tpu.memory_space<vmem_shared>>
      tpu.enqueue_indirect_dma source(%dma_start3A_2143 : memref<128xf32, #tpu.memory_space<vmem>>) target(%dma_start3A_2148 : memref<32768xf32, #tpu.memory_space<vmem_shared>>) offsets(%dma_start3A_2146 : memref<128xi32, #tpu.memory_space<vmem>>) semaphore(%run_scoped3A_2141 : memref<!tpu.dma_semaphore, #tpu.memory_space<semaphore_mem>>) {add = true}
      %dma_wait3A = arith.constant 0 : i32
      %dma_wait3A_2149 = tpu.memref_slice %arg5[%run_scoped3A_1617, %dma_wait3A] : memref<8x128xf32, #tpu.memory_space<vmem>> -> memref<1x128xf32, #tpu.memory_space<vmem>>
      %dma_wait3A_2150 = tpu.memref_squeeze %dma_wait3A_2149 : memref<1x128xf32, #tpu.memory_space<vmem>> -> memref<128xf32, #tpu.memory_space<vmem>>
      %dma_wait3A_2151 = arith.constant 0 : i32
      %dma_wait3A_2152 = tpu.memref_slice %arg7[%run_scoped3A_1618, %dma_wait3A_2151] : memref<8x128xi32, #tpu.memory_space<vmem>> -> memref<1x128xi32, #tpu.memory_space<vmem>>
      %dma_wait3A_2153 = tpu.memref_squeeze %dma_wait3A_2152 : memref<1x128xi32, #tpu.memory_space<vmem>> -> memref<128xi32, #tpu.memory_space<vmem>>
      %dma_wait3A_2154 = arith.constant 0 : i32
      %dma_wait3A_2155 = tpu.memref_slice %arg11[%dma_wait3A_2154] : memref<32768xf32, #tpu.memory_space<vmem_shared>> -> memref<32768xf32, #tpu.memory_space<vmem_shared>>
      tpu.wait_indirect_dma semaphore(%run_scoped3A_2141 : memref<!tpu.dma_semaphore, #tpu.memory_space<semaphore_mem>>) src(%dma_wait3A_2150 : memref<128xf32, #tpu.memory_space<vmem>>) dst(%dma_wait3A_2155 : memref<32768xf32, #tpu.memory_space<vmem_shared>>)
      tpu.yield
    }) : () -> ()
    %run_scoped3A_1619 = arith.constant 7 : i32
    %run_scoped3A_1620 = arith.constant 7 : i32
    "tpu.region"() ({
      %run_scoped3A_2141 = tpu.sem_alloc : memref<!tpu.dma_semaphore, #tpu.memory_space<semaphore_mem>>
      %dma_start3A = arith.constant 0 : i32
      %dma_start3A_2142 = tpu.memref_slice %arg5[%run_scoped3A_1619, %dma_start3A] : memref<8x128xf32, #tpu.memory_space<vmem>> -> memref<1x128xf32, #tpu.memory_space<vmem>>
      %dma_start3A_2143 = tpu.memref_squeeze %dma_start3A_2142 : memref<1x128xf32, #tpu.memory_space<vmem>> -> memref<128xf32, #tpu.memory_space<vmem>>
      %dma_start3A_2144 = arith.constant 0 : i32
      %dma_start3A_2145 = tpu.memref_slice %arg7[%run_scoped3A_1620, %dma_start3A_2144] : memref<8x128xi32, #tpu.memory_space<vmem>> -> memref<1x128xi32, #tpu.memory_space<vmem>>
      %dma_start3A_2146 = tpu.memref_squeeze %dma_start3A_2145 : memref<1x128xi32, #tpu.memory_space<vmem>> -> memref<128xi32, #tpu.memory_space<vmem>>
      %dma_start3A_2147 = arith.constant 0 : i32
      %dma_start3A_2148 = tpu.memref_slice %arg11[%dma_start3A_2147] : memref<32768xf32, #tpu.memory_space<vmem_shared>> -> memref<32768xf32, #tpu.memory_space<vmem_shared>>
      tpu.enqueue_indirect_dma source(%dma_start3A_2143 : memref<128xf32, #tpu.memory_space<vmem>>) target(%dma_start3A_2148 : memref<32768xf32, #tpu.memory_space<vmem_shared>>) offsets(%dma_start3A_2146 : memref<128xi32, #tpu.memory_space<vmem>>) semaphore(%run_scoped3A_2141 : memref<!tpu.dma_semaphore, #tpu.memory_space<semaphore_mem>>) {add = true}
      %dma_wait3A = arith.constant 0 : i32
      %dma_wait3A_2149 = tpu.memref_slice %arg5[%run_scoped3A_1619, %dma_wait3A] : memref<8x128xf32, #tpu.memory_space<vmem>> -> memref<1x128xf32, #tpu.memory_space<vmem>>
      %dma_wait3A_2150 = tpu.memref_squeeze %dma_wait3A_2149 : memref<1x128xf32, #tpu.memory_space<vmem>> -> memref<128xf32, #tpu.memory_space<vmem>>
      %dma_wait3A_2151 = arith.constant 0 : i32
      %dma_wait3A_2152 = tpu.memref_slice %arg7[%run_scoped3A_1620, %dma_wait3A_2151] : memref<8x128xi32, #tpu.memory_space<vmem>> -> memref<1x128xi32, #tpu.memory_space<vmem>>
      %dma_wait3A_2153 = tpu.memref_squeeze %dma_wait3A_2152 : memref<1x128xi32, #tpu.memory_space<vmem>> -> memref<128xi32, #tpu.memory_space<vmem>>
      %dma_wait3A_2154 = arith.constant 0 : i32
      %dma_wait3A_2155 = tpu.memref_slice %arg11[%dma_wait3A_2154] : memref<32768xf32, #tpu.memory_space<vmem_shared>> -> memref<32768xf32, #tpu.memory_space<vmem_shared>>
      tpu.wait_indirect_dma semaphore(%run_scoped3A_2141 : memref<!tpu.dma_semaphore, #tpu.memory_space<semaphore_mem>>) src(%dma_wait3A_2150 : memref<128xf32, #tpu.memory_space<vmem>>) dst(%dma_wait3A_2155 : memref<32768xf32, #tpu.memory_space<vmem_shared>>)
      tpu.yield
    }) : () -> ()
    "tpu.region"() ({
      %run_scoped3A_2141 = tpu.sem_alloc : memref<!tpu.dma_semaphore, #tpu.memory_space<semaphore_mem>>
      %dma_start3A = tpu.memref_slice %arg11[%mul3A_6] : memref<32768xf32, #tpu.memory_space<vmem_shared>> -> memref<2048xf32, #tpu.memory_space<vmem_shared>>
      %dma_start3A_2142 = tpu.memref_slice %arg11[%mul3A_6] : memref<32768xf32, #tpu.memory_space<vmem_shared>> -> memref<2048xf32, #tpu.memory_space<vmem_shared>>
      tpu.enqueue_dma source(%dma_start3A_2142 : memref<2048xf32, #tpu.memory_space<vmem_shared>>) target(%arg8 : memref<2048xf32, #tpu.memory_space<vmem>>) target_semaphore(%run_scoped3A_2141 : memref<!tpu.dma_semaphore, #tpu.memory_space<semaphore_mem>>)
      %dma_wait3A = tpu.memref_slice %arg11[%mul3A_6] : memref<32768xf32, #tpu.memory_space<vmem_shared>> -> memref<2048xf32, #tpu.memory_space<vmem_shared>>
      %dma_wait3A_2143 = tpu.memref_slice %arg11[%mul3A_6] : memref<32768xf32, #tpu.memory_space<vmem_shared>> -> memref<2048xf32, #tpu.memory_space<vmem_shared>>
      tpu.wait_dma2 semaphore(%run_scoped3A_2141 : memref<!tpu.dma_semaphore, #tpu.memory_space<semaphore_mem>>) src(%dma_wait3A_2143 : memref<2048xf32, #tpu.memory_space<vmem_shared>>) dst(%arg8 : memref<2048xf32, #tpu.memory_space<vmem>>)
      tpu.yield
    }) : () -> ()
    %get3A_1621 = arith.constant 0 : index
    %get3A_1622 = tpu.vector_load %arg8[%get3A_1621] {strides = array<i32>} : memref<2048xf32, #tpu.memory_space<vmem>>, vector<16xf32>,
    %get3A_1623 = vector.shape_cast %get3A_1622 : vector<16xf32> to vector<16xf32>
    %add3A_1624 = arith.addf %broadcast_in_dim3A_1093, %get3A_1623 : vector<16xf32>
    %get3A_1625 = arith.constant 16 : index
    %get3A_1626 = tpu.vector_load %arg8[%get3A_1625] {strides = array<i32>} : memref<2048xf32, #tpu.memory_space<vmem>>, vector<16xf32>,
    %get3A_1627 = vector.shape_cast %get3A_1626 : vector<16xf32> to vector<16xf32>
    %add3A_1628 = arith.addf %add3A_1624, %get3A_1627 : vector<16xf32>
    %get3A_1629 = arith.constant 32 : index
    %get3A_1630 = tpu.vector_load %arg8[%get3A_1629] {strides = array<i32>} : memref<2048xf32, #tpu.memory_space<vmem>>, vector<16xf32>,
    %get3A_1631 = vector.shape_cast %get3A_1630 : vector<16xf32> to vector<16xf32>
    %add3A_1632 = arith.addf %add3A_1628, %get3A_1631 : vector<16xf32>
    %get3A_1633 = arith.constant 48 : index
    %get3A_1634 = tpu.vector_load %arg8[%get3A_1633] {strides = array<i32>} : memref<2048xf32, #tpu.memory_space<vmem>>, vector<16xf32>,
    %get3A_1635 = vector.shape_cast %get3A_1634 : vector<16xf32> to vector<16xf32>
    %add3A_1636 = arith.addf %add3A_1632, %get3A_1635 : vector<16xf32>
    %get3A_1637 = arith.constant 64 : index
    %get3A_1638 = tpu.vector_load %arg8[%get3A_1637] {strides = array<i32>} : memref<2048xf32, #tpu.memory_space<vmem>>, vector<16xf32>,
    %get3A_1639 = vector.shape_cast %get3A_1638 : vector<16xf32> to vector<16xf32>
    %add3A_1640 = arith.addf %add3A_1636, %get3A_1639 : vector<16xf32>
    %get3A_1641 = arith.constant 80 : index
    %get3A_1642 = tpu.vector_load %arg8[%get3A_1641] {strides = array<i32>} : memref<2048xf32, #tpu.memory_space<vmem>>, vector<16xf32>,
    %get3A_1643 = vector.shape_cast %get3A_1642 : vector<16xf32> to vector<16xf32>
    %add3A_1644 = arith.addf %add3A_1640, %get3A_1643 : vector<16xf32>
    %get3A_1645 = arith.constant 96 : index
    %get3A_1646 = tpu.vector_load %arg8[%get3A_1645] {strides = array<i32>} : memref<2048xf32, #tpu.memory_space<vmem>>, vector<16xf32>,
    %get3A_1647 = vector.shape_cast %get3A_1646 : vector<16xf32> to vector<16xf32>
    %add3A_1648 = arith.addf %add3A_1644, %get3A_1647 : vector<16xf32>
    %get3A_1649 = arith.constant 112 : index
    %get3A_1650 = tpu.vector_load %arg8[%get3A_1649] {strides = array<i32>} : memref<2048xf32, #tpu.memory_space<vmem>>, vector<16xf32>,
    %get3A_1651 = vector.shape_cast %get3A_1650 : vector<16xf32> to vector<16xf32>
    %add3A_1652 = arith.addf %add3A_1648, %get3A_1651 : vector<16xf32>
    %get3A_1653 = arith.constant 128 : index
    %get3A_1654 = tpu.vector_load %arg8[%get3A_1653] {strides = array<i32>} : memref<2048xf32, #tpu.memory_space<vmem>>, vector<16xf32>,
    %get3A_1655 = vector.shape_cast %get3A_1654 : vector<16xf32> to vector<16xf32>
    %add3A_1656 = arith.addf %add3A_1652, %get3A_1655 : vector<16xf32>
    %get3A_1657 = arith.constant 144 : index
    %get3A_1658 = tpu.vector_load %arg8[%get3A_1657] {strides = array<i32>} : memref<2048xf32, #tpu.memory_space<vmem>>, vector<16xf32>,
    %get3A_1659 = vector.shape_cast %get3A_1658 : vector<16xf32> to vector<16xf32>
    %add3A_1660 = arith.addf %add3A_1656, %get3A_1659 : vector<16xf32>
    %get3A_1661 = arith.constant 160 : index
    %get3A_1662 = tpu.vector_load %arg8[%get3A_1661] {strides = array<i32>} : memref<2048xf32, #tpu.memory_space<vmem>>, vector<16xf32>,
    %get3A_1663 = vector.shape_cast %get3A_1662 : vector<16xf32> to vector<16xf32>
    %add3A_1664 = arith.addf %add3A_1660, %get3A_1663 : vector<16xf32>
    %get3A_1665 = arith.constant 176 : index
    %get3A_1666 = tpu.vector_load %arg8[%get3A_1665] {strides = array<i32>} : memref<2048xf32, #tpu.memory_space<vmem>>, vector<16xf32>,
    %get3A_1667 = vector.shape_cast %get3A_1666 : vector<16xf32> to vector<16xf32>
    %add3A_1668 = arith.addf %add3A_1664, %get3A_1667 : vector<16xf32>
    %get3A_1669 = arith.constant 192 : index
    %get3A_1670 = tpu.vector_load %arg8[%get3A_1669] {strides = array<i32>} : memref<2048xf32, #tpu.memory_space<vmem>>, vector<16xf32>,
    %get3A_1671 = vector.shape_cast %get3A_1670 : vector<16xf32> to vector<16xf32>
    %add3A_1672 = arith.addf %add3A_1668, %get3A_1671 : vector<16xf32>
    %get3A_1673 = arith.constant 208 : index
    %get3A_1674 = tpu.vector_load %arg8[%get3A_1673] {strides = array<i32>} : memref<2048xf32, #tpu.memory_space<vmem>>, vector<16xf32>,
    %get3A_1675 = vector.shape_cast %get3A_1674 : vector<16xf32> to vector<16xf32>
    %add3A_1676 = arith.addf %add3A_1672, %get3A_1675 : vector<16xf32>
    %get3A_1677 = arith.constant 224 : index
    %get3A_1678 = tpu.vector_load %arg8[%get3A_1677] {strides = array<i32>} : memref<2048xf32, #tpu.memory_space<vmem>>, vector<16xf32>,
    %get3A_1679 = vector.shape_cast %get3A_1678 : vector<16xf32> to vector<16xf32>
    %add3A_1680 = arith.addf %add3A_1676, %get3A_1679 : vector<16xf32>
    %get3A_1681 = arith.constant 240 : index
    %get3A_1682 = tpu.vector_load %arg8[%get3A_1681] {strides = array<i32>} : memref<2048xf32, #tpu.memory_space<vmem>>, vector<16xf32>,
    %get3A_1683 = vector.shape_cast %get3A_1682 : vector<16xf32> to vector<16xf32>
    %add3A_1684 = arith.addf %add3A_1680, %get3A_1683 : vector<16xf32>
    %get3A_1685 = arith.constant 256 : index
    %get3A_1686 = tpu.vector_load %arg8[%get3A_1685] {strides = array<i32>} : memref<2048xf32, #tpu.memory_space<vmem>>, vector<16xf32>,
    %get3A_1687 = vector.shape_cast %get3A_1686 : vector<16xf32> to vector<16xf32>
    %add3A_1688 = arith.addf %add3A_1684, %get3A_1687 : vector<16xf32>
    %get3A_1689 = arith.constant 272 : index
    %get3A_1690 = tpu.vector_load %arg8[%get3A_1689] {strides = array<i32>} : memref<2048xf32, #tpu.memory_space<vmem>>, vector<16xf32>,
    %get3A_1691 = vector.shape_cast %get3A_1690 : vector<16xf32> to vector<16xf32>
    %add3A_1692 = arith.addf %add3A_1688, %get3A_1691 : vector<16xf32>
    %get3A_1693 = arith.constant 288 : index
    %get3A_1694 = tpu.vector_load %arg8[%get3A_1693] {strides = array<i32>} : memref<2048xf32, #tpu.memory_space<vmem>>, vector<16xf32>,
    %get3A_1695 = vector.shape_cast %get3A_1694 : vector<16xf32> to vector<16xf32>
    %add3A_1696 = arith.addf %add3A_1692, %get3A_1695 : vector<16xf32>
    %get3A_1697 = arith.constant 304 : index
    %get3A_1698 = tpu.vector_load %arg8[%get3A_1697] {strides = array<i32>} : memref<2048xf32, #tpu.memory_space<vmem>>, vector<16xf32>,
    %get3A_1699 = vector.shape_cast %get3A_1698 : vector<16xf32> to vector<16xf32>
    %add3A_1700 = arith.addf %add3A_1696, %get3A_1699 : vector<16xf32>
    %get3A_1701 = arith.constant 320 : index
    %get3A_1702 = tpu.vector_load %arg8[%get3A_1701] {strides = array<i32>} : memref<2048xf32, #tpu.memory_space<vmem>>, vector<16xf32>,
    %get3A_1703 = vector.shape_cast %get3A_1702 : vector<16xf32> to vector<16xf32>
    %add3A_1704 = arith.addf %add3A_1700, %get3A_1703 : vector<16xf32>
    %get3A_1705 = arith.constant 336 : index
    %get3A_1706 = tpu.vector_load %arg8[%get3A_1705] {strides = array<i32>} : memref<2048xf32, #tpu.memory_space<vmem>>, vector<16xf32>,
    %get3A_1707 = vector.shape_cast %get3A_1706 : vector<16xf32> to vector<16xf32>
    %add3A_1708 = arith.addf %add3A_1704, %get3A_1707 : vector<16xf32>
    %get3A_1709 = arith.constant 352 : index
    %get3A_1710 = tpu.vector_load %arg8[%get3A_1709] {strides = array<i32>} : memref<2048xf32, #tpu.memory_space<vmem>>, vector<16xf32>,
    %get3A_1711 = vector.shape_cast %get3A_1710 : vector<16xf32> to vector<16xf32>
    %add3A_1712 = arith.addf %add3A_1708, %get3A_1711 : vector<16xf32>
    %get3A_1713 = arith.constant 368 : index
    %get3A_1714 = tpu.vector_load %arg8[%get3A_1713] {strides = array<i32>} : memref<2048xf32, #tpu.memory_space<vmem>>, vector<16xf32>,
    %get3A_1715 = vector.shape_cast %get3A_1714 : vector<16xf32> to vector<16xf32>
    %add3A_1716 = arith.addf %add3A_1712, %get3A_1715 : vector<16xf32>
    %get3A_1717 = arith.constant 384 : index
    %get3A_1718 = tpu.vector_load %arg8[%get3A_1717] {strides = array<i32>} : memref<2048xf32, #tpu.memory_space<vmem>>, vector<16xf32>,
    %get3A_1719 = vector.shape_cast %get3A_1718 : vector<16xf32> to vector<16xf32>
    %add3A_1720 = arith.addf %add3A_1716, %get3A_1719 : vector<16xf32>
    %get3A_1721 = arith.constant 400 : index
    %get3A_1722 = tpu.vector_load %arg8[%get3A_1721] {strides = array<i32>} : memref<2048xf32, #tpu.memory_space<vmem>>, vector<16xf32>,
    %get3A_1723 = vector.shape_cast %get3A_1722 : vector<16xf32> to vector<16xf32>
    %add3A_1724 = arith.addf %add3A_1720, %get3A_1723 : vector<16xf32>
    %get3A_1725 = arith.constant 416 : index
    %get3A_1726 = tpu.vector_load %arg8[%get3A_1725] {strides = array<i32>} : memref<2048xf32, #tpu.memory_space<vmem>>, vector<16xf32>,
    %get3A_1727 = vector.shape_cast %get3A_1726 : vector<16xf32> to vector<16xf32>
    %add3A_1728 = arith.addf %add3A_1724, %get3A_1727 : vector<16xf32>
    %get3A_1729 = arith.constant 432 : index
    %get3A_1730 = tpu.vector_load %arg8[%get3A_1729] {strides = array<i32>} : memref<2048xf32, #tpu.memory_space<vmem>>, vector<16xf32>,
    %get3A_1731 = vector.shape_cast %get3A_1730 : vector<16xf32> to vector<16xf32>
    %add3A_1732 = arith.addf %add3A_1728, %get3A_1731 : vector<16xf32>
    %get3A_1733 = arith.constant 448 : index
    %get3A_1734 = tpu.vector_load %arg8[%get3A_1733] {strides = array<i32>} : memref<2048xf32, #tpu.memory_space<vmem>>, vector<16xf32>,
    %get3A_1735 = vector.shape_cast %get3A_1734 : vector<16xf32> to vector<16xf32>
    %add3A_1736 = arith.addf %add3A_1732, %get3A_1735 : vector<16xf32>
    %get3A_1737 = arith.constant 464 : index
    %get3A_1738 = tpu.vector_load %arg8[%get3A_1737] {strides = array<i32>} : memref<2048xf32, #tpu.memory_space<vmem>>, vector<16xf32>,
    %get3A_1739 = vector.shape_cast %get3A_1738 : vector<16xf32> to vector<16xf32>
    %add3A_1740 = arith.addf %add3A_1736, %get3A_1739 : vector<16xf32>
    %get3A_1741 = arith.constant 480 : index
    %get3A_1742 = tpu.vector_load %arg8[%get3A_1741] {strides = array<i32>} : memref<2048xf32, #tpu.memory_space<vmem>>, vector<16xf32>,
    %get3A_1743 = vector.shape_cast %get3A_1742 : vector<16xf32> to vector<16xf32>
    %add3A_1744 = arith.addf %add3A_1740, %get3A_1743 : vector<16xf32>
    %get3A_1745 = arith.constant 496 : index
    %get3A_1746 = tpu.vector_load %arg8[%get3A_1745] {strides = array<i32>} : memref<2048xf32, #tpu.memory_space<vmem>>, vector<16xf32>,
    %get3A_1747 = vector.shape_cast %get3A_1746 : vector<16xf32> to vector<16xf32>
    %add3A_1748 = arith.addf %add3A_1744, %get3A_1747 : vector<16xf32>
    %get3A_1749 = arith.constant 512 : index
    %get3A_1750 = tpu.vector_load %arg8[%get3A_1749] {strides = array<i32>} : memref<2048xf32, #tpu.memory_space<vmem>>, vector<16xf32>,
    %get3A_1751 = vector.shape_cast %get3A_1750 : vector<16xf32> to vector<16xf32>
    %add3A_1752 = arith.addf %add3A_1748, %get3A_1751 : vector<16xf32>
    %get3A_1753 = arith.constant 528 : index
    %get3A_1754 = tpu.vector_load %arg8[%get3A_1753] {strides = array<i32>} : memref<2048xf32, #tpu.memory_space<vmem>>, vector<16xf32>,
    %get3A_1755 = vector.shape_cast %get3A_1754 : vector<16xf32> to vector<16xf32>
    %add3A_1756 = arith.addf %add3A_1752, %get3A_1755 : vector<16xf32>
    %get3A_1757 = arith.constant 544 : index
    %get3A_1758 = tpu.vector_load %arg8[%get3A_1757] {strides = array<i32>} : memref<2048xf32, #tpu.memory_space<vmem>>, vector<16xf32>,
    %get3A_1759 = vector.shape_cast %get3A_1758 : vector<16xf32> to vector<16xf32>
    %add3A_1760 = arith.addf %add3A_1756, %get3A_1759 : vector<16xf32>
    %get3A_1761 = arith.constant 560 : index
    %get3A_1762 = tpu.vector_load %arg8[%get3A_1761] {strides = array<i32>} : memref<2048xf32, #tpu.memory_space<vmem>>, vector<16xf32>,
    %get3A_1763 = vector.shape_cast %get3A_1762 : vector<16xf32> to vector<16xf32>
    %add3A_1764 = arith.addf %add3A_1760, %get3A_1763 : vector<16xf32>
    %get3A_1765 = arith.constant 576 : index
    %get3A_1766 = tpu.vector_load %arg8[%get3A_1765] {strides = array<i32>} : memref<2048xf32, #tpu.memory_space<vmem>>, vector<16xf32>,
    %get3A_1767 = vector.shape_cast %get3A_1766 : vector<16xf32> to vector<16xf32>
    %add3A_1768 = arith.addf %add3A_1764, %get3A_1767 : vector<16xf32>
    %get3A_1769 = arith.constant 592 : index
    %get3A_1770 = tpu.vector_load %arg8[%get3A_1769] {strides = array<i32>} : memref<2048xf32, #tpu.memory_space<vmem>>, vector<16xf32>,
    %get3A_1771 = vector.shape_cast %get3A_1770 : vector<16xf32> to vector<16xf32>
    %add3A_1772 = arith.addf %add3A_1768, %get3A_1771 : vector<16xf32>
    %get3A_1773 = arith.constant 608 : index
    %get3A_1774 = tpu.vector_load %arg8[%get3A_1773] {strides = array<i32>} : memref<2048xf32, #tpu.memory_space<vmem>>, vector<16xf32>,
    %get3A_1775 = vector.shape_cast %get3A_1774 : vector<16xf32> to vector<16xf32>
    %add3A_1776 = arith.addf %add3A_1772, %get3A_1775 : vector<16xf32>
    %get3A_1777 = arith.constant 624 : index
    %get3A_1778 = tpu.vector_load %arg8[%get3A_1777] {strides = array<i32>} : memref<2048xf32, #tpu.memory_space<vmem>>, vector<16xf32>,
    %get3A_1779 = vector.shape_cast %get3A_1778 : vector<16xf32> to vector<16xf32>
    %add3A_1780 = arith.addf %add3A_1776, %get3A_1779 : vector<16xf32>
    %get3A_1781 = arith.constant 640 : index
    %get3A_1782 = tpu.vector_load %arg8[%get3A_1781] {strides = array<i32>} : memref<2048xf32, #tpu.memory_space<vmem>>, vector<16xf32>,
    %get3A_1783 = vector.shape_cast %get3A_1782 : vector<16xf32> to vector<16xf32>
    %add3A_1784 = arith.addf %add3A_1780, %get3A_1783 : vector<16xf32>
    %get3A_1785 = arith.constant 656 : index
    %get3A_1786 = tpu.vector_load %arg8[%get3A_1785] {strides = array<i32>} : memref<2048xf32, #tpu.memory_space<vmem>>, vector<16xf32>,
    %get3A_1787 = vector.shape_cast %get3A_1786 : vector<16xf32> to vector<16xf32>
    %add3A_1788 = arith.addf %add3A_1784, %get3A_1787 : vector<16xf32>
    %get3A_1789 = arith.constant 672 : index
    %get3A_1790 = tpu.vector_load %arg8[%get3A_1789] {strides = array<i32>} : memref<2048xf32, #tpu.memory_space<vmem>>, vector<16xf32>,
    %get3A_1791 = vector.shape_cast %get3A_1790 : vector<16xf32> to vector<16xf32>
    %add3A_1792 = arith.addf %add3A_1788, %get3A_1791 : vector<16xf32>
    %get3A_1793 = arith.constant 688 : index
    %get3A_1794 = tpu.vector_load %arg8[%get3A_1793] {strides = array<i32>} : memref<2048xf32, #tpu.memory_space<vmem>>, vector<16xf32>,
    %get3A_1795 = vector.shape_cast %get3A_1794 : vector<16xf32> to vector<16xf32>
    %add3A_1796 = arith.addf %add3A_1792, %get3A_1795 : vector<16xf32>
    %get3A_1797 = arith.constant 704 : index
    %get3A_1798 = tpu.vector_load %arg8[%get3A_1797] {strides = array<i32>} : memref<2048xf32, #tpu.memory_space<vmem>>, vector<16xf32>,
    %get3A_1799 = vector.shape_cast %get3A_1798 : vector<16xf32> to vector<16xf32>
    %add3A_1800 = arith.addf %add3A_1796, %get3A_1799 : vector<16xf32>
    %get3A_1801 = arith.constant 720 : index
    %get3A_1802 = tpu.vector_load %arg8[%get3A_1801] {strides = array<i32>} : memref<2048xf32, #tpu.memory_space<vmem>>, vector<16xf32>,
    %get3A_1803 = vector.shape_cast %get3A_1802 : vector<16xf32> to vector<16xf32>
    %add3A_1804 = arith.addf %add3A_1800, %get3A_1803 : vector<16xf32>
    %get3A_1805 = arith.constant 736 : index
    %get3A_1806 = tpu.vector_load %arg8[%get3A_1805] {strides = array<i32>} : memref<2048xf32, #tpu.memory_space<vmem>>, vector<16xf32>,
    %get3A_1807 = vector.shape_cast %get3A_1806 : vector<16xf32> to vector<16xf32>
    %add3A_1808 = arith.addf %add3A_1804, %get3A_1807 : vector<16xf32>
    %get3A_1809 = arith.constant 752 : index
    %get3A_1810 = tpu.vector_load %arg8[%get3A_1809] {strides = array<i32>} : memref<2048xf32, #tpu.memory_space<vmem>>, vector<16xf32>,
    %get3A_1811 = vector.shape_cast %get3A_1810 : vector<16xf32> to vector<16xf32>
    %add3A_1812 = arith.addf %add3A_1808, %get3A_1811 : vector<16xf32>
    %get3A_1813 = arith.constant 768 : index
    %get3A_1814 = tpu.vector_load %arg8[%get3A_1813] {strides = array<i32>} : memref<2048xf32, #tpu.memory_space<vmem>>, vector<16xf32>,
    %get3A_1815 = vector.shape_cast %get3A_1814 : vector<16xf32> to vector<16xf32>
    %add3A_1816 = arith.addf %add3A_1812, %get3A_1815 : vector<16xf32>
    %get3A_1817 = arith.constant 784 : index
    %get3A_1818 = tpu.vector_load %arg8[%get3A_1817] {strides = array<i32>} : memref<2048xf32, #tpu.memory_space<vmem>>, vector<16xf32>,
    %get3A_1819 = vector.shape_cast %get3A_1818 : vector<16xf32> to vector<16xf32>
    %add3A_1820 = arith.addf %add3A_1816, %get3A_1819 : vector<16xf32>
    %get3A_1821 = arith.constant 800 : index
    %get3A_1822 = tpu.vector_load %arg8[%get3A_1821] {strides = array<i32>} : memref<2048xf32, #tpu.memory_space<vmem>>, vector<16xf32>,
    %get3A_1823 = vector.shape_cast %get3A_1822 : vector<16xf32> to vector<16xf32>
    %add3A_1824 = arith.addf %add3A_1820, %get3A_1823 : vector<16xf32>
    %get3A_1825 = arith.constant 816 : index
    %get3A_1826 = tpu.vector_load %arg8[%get3A_1825] {strides = array<i32>} : memref<2048xf32, #tpu.memory_space<vmem>>, vector<16xf32>,
    %get3A_1827 = vector.shape_cast %get3A_1826 : vector<16xf32> to vector<16xf32>
    %add3A_1828 = arith.addf %add3A_1824, %get3A_1827 : vector<16xf32>
    %get3A_1829 = arith.constant 832 : index
    %get3A_1830 = tpu.vector_load %arg8[%get3A_1829] {strides = array<i32>} : memref<2048xf32, #tpu.memory_space<vmem>>, vector<16xf32>,
    %get3A_1831 = vector.shape_cast %get3A_1830 : vector<16xf32> to vector<16xf32>
    %add3A_1832 = arith.addf %add3A_1828, %get3A_1831 : vector<16xf32>
    %get3A_1833 = arith.constant 848 : index
    %get3A_1834 = tpu.vector_load %arg8[%get3A_1833] {strides = array<i32>} : memref<2048xf32, #tpu.memory_space<vmem>>, vector<16xf32>,
    %get3A_1835 = vector.shape_cast %get3A_1834 : vector<16xf32> to vector<16xf32>
    %add3A_1836 = arith.addf %add3A_1832, %get3A_1835 : vector<16xf32>
    %get3A_1837 = arith.constant 864 : index
    %get3A_1838 = tpu.vector_load %arg8[%get3A_1837] {strides = array<i32>} : memref<2048xf32, #tpu.memory_space<vmem>>, vector<16xf32>,
    %get3A_1839 = vector.shape_cast %get3A_1838 : vector<16xf32> to vector<16xf32>
    %add3A_1840 = arith.addf %add3A_1836, %get3A_1839 : vector<16xf32>
    %get3A_1841 = arith.constant 880 : index
    %get3A_1842 = tpu.vector_load %arg8[%get3A_1841] {strides = array<i32>} : memref<2048xf32, #tpu.memory_space<vmem>>, vector<16xf32>,
    %get3A_1843 = vector.shape_cast %get3A_1842 : vector<16xf32> to vector<16xf32>
    %add3A_1844 = arith.addf %add3A_1840, %get3A_1843 : vector<16xf32>
    %get3A_1845 = arith.constant 896 : index
    %get3A_1846 = tpu.vector_load %arg8[%get3A_1845] {strides = array<i32>} : memref<2048xf32, #tpu.memory_space<vmem>>, vector<16xf32>,
    %get3A_1847 = vector.shape_cast %get3A_1846 : vector<16xf32> to vector<16xf32>
    %add3A_1848 = arith.addf %add3A_1844, %get3A_1847 : vector<16xf32>
    %get3A_1849 = arith.constant 912 : index
    %get3A_1850 = tpu.vector_load %arg8[%get3A_1849] {strides = array<i32>} : memref<2048xf32, #tpu.memory_space<vmem>>, vector<16xf32>,
    %get3A_1851 = vector.shape_cast %get3A_1850 : vector<16xf32> to vector<16xf32>
    %add3A_1852 = arith.addf %add3A_1848, %get3A_1851 : vector<16xf32>
    %get3A_1853 = arith.constant 928 : index
    %get3A_1854 = tpu.vector_load %arg8[%get3A_1853] {strides = array<i32>} : memref<2048xf32, #tpu.memory_space<vmem>>, vector<16xf32>,
    %get3A_1855 = vector.shape_cast %get3A_1854 : vector<16xf32> to vector<16xf32>
    %add3A_1856 = arith.addf %add3A_1852, %get3A_1855 : vector<16xf32>
    %get3A_1857 = arith.constant 944 : index
    %get3A_1858 = tpu.vector_load %arg8[%get3A_1857] {strides = array<i32>} : memref<2048xf32, #tpu.memory_space<vmem>>, vector<16xf32>,
    %get3A_1859 = vector.shape_cast %get3A_1858 : vector<16xf32> to vector<16xf32>
    %add3A_1860 = arith.addf %add3A_1856, %get3A_1859 : vector<16xf32>
    %get3A_1861 = arith.constant 960 : index
    %get3A_1862 = tpu.vector_load %arg8[%get3A_1861] {strides = array<i32>} : memref<2048xf32, #tpu.memory_space<vmem>>, vector<16xf32>,
    %get3A_1863 = vector.shape_cast %get3A_1862 : vector<16xf32> to vector<16xf32>
    %add3A_1864 = arith.addf %add3A_1860, %get3A_1863 : vector<16xf32>
    %get3A_1865 = arith.constant 976 : index
    %get3A_1866 = tpu.vector_load %arg8[%get3A_1865] {strides = array<i32>} : memref<2048xf32, #tpu.memory_space<vmem>>, vector<16xf32>,
    %get3A_1867 = vector.shape_cast %get3A_1866 : vector<16xf32> to vector<16xf32>
    %add3A_1868 = arith.addf %add3A_1864, %get3A_1867 : vector<16xf32>
    %get3A_1869 = arith.constant 992 : index
    %get3A_1870 = tpu.vector_load %arg8[%get3A_1869] {strides = array<i32>} : memref<2048xf32, #tpu.memory_space<vmem>>, vector<16xf32>,
    %get3A_1871 = vector.shape_cast %get3A_1870 : vector<16xf32> to vector<16xf32>
    %add3A_1872 = arith.addf %add3A_1868, %get3A_1871 : vector<16xf32>
    %get3A_1873 = arith.constant 1008 : index
    %get3A_1874 = tpu.vector_load %arg8[%get3A_1873] {strides = array<i32>} : memref<2048xf32, #tpu.memory_space<vmem>>, vector<16xf32>,
    %get3A_1875 = vector.shape_cast %get3A_1874 : vector<16xf32> to vector<16xf32>
    %add3A_1876 = arith.addf %add3A_1872, %get3A_1875 : vector<16xf32>
    %get3A_1877 = arith.constant 1024 : index
    %get3A_1878 = tpu.vector_load %arg8[%get3A_1877] {strides = array<i32>} : memref<2048xf32, #tpu.memory_space<vmem>>, vector<16xf32>,
    %get3A_1879 = vector.shape_cast %get3A_1878 : vector<16xf32> to vector<16xf32>
    %add3A_1880 = arith.addf %add3A_1876, %get3A_1879 : vector<16xf32>
    %get3A_1881 = arith.constant 1040 : index
    %get3A_1882 = tpu.vector_load %arg8[%get3A_1881] {strides = array<i32>} : memref<2048xf32, #tpu.memory_space<vmem>>, vector<16xf32>,
    %get3A_1883 = vector.shape_cast %get3A_1882 : vector<16xf32> to vector<16xf32>
    %add3A_1884 = arith.addf %add3A_1880, %get3A_1883 : vector<16xf32>
    %get3A_1885 = arith.constant 1056 : index
    %get3A_1886 = tpu.vector_load %arg8[%get3A_1885] {strides = array<i32>} : memref<2048xf32, #tpu.memory_space<vmem>>, vector<16xf32>,
    %get3A_1887 = vector.shape_cast %get3A_1886 : vector<16xf32> to vector<16xf32>
    %add3A_1888 = arith.addf %add3A_1884, %get3A_1887 : vector<16xf32>
    %get3A_1889 = arith.constant 1072 : index
    %get3A_1890 = tpu.vector_load %arg8[%get3A_1889] {strides = array<i32>} : memref<2048xf32, #tpu.memory_space<vmem>>, vector<16xf32>,
    %get3A_1891 = vector.shape_cast %get3A_1890 : vector<16xf32> to vector<16xf32>
    %add3A_1892 = arith.addf %add3A_1888, %get3A_1891 : vector<16xf32>
    %get3A_1893 = arith.constant 1088 : index
    %get3A_1894 = tpu.vector_load %arg8[%get3A_1893] {strides = array<i32>} : memref<2048xf32, #tpu.memory_space<vmem>>, vector<16xf32>,
    %get3A_1895 = vector.shape_cast %get3A_1894 : vector<16xf32> to vector<16xf32>
    %add3A_1896 = arith.addf %add3A_1892, %get3A_1895 : vector<16xf32>
    %get3A_1897 = arith.constant 1104 : index
    %get3A_1898 = tpu.vector_load %arg8[%get3A_1897] {strides = array<i32>} : memref<2048xf32, #tpu.memory_space<vmem>>, vector<16xf32>,
    %get3A_1899 = vector.shape_cast %get3A_1898 : vector<16xf32> to vector<16xf32>
    %add3A_1900 = arith.addf %add3A_1896, %get3A_1899 : vector<16xf32>
    %get3A_1901 = arith.constant 1120 : index
    %get3A_1902 = tpu.vector_load %arg8[%get3A_1901] {strides = array<i32>} : memref<2048xf32, #tpu.memory_space<vmem>>, vector<16xf32>,
    %get3A_1903 = vector.shape_cast %get3A_1902 : vector<16xf32> to vector<16xf32>
    %add3A_1904 = arith.addf %add3A_1900, %get3A_1903 : vector<16xf32>
    %get3A_1905 = arith.constant 1136 : index
    %get3A_1906 = tpu.vector_load %arg8[%get3A_1905] {strides = array<i32>} : memref<2048xf32, #tpu.memory_space<vmem>>, vector<16xf32>,
    %get3A_1907 = vector.shape_cast %get3A_1906 : vector<16xf32> to vector<16xf32>
    %add3A_1908 = arith.addf %add3A_1904, %get3A_1907 : vector<16xf32>
    %get3A_1909 = arith.constant 1152 : index
    %get3A_1910 = tpu.vector_load %arg8[%get3A_1909] {strides = array<i32>} : memref<2048xf32, #tpu.memory_space<vmem>>, vector<16xf32>,
    %get3A_1911 = vector.shape_cast %get3A_1910 : vector<16xf32> to vector<16xf32>
    %add3A_1912 = arith.addf %add3A_1908, %get3A_1911 : vector<16xf32>
    %get3A_1913 = arith.constant 1168 : index
    %get3A_1914 = tpu.vector_load %arg8[%get3A_1913] {strides = array<i32>} : memref<2048xf32, #tpu.memory_space<vmem>>, vector<16xf32>,
    %get3A_1915 = vector.shape_cast %get3A_1914 : vector<16xf32> to vector<16xf32>
    %add3A_1916 = arith.addf %add3A_1912, %get3A_1915 : vector<16xf32>
    %get3A_1917 = arith.constant 1184 : index
    %get3A_1918 = tpu.vector_load %arg8[%get3A_1917] {strides = array<i32>} : memref<2048xf32, #tpu.memory_space<vmem>>, vector<16xf32>,
    %get3A_1919 = vector.shape_cast %get3A_1918 : vector<16xf32> to vector<16xf32>
    %add3A_1920 = arith.addf %add3A_1916, %get3A_1919 : vector<16xf32>
    %get3A_1921 = arith.constant 1200 : index
    %get3A_1922 = tpu.vector_load %arg8[%get3A_1921] {strides = array<i32>} : memref<2048xf32, #tpu.memory_space<vmem>>, vector<16xf32>,
    %get3A_1923 = vector.shape_cast %get3A_1922 : vector<16xf32> to vector<16xf32>
    %add3A_1924 = arith.addf %add3A_1920, %get3A_1923 : vector<16xf32>
    %get3A_1925 = arith.constant 1216 : index
    %get3A_1926 = tpu.vector_load %arg8[%get3A_1925] {strides = array<i32>} : memref<2048xf32, #tpu.memory_space<vmem>>, vector<16xf32>,
    %get3A_1927 = vector.shape_cast %get3A_1926 : vector<16xf32> to vector<16xf32>
    %add3A_1928 = arith.addf %add3A_1924, %get3A_1927 : vector<16xf32>
    %get3A_1929 = arith.constant 1232 : index
    %get3A_1930 = tpu.vector_load %arg8[%get3A_1929] {strides = array<i32>} : memref<2048xf32, #tpu.memory_space<vmem>>, vector<16xf32>,
    %get3A_1931 = vector.shape_cast %get3A_1930 : vector<16xf32> to vector<16xf32>
    %add3A_1932 = arith.addf %add3A_1928, %get3A_1931 : vector<16xf32>
    %get3A_1933 = arith.constant 1248 : index
    %get3A_1934 = tpu.vector_load %arg8[%get3A_1933] {strides = array<i32>} : memref<2048xf32, #tpu.memory_space<vmem>>, vector<16xf32>,
    %get3A_1935 = vector.shape_cast %get3A_1934 : vector<16xf32> to vector<16xf32>
    %add3A_1936 = arith.addf %add3A_1932, %get3A_1935 : vector<16xf32>
    %get3A_1937 = arith.constant 1264 : index
    %get3A_1938 = tpu.vector_load %arg8[%get3A_1937] {strides = array<i32>} : memref<2048xf32, #tpu.memory_space<vmem>>, vector<16xf32>,
    %get3A_1939 = vector.shape_cast %get3A_1938 : vector<16xf32> to vector<16xf32>
    %add3A_1940 = arith.addf %add3A_1936, %get3A_1939 : vector<16xf32>
    %get3A_1941 = arith.constant 1280 : index
    %get3A_1942 = tpu.vector_load %arg8[%get3A_1941] {strides = array<i32>} : memref<2048xf32, #tpu.memory_space<vmem>>, vector<16xf32>,
    %get3A_1943 = vector.shape_cast %get3A_1942 : vector<16xf32> to vector<16xf32>
    %add3A_1944 = arith.addf %add3A_1940, %get3A_1943 : vector<16xf32>
    %get3A_1945 = arith.constant 1296 : index
    %get3A_1946 = tpu.vector_load %arg8[%get3A_1945] {strides = array<i32>} : memref<2048xf32, #tpu.memory_space<vmem>>, vector<16xf32>,
    %get3A_1947 = vector.shape_cast %get3A_1946 : vector<16xf32> to vector<16xf32>
    %add3A_1948 = arith.addf %add3A_1944, %get3A_1947 : vector<16xf32>
    %get3A_1949 = arith.constant 1312 : index
    %get3A_1950 = tpu.vector_load %arg8[%get3A_1949] {strides = array<i32>} : memref<2048xf32, #tpu.memory_space<vmem>>, vector<16xf32>,
    %get3A_1951 = vector.shape_cast %get3A_1950 : vector<16xf32> to vector<16xf32>
    %add3A_1952 = arith.addf %add3A_1948, %get3A_1951 : vector<16xf32>
    %get3A_1953 = arith.constant 1328 : index
    %get3A_1954 = tpu.vector_load %arg8[%get3A_1953] {strides = array<i32>} : memref<2048xf32, #tpu.memory_space<vmem>>, vector<16xf32>,
    %get3A_1955 = vector.shape_cast %get3A_1954 : vector<16xf32> to vector<16xf32>
    %add3A_1956 = arith.addf %add3A_1952, %get3A_1955 : vector<16xf32>
    %get3A_1957 = arith.constant 1344 : index
    %get3A_1958 = tpu.vector_load %arg8[%get3A_1957] {strides = array<i32>} : memref<2048xf32, #tpu.memory_space<vmem>>, vector<16xf32>,
    %get3A_1959 = vector.shape_cast %get3A_1958 : vector<16xf32> to vector<16xf32>
    %add3A_1960 = arith.addf %add3A_1956, %get3A_1959 : vector<16xf32>
    %get3A_1961 = arith.constant 1360 : index
    %get3A_1962 = tpu.vector_load %arg8[%get3A_1961] {strides = array<i32>} : memref<2048xf32, #tpu.memory_space<vmem>>, vector<16xf32>,
    %get3A_1963 = vector.shape_cast %get3A_1962 : vector<16xf32> to vector<16xf32>
    %add3A_1964 = arith.addf %add3A_1960, %get3A_1963 : vector<16xf32>
    %get3A_1965 = arith.constant 1376 : index
    %get3A_1966 = tpu.vector_load %arg8[%get3A_1965] {strides = array<i32>} : memref<2048xf32, #tpu.memory_space<vmem>>, vector<16xf32>,
    %get3A_1967 = vector.shape_cast %get3A_1966 : vector<16xf32> to vector<16xf32>
    %add3A_1968 = arith.addf %add3A_1964, %get3A_1967 : vector<16xf32>
    %get3A_1969 = arith.constant 1392 : index
    %get3A_1970 = tpu.vector_load %arg8[%get3A_1969] {strides = array<i32>} : memref<2048xf32, #tpu.memory_space<vmem>>, vector<16xf32>,
    %get3A_1971 = vector.shape_cast %get3A_1970 : vector<16xf32> to vector<16xf32>
    %add3A_1972 = arith.addf %add3A_1968, %get3A_1971 : vector<16xf32>
    %get3A_1973 = arith.constant 1408 : index
    %get3A_1974 = tpu.vector_load %arg8[%get3A_1973] {strides = array<i32>} : memref<2048xf32, #tpu.memory_space<vmem>>, vector<16xf32>,
    %get3A_1975 = vector.shape_cast %get3A_1974 : vector<16xf32> to vector<16xf32>
    %add3A_1976 = arith.addf %add3A_1972, %get3A_1975 : vector<16xf32>
    %get3A_1977 = arith.constant 1424 : index
    %get3A_1978 = tpu.vector_load %arg8[%get3A_1977] {strides = array<i32>} : memref<2048xf32, #tpu.memory_space<vmem>>, vector<16xf32>,
    %get3A_1979 = vector.shape_cast %get3A_1978 : vector<16xf32> to vector<16xf32>
    %add3A_1980 = arith.addf %add3A_1976, %get3A_1979 : vector<16xf32>
    %get3A_1981 = arith.constant 1440 : index
    %get3A_1982 = tpu.vector_load %arg8[%get3A_1981] {strides = array<i32>} : memref<2048xf32, #tpu.memory_space<vmem>>, vector<16xf32>,
    %get3A_1983 = vector.shape_cast %get3A_1982 : vector<16xf32> to vector<16xf32>
    %add3A_1984 = arith.addf %add3A_1980, %get3A_1983 : vector<16xf32>
    %get3A_1985 = arith.constant 1456 : index
    %get3A_1986 = tpu.vector_load %arg8[%get3A_1985] {strides = array<i32>} : memref<2048xf32, #tpu.memory_space<vmem>>, vector<16xf32>,
    %get3A_1987 = vector.shape_cast %get3A_1986 : vector<16xf32> to vector<16xf32>
    %add3A_1988 = arith.addf %add3A_1984, %get3A_1987 : vector<16xf32>
    %get3A_1989 = arith.constant 1472 : index
    %get3A_1990 = tpu.vector_load %arg8[%get3A_1989] {strides = array<i32>} : memref<2048xf32, #tpu.memory_space<vmem>>, vector<16xf32>,
    %get3A_1991 = vector.shape_cast %get3A_1990 : vector<16xf32> to vector<16xf32>
    %add3A_1992 = arith.addf %add3A_1988, %get3A_1991 : vector<16xf32>
    %get3A_1993 = arith.constant 1488 : index
    %get3A_1994 = tpu.vector_load %arg8[%get3A_1993] {strides = array<i32>} : memref<2048xf32, #tpu.memory_space<vmem>>, vector<16xf32>,
    %get3A_1995 = vector.shape_cast %get3A_1994 : vector<16xf32> to vector<16xf32>
    %add3A_1996 = arith.addf %add3A_1992, %get3A_1995 : vector<16xf32>
    %get3A_1997 = arith.constant 1504 : index
    %get3A_1998 = tpu.vector_load %arg8[%get3A_1997] {strides = array<i32>} : memref<2048xf32, #tpu.memory_space<vmem>>, vector<16xf32>,
    %get3A_1999 = vector.shape_cast %get3A_1998 : vector<16xf32> to vector<16xf32>
    %add3A_2000 = arith.addf %add3A_1996, %get3A_1999 : vector<16xf32>
    %get3A_2001 = arith.constant 1520 : index
    %get3A_2002 = tpu.vector_load %arg8[%get3A_2001] {strides = array<i32>} : memref<2048xf32, #tpu.memory_space<vmem>>, vector<16xf32>,
    %get3A_2003 = vector.shape_cast %get3A_2002 : vector<16xf32> to vector<16xf32>
    %add3A_2004 = arith.addf %add3A_2000, %get3A_2003 : vector<16xf32>
    %get3A_2005 = arith.constant 1536 : index
    %get3A_2006 = tpu.vector_load %arg8[%get3A_2005] {strides = array<i32>} : memref<2048xf32, #tpu.memory_space<vmem>>, vector<16xf32>,
    %get3A_2007 = vector.shape_cast %get3A_2006 : vector<16xf32> to vector<16xf32>
    %add3A_2008 = arith.addf %add3A_2004, %get3A_2007 : vector<16xf32>
    %get3A_2009 = arith.constant 1552 : index
    %get3A_2010 = tpu.vector_load %arg8[%get3A_2009] {strides = array<i32>} : memref<2048xf32, #tpu.memory_space<vmem>>, vector<16xf32>,
    %get3A_2011 = vector.shape_cast %get3A_2010 : vector<16xf32> to vector<16xf32>
    %add3A_2012 = arith.addf %add3A_2008, %get3A_2011 : vector<16xf32>
    %get3A_2013 = arith.constant 1568 : index
    %get3A_2014 = tpu.vector_load %arg8[%get3A_2013] {strides = array<i32>} : memref<2048xf32, #tpu.memory_space<vmem>>, vector<16xf32>,
    %get3A_2015 = vector.shape_cast %get3A_2014 : vector<16xf32> to vector<16xf32>
    %add3A_2016 = arith.addf %add3A_2012, %get3A_2015 : vector<16xf32>
    %get3A_2017 = arith.constant 1584 : index
    %get3A_2018 = tpu.vector_load %arg8[%get3A_2017] {strides = array<i32>} : memref<2048xf32, #tpu.memory_space<vmem>>, vector<16xf32>,
    %get3A_2019 = vector.shape_cast %get3A_2018 : vector<16xf32> to vector<16xf32>
    %add3A_2020 = arith.addf %add3A_2016, %get3A_2019 : vector<16xf32>
    %get3A_2021 = arith.constant 1600 : index
    %get3A_2022 = tpu.vector_load %arg8[%get3A_2021] {strides = array<i32>} : memref<2048xf32, #tpu.memory_space<vmem>>, vector<16xf32>,
    %get3A_2023 = vector.shape_cast %get3A_2022 : vector<16xf32> to vector<16xf32>
    %add3A_2024 = arith.addf %add3A_2020, %get3A_2023 : vector<16xf32>
    %get3A_2025 = arith.constant 1616 : index
    %get3A_2026 = tpu.vector_load %arg8[%get3A_2025] {strides = array<i32>} : memref<2048xf32, #tpu.memory_space<vmem>>, vector<16xf32>,
    %get3A_2027 = vector.shape_cast %get3A_2026 : vector<16xf32> to vector<16xf32>
    %add3A_2028 = arith.addf %add3A_2024, %get3A_2027 : vector<16xf32>
    %get3A_2029 = arith.constant 1632 : index
    %get3A_2030 = tpu.vector_load %arg8[%get3A_2029] {strides = array<i32>} : memref<2048xf32, #tpu.memory_space<vmem>>, vector<16xf32>,
    %get3A_2031 = vector.shape_cast %get3A_2030 : vector<16xf32> to vector<16xf32>
    %add3A_2032 = arith.addf %add3A_2028, %get3A_2031 : vector<16xf32>
    %get3A_2033 = arith.constant 1648 : index
    %get3A_2034 = tpu.vector_load %arg8[%get3A_2033] {strides = array<i32>} : memref<2048xf32, #tpu.memory_space<vmem>>, vector<16xf32>,
    %get3A_2035 = vector.shape_cast %get3A_2034 : vector<16xf32> to vector<16xf32>
    %add3A_2036 = arith.addf %add3A_2032, %get3A_2035 : vector<16xf32>
    %get3A_2037 = arith.constant 1664 : index
    %get3A_2038 = tpu.vector_load %arg8[%get3A_2037] {strides = array<i32>} : memref<2048xf32, #tpu.memory_space<vmem>>, vector<16xf32>,
    %get3A_2039 = vector.shape_cast %get3A_2038 : vector<16xf32> to vector<16xf32>
    %add3A_2040 = arith.addf %add3A_2036, %get3A_2039 : vector<16xf32>
    %get3A_2041 = arith.constant 1680 : index
    %get3A_2042 = tpu.vector_load %arg8[%get3A_2041] {strides = array<i32>} : memref<2048xf32, #tpu.memory_space<vmem>>, vector<16xf32>,
    %get3A_2043 = vector.shape_cast %get3A_2042 : vector<16xf32> to vector<16xf32>
    %add3A_2044 = arith.addf %add3A_2040, %get3A_2043 : vector<16xf32>
    %get3A_2045 = arith.constant 1696 : index
    %get3A_2046 = tpu.vector_load %arg8[%get3A_2045] {strides = array<i32>} : memref<2048xf32, #tpu.memory_space<vmem>>, vector<16xf32>,
    %get3A_2047 = vector.shape_cast %get3A_2046 : vector<16xf32> to vector<16xf32>
    %add3A_2048 = arith.addf %add3A_2044, %get3A_2047 : vector<16xf32>
    %get3A_2049 = arith.constant 1712 : index
    %get3A_2050 = tpu.vector_load %arg8[%get3A_2049] {strides = array<i32>} : memref<2048xf32, #tpu.memory_space<vmem>>, vector<16xf32>,
    %get3A_2051 = vector.shape_cast %get3A_2050 : vector<16xf32> to vector<16xf32>
    %add3A_2052 = arith.addf %add3A_2048, %get3A_2051 : vector<16xf32>
    %get3A_2053 = arith.constant 1728 : index
    %get3A_2054 = tpu.vector_load %arg8[%get3A_2053] {strides = array<i32>} : memref<2048xf32, #tpu.memory_space<vmem>>, vector<16xf32>,
    %get3A_2055 = vector.shape_cast %get3A_2054 : vector<16xf32> to vector<16xf32>
    %add3A_2056 = arith.addf %add3A_2052, %get3A_2055 : vector<16xf32>
    %get3A_2057 = arith.constant 1744 : index
    %get3A_2058 = tpu.vector_load %arg8[%get3A_2057] {strides = array<i32>} : memref<2048xf32, #tpu.memory_space<vmem>>, vector<16xf32>,
    %get3A_2059 = vector.shape_cast %get3A_2058 : vector<16xf32> to vector<16xf32>
    %add3A_2060 = arith.addf %add3A_2056, %get3A_2059 : vector<16xf32>
    %get3A_2061 = arith.constant 1760 : index
    %get3A_2062 = tpu.vector_load %arg8[%get3A_2061] {strides = array<i32>} : memref<2048xf32, #tpu.memory_space<vmem>>, vector<16xf32>,
    %get3A_2063 = vector.shape_cast %get3A_2062 : vector<16xf32> to vector<16xf32>
    %add3A_2064 = arith.addf %add3A_2060, %get3A_2063 : vector<16xf32>
    %get3A_2065 = arith.constant 1776 : index
    %get3A_2066 = tpu.vector_load %arg8[%get3A_2065] {strides = array<i32>} : memref<2048xf32, #tpu.memory_space<vmem>>, vector<16xf32>,
    %get3A_2067 = vector.shape_cast %get3A_2066 : vector<16xf32> to vector<16xf32>
    %add3A_2068 = arith.addf %add3A_2064, %get3A_2067 : vector<16xf32>
    %get3A_2069 = arith.constant 1792 : index
    %get3A_2070 = tpu.vector_load %arg8[%get3A_2069] {strides = array<i32>} : memref<2048xf32, #tpu.memory_space<vmem>>, vector<16xf32>,
    %get3A_2071 = vector.shape_cast %get3A_2070 : vector<16xf32> to vector<16xf32>
    %add3A_2072 = arith.addf %add3A_2068, %get3A_2071 : vector<16xf32>
    %get3A_2073 = arith.constant 1808 : index
    %get3A_2074 = tpu.vector_load %arg8[%get3A_2073] {strides = array<i32>} : memref<2048xf32, #tpu.memory_space<vmem>>, vector<16xf32>,
    %get3A_2075 = vector.shape_cast %get3A_2074 : vector<16xf32> to vector<16xf32>
    %add3A_2076 = arith.addf %add3A_2072, %get3A_2075 : vector<16xf32>
    %get3A_2077 = arith.constant 1824 : index
    %get3A_2078 = tpu.vector_load %arg8[%get3A_2077] {strides = array<i32>} : memref<2048xf32, #tpu.memory_space<vmem>>, vector<16xf32>,
    %get3A_2079 = vector.shape_cast %get3A_2078 : vector<16xf32> to vector<16xf32>
    %add3A_2080 = arith.addf %add3A_2076, %get3A_2079 : vector<16xf32>
    %get3A_2081 = arith.constant 1840 : index
    %get3A_2082 = tpu.vector_load %arg8[%get3A_2081] {strides = array<i32>} : memref<2048xf32, #tpu.memory_space<vmem>>, vector<16xf32>,
    %get3A_2083 = vector.shape_cast %get3A_2082 : vector<16xf32> to vector<16xf32>
    %add3A_2084 = arith.addf %add3A_2080, %get3A_2083 : vector<16xf32>
    %get3A_2085 = arith.constant 1856 : index
    %get3A_2086 = tpu.vector_load %arg8[%get3A_2085] {strides = array<i32>} : memref<2048xf32, #tpu.memory_space<vmem>>, vector<16xf32>,
    %get3A_2087 = vector.shape_cast %get3A_2086 : vector<16xf32> to vector<16xf32>
    %add3A_2088 = arith.addf %add3A_2084, %get3A_2087 : vector<16xf32>
    %get3A_2089 = arith.constant 1872 : index
    %get3A_2090 = tpu.vector_load %arg8[%get3A_2089] {strides = array<i32>} : memref<2048xf32, #tpu.memory_space<vmem>>, vector<16xf32>,
    %get3A_2091 = vector.shape_cast %get3A_2090 : vector<16xf32> to vector<16xf32>
    %add3A_2092 = arith.addf %add3A_2088, %get3A_2091 : vector<16xf32>
    %get3A_2093 = arith.constant 1888 : index
    %get3A_2094 = tpu.vector_load %arg8[%get3A_2093] {strides = array<i32>} : memref<2048xf32, #tpu.memory_space<vmem>>, vector<16xf32>,
    %get3A_2095 = vector.shape_cast %get3A_2094 : vector<16xf32> to vector<16xf32>
    %add3A_2096 = arith.addf %add3A_2092, %get3A_2095 : vector<16xf32>
    %get3A_2097 = arith.constant 1904 : index
    %get3A_2098 = tpu.vector_load %arg8[%get3A_2097] {strides = array<i32>} : memref<2048xf32, #tpu.memory_space<vmem>>, vector<16xf32>,
    %get3A_2099 = vector.shape_cast %get3A_2098 : vector<16xf32> to vector<16xf32>
    %add3A_2100 = arith.addf %add3A_2096, %get3A_2099 : vector<16xf32>
    %get3A_2101 = arith.constant 1920 : index
    %get3A_2102 = tpu.vector_load %arg8[%get3A_2101] {strides = array<i32>} : memref<2048xf32, #tpu.memory_space<vmem>>, vector<16xf32>,
    %get3A_2103 = vector.shape_cast %get3A_2102 : vector<16xf32> to vector<16xf32>
    %add3A_2104 = arith.addf %add3A_2100, %get3A_2103 : vector<16xf32>
    %get3A_2105 = arith.constant 1936 : index
    %get3A_2106 = tpu.vector_load %arg8[%get3A_2105] {strides = array<i32>} : memref<2048xf32, #tpu.memory_space<vmem>>, vector<16xf32>,
    %get3A_2107 = vector.shape_cast %get3A_2106 : vector<16xf32> to vector<16xf32>
    %add3A_2108 = arith.addf %add3A_2104, %get3A_2107 : vector<16xf32>
    %get3A_2109 = arith.constant 1952 : index
    %get3A_2110 = tpu.vector_load %arg8[%get3A_2109] {strides = array<i32>} : memref<2048xf32, #tpu.memory_space<vmem>>, vector<16xf32>,
    %get3A_2111 = vector.shape_cast %get3A_2110 : vector<16xf32> to vector<16xf32>
    %add3A_2112 = arith.addf %add3A_2108, %get3A_2111 : vector<16xf32>
    %get3A_2113 = arith.constant 1968 : index
    %get3A_2114 = tpu.vector_load %arg8[%get3A_2113] {strides = array<i32>} : memref<2048xf32, #tpu.memory_space<vmem>>, vector<16xf32>,
    %get3A_2115 = vector.shape_cast %get3A_2114 : vector<16xf32> to vector<16xf32>
    %add3A_2116 = arith.addf %add3A_2112, %get3A_2115 : vector<16xf32>
    %get3A_2117 = arith.constant 1984 : index
    %get3A_2118 = tpu.vector_load %arg8[%get3A_2117] {strides = array<i32>} : memref<2048xf32, #tpu.memory_space<vmem>>, vector<16xf32>,
    %get3A_2119 = vector.shape_cast %get3A_2118 : vector<16xf32> to vector<16xf32>
    %add3A_2120 = arith.addf %add3A_2116, %get3A_2119 : vector<16xf32>
    %get3A_2121 = arith.constant 2000 : index
    %get3A_2122 = tpu.vector_load %arg8[%get3A_2121] {strides = array<i32>} : memref<2048xf32, #tpu.memory_space<vmem>>, vector<16xf32>,
    %get3A_2123 = vector.shape_cast %get3A_2122 : vector<16xf32> to vector<16xf32>
    %add3A_2124 = arith.addf %add3A_2120, %get3A_2123 : vector<16xf32>
    %get3A_2125 = arith.constant 2016 : index
    %get3A_2126 = tpu.vector_load %arg8[%get3A_2125] {strides = array<i32>} : memref<2048xf32, #tpu.memory_space<vmem>>, vector<16xf32>,
    %get3A_2127 = vector.shape_cast %get3A_2126 : vector<16xf32> to vector<16xf32>
    %add3A_2128 = arith.addf %add3A_2124, %get3A_2127 : vector<16xf32>
    %get3A_2129 = arith.constant 2032 : index
    %get3A_2130 = tpu.vector_load %arg8[%get3A_2129] {strides = array<i32>} : memref<2048xf32, #tpu.memory_space<vmem>>, vector<16xf32>,
    %get3A_2131 = vector.shape_cast %get3A_2130 : vector<16xf32> to vector<16xf32>
    %add3A_2132 = arith.addf %add3A_2128, %get3A_2131 : vector<16xf32>
    %swap3A_2133 = arith.constant 0 : index
    %swap3A_2134 = tpu.vector_load %arg9[%swap3A_2133] {strides = array<i32>} : memref<16xf32, #tpu.memory_space<vmem>>, vector<16xf32>,
    %swap3A_2135 = vector.shape_cast %swap3A_2134 : vector<16xf32> to vector<16xf32>
    %swap3A_2136 = vector.shape_cast %add3A_2132 : vector<16xf32> to vector<16xf32>
    tpu.vector_store %arg9[%swap3A_2133], %swap3A_2136 {strides = array<i32>} : memref<16xf32, #tpu.memory_space<vmem>>, vector<16xf32>,
    %mul3A_2137 = arith.constant 16 : i32
    %mul3A_2138 = arith.muli %arg1, %mul3A_2137 : i32
    "tpu.region"() ({
      %run_scoped3A_2141 = tpu.sem_alloc : memref<!tpu.dma_semaphore, #tpu.memory_space<semaphore_mem>>
      %dma_start3A = tpu.memref_slice %arg12[%mul3A_2138] : memref<256xf32, #tpu.memory_space<vmem_shared>> -> memref<16xf32, #tpu.memory_space<vmem_shared>>
      %dma_start3A_2142 = tpu.memref_slice %arg12[%mul3A_2138] : memref<256xf32, #tpu.memory_space<vmem_shared>> -> memref<16xf32, #tpu.memory_space<vmem_shared>>
      tpu.enqueue_dma source(%arg9 : memref<16xf32, #tpu.memory_space<vmem>>) target(%dma_start3A_2142 : memref<16xf32, #tpu.memory_space<vmem_shared>>) target_semaphore(%run_scoped3A_2141 : memref<!tpu.dma_semaphore, #tpu.memory_space<semaphore_mem>>)
      %dma_wait3A = tpu.memref_slice %arg12[%mul3A_2138] : memref<256xf32, #tpu.memory_space<vmem_shared>> -> memref<16xf32, #tpu.memory_space<vmem_shared>>
      %dma_wait3A_2143 = tpu.memref_slice %arg12[%mul3A_2138] : memref<256xf32, #tpu.memory_space<vmem_shared>> -> memref<16xf32, #tpu.memory_space<vmem_shared>>
      tpu.wait_dma2 semaphore(%run_scoped3A_2141 : memref<!tpu.dma_semaphore, #tpu.memory_space<semaphore_mem>>) src(%arg9 : memref<16xf32, #tpu.memory_space<vmem>>) dst(%dma_wait3A_2143 : memref<16xf32, #tpu.memory_space<vmem_shared>>)
      tpu.yield
    }) : () -> ()
    %barrier3A = arith.constant 0 : index
    tpu.barrier barrier_id(%barrier3A)
    %eq3A = arith.constant 0 : i32
    %eq3A_2139 = arith.cmpi eq, %arg1, %eq3A : i32
    %convert_element_type3A = arith.extui %eq3A_2139 : i1 to i32
    %cond3A = arith.constant 0 : i32
    %cond3A_2140 = arith.cmpi ne, %convert_element_type3A, %cond3A : i32
    scf.if %cond3A_2140 {
      "tpu.region"() ({
        %run_scoped3A_2209 = tpu.sem_alloc : memref<!tpu.dma_semaphore, #tpu.memory_space<semaphore_mem>>
        tpu.enqueue_dma source(%arg12 : memref<256xf32, #tpu.memory_space<vmem_shared>>) target(%arg10 : memref<256xf32, #tpu.memory_space<vmem>>) target_semaphore(%run_scoped3A_2209 : memref<!tpu.dma_semaphore, #tpu.memory_space<semaphore_mem>>)
        tpu.wait_dma2 semaphore(%run_scoped3A_2209 : memref<!tpu.dma_semaphore, #tpu.memory_space<semaphore_mem>>) src(%arg12 : memref<256xf32, #tpu.memory_space<vmem_shared>>) dst(%arg10 : memref<256xf32, #tpu.memory_space<vmem>>)
        tpu.yield
      }) : () -> ()
      %get3A_2141 = arith.constant 0 : index
      %get3A_2142 = tpu.vector_load %arg10[%get3A_2141] {strides = array<i32>} : memref<256xf32, #tpu.memory_space<vmem>>, vector<16xf32>,
      %get3A_2143 = vector.shape_cast %get3A_2142 : vector<16xf32> to vector<16xf32>
      %add3A_2144 = arith.addf %broadcast_in_dim3A_1093, %get3A_2143 : vector<16xf32>
      %get3A_2145 = arith.constant 16 : index
      %get3A_2146 = tpu.vector_load %arg10[%get3A_2145] {strides = array<i32>} : memref<256xf32, #tpu.memory_space<vmem>>, vector<16xf32>,
      %get3A_2147 = vector.shape_cast %get3A_2146 : vector<16xf32> to vector<16xf32>
      %add3A_2148 = arith.addf %add3A_2144, %get3A_2147 : vector<16xf32>
      %get3A_2149 = arith.constant 32 : index
      %get3A_2150 = tpu.vector_load %arg10[%get3A_2149] {strides = array<i32>} : memref<256xf32, #tpu.memory_space<vmem>>, vector<16xf32>,
      %get3A_2151 = vector.shape_cast %get3A_2150 : vector<16xf32> to vector<16xf32>
      %add3A_2152 = arith.addf %add3A_2148, %get3A_2151 : vector<16xf32>
      %get3A_2153 = arith.constant 48 : index
      %get3A_2154 = tpu.vector_load %arg10[%get3A_2153] {strides = array<i32>} : memref<256xf32, #tpu.memory_space<vmem>>, vector<16xf32>,
      %get3A_2155 = vector.shape_cast %get3A_2154 : vector<16xf32> to vector<16xf32>
      %add3A_2156 = arith.addf %add3A_2152, %get3A_2155 : vector<16xf32>
      %get3A_2157 = arith.constant 64 : index
      %get3A_2158 = tpu.vector_load %arg10[%get3A_2157] {strides = array<i32>} : memref<256xf32, #tpu.memory_space<vmem>>, vector<16xf32>,
      %get3A_2159 = vector.shape_cast %get3A_2158 : vector<16xf32> to vector<16xf32>
      %add3A_2160 = arith.addf %add3A_2156, %get3A_2159 : vector<16xf32>
      %get3A_2161 = arith.constant 80 : index
      %get3A_2162 = tpu.vector_load %arg10[%get3A_2161] {strides = array<i32>} : memref<256xf32, #tpu.memory_space<vmem>>, vector<16xf32>,
      %get3A_2163 = vector.shape_cast %get3A_2162 : vector<16xf32> to vector<16xf32>
      %add3A_2164 = arith.addf %add3A_2160, %get3A_2163 : vector<16xf32>
      %get3A_2165 = arith.constant 96 : index
      %get3A_2166 = tpu.vector_load %arg10[%get3A_2165] {strides = array<i32>} : memref<256xf32, #tpu.memory_space<vmem>>, vector<16xf32>,
      %get3A_2167 = vector.shape_cast %get3A_2166 : vector<16xf32> to vector<16xf32>
      %add3A_2168 = arith.addf %add3A_2164, %get3A_2167 : vector<16xf32>
      %get3A_2169 = arith.constant 112 : index
      %get3A_2170 = tpu.vector_load %arg10[%get3A_2169] {strides = array<i32>} : memref<256xf32, #tpu.memory_space<vmem>>, vector<16xf32>,
      %get3A_2171 = vector.shape_cast %get3A_2170 : vector<16xf32> to vector<16xf32>
      %add3A_2172 = arith.addf %add3A_2168, %get3A_2171 : vector<16xf32>
      %get3A_2173 = arith.constant 128 : index
      %get3A_2174 = tpu.vector_load %arg10[%get3A_2173] {strides = array<i32>} : memref<256xf32, #tpu.memory_space<vmem>>, vector<16xf32>,
      %get3A_2175 = vector.shape_cast %get3A_2174 : vector<16xf32> to vector<16xf32>
      %add3A_2176 = arith.addf %add3A_2172, %get3A_2175 : vector<16xf32>
      %get3A_2177 = arith.constant 144 : index
      %get3A_2178 = tpu.vector_load %arg10[%get3A_2177] {strides = array<i32>} : memref<256xf32, #tpu.memory_space<vmem>>, vector<16xf32>,
      %get3A_2179 = vector.shape_cast %get3A_2178 : vector<16xf32> to vector<16xf32>
      %add3A_2180 = arith.addf %add3A_2176, %get3A_2179 : vector<16xf32>
      %get3A_2181 = arith.constant 160 : index
      %get3A_2182 = tpu.vector_load %arg10[%get3A_2181] {strides = array<i32>} : memref<256xf32, #tpu.memory_space<vmem>>, vector<16xf32>,
      %get3A_2183 = vector.shape_cast %get3A_2182 : vector<16xf32> to vector<16xf32>
      %add3A_2184 = arith.addf %add3A_2180, %get3A_2183 : vector<16xf32>
      %get3A_2185 = arith.constant 176 : index
      %get3A_2186 = tpu.vector_load %arg10[%get3A_2185] {strides = array<i32>} : memref<256xf32, #tpu.memory_space<vmem>>, vector<16xf32>,
      %get3A_2187 = vector.shape_cast %get3A_2186 : vector<16xf32> to vector<16xf32>
      %add3A_2188 = arith.addf %add3A_2184, %get3A_2187 : vector<16xf32>
      %get3A_2189 = arith.constant 192 : index
      %get3A_2190 = tpu.vector_load %arg10[%get3A_2189] {strides = array<i32>} : memref<256xf32, #tpu.memory_space<vmem>>, vector<16xf32>,
      %get3A_2191 = vector.shape_cast %get3A_2190 : vector<16xf32> to vector<16xf32>
      %add3A_2192 = arith.addf %add3A_2188, %get3A_2191 : vector<16xf32>
      %get3A_2193 = arith.constant 208 : index
      %get3A_2194 = tpu.vector_load %arg10[%get3A_2193] {strides = array<i32>} : memref<256xf32, #tpu.memory_space<vmem>>, vector<16xf32>,
      %get3A_2195 = vector.shape_cast %get3A_2194 : vector<16xf32> to vector<16xf32>
      %add3A_2196 = arith.addf %add3A_2192, %get3A_2195 : vector<16xf32>
      %get3A_2197 = arith.constant 224 : index
      %get3A_2198 = tpu.vector_load %arg10[%get3A_2197] {strides = array<i32>} : memref<256xf32, #tpu.memory_space<vmem>>, vector<16xf32>,
      %get3A_2199 = vector.shape_cast %get3A_2198 : vector<16xf32> to vector<16xf32>
      %add3A_2200 = arith.addf %add3A_2196, %get3A_2199 : vector<16xf32>
      %get3A_2201 = arith.constant 240 : index
      %get3A_2202 = tpu.vector_load %arg10[%get3A_2201] {strides = array<i32>} : memref<256xf32, #tpu.memory_space<vmem>>, vector<16xf32>,
      %get3A_2203 = vector.shape_cast %get3A_2202 : vector<16xf32> to vector<16xf32>
      %add3A_2204 = arith.addf %add3A_2200, %get3A_2203 : vector<16xf32>
      %swap3A_2205 = arith.constant 0 : index
      %swap3A_2206 = tpu.vector_load %arg9[%swap3A_2205] {strides = array<i32>} : memref<16xf32, #tpu.memory_space<vmem>>, vector<16xf32>,
      %swap3A_2207 = vector.shape_cast %swap3A_2206 : vector<16xf32> to vector<16xf32>
      %swap3A_2208 = vector.shape_cast %add3A_2204 : vector<16xf32> to vector<16xf32>
      tpu.vector_store %arg9[%swap3A_2205], %swap3A_2208 {strides = array<i32>} : memref<16xf32, #tpu.memory_space<vmem>>, vector<16xf32>,
      "tpu.region"() ({
        %run_scoped3A_2209 = tpu.sem_alloc : memref<!tpu.dma_semaphore, #tpu.memory_space<semaphore_mem>>
        %dma_start3A = arith.constant 0 : i32
        %dma_start3A_2210 = tpu.memref_slice %arg4[%arg0, %dma_start3A] : memref<2x16xf32, #tpu.memory_space<hbm>> -> memref<1x16xf32, #tpu.memory_space<hbm>>
        %dma_start3A_2211 = tpu.memref_squeeze %dma_start3A_2210 : memref<1x16xf32, #tpu.memory_space<hbm>> -> memref<16xf32, #tpu.memory_space<hbm>>
        %dma_start3A_2212 = arith.constant 0 : i32
        %dma_start3A_2213 = tpu.memref_slice %arg4[%arg0, %dma_start3A_2212] : memref<2x16xf32, #tpu.memory_space<hbm>> -> memref<1x16xf32, #tpu.memory_space<hbm>>
        %dma_start3A_2214 = tpu.memref_squeeze %dma_start3A_2213 : memref<1x16xf32, #tpu.memory_space<hbm>> -> memref<16xf32, #tpu.memory_space<hbm>>
        tpu.enqueue_dma source(%arg9 : memref<16xf32, #tpu.memory_space<vmem>>) target(%dma_start3A_2214 : memref<16xf32, #tpu.memory_space<hbm>>) target_semaphore(%run_scoped3A_2209 : memref<!tpu.dma_semaphore, #tpu.memory_space<semaphore_mem>>)
        %dma_wait3A = arith.constant 0 : i32
        %dma_wait3A_2215 = tpu.memref_slice %arg4[%arg0, %dma_wait3A] : memref<2x16xf32, #tpu.memory_space<hbm>> -> memref<1x16xf32, #tpu.memory_space<hbm>>
        %dma_wait3A_2216 = tpu.memref_squeeze %dma_wait3A_2215 : memref<1x16xf32, #tpu.memory_space<hbm>> -> memref<16xf32, #tpu.memory_space<hbm>>
        %dma_wait3A_2217 = arith.constant 0 : i32
        %dma_wait3A_2218 = tpu.memref_slice %arg4[%arg0, %dma_wait3A_2217] : memref<2x16xf32, #tpu.memory_space<hbm>> -> memref<1x16xf32, #tpu.memory_space<hbm>>
        %dma_wait3A_2219 = tpu.memref_squeeze %dma_wait3A_2218 : memref<1x16xf32, #tpu.memory_space<hbm>> -> memref<16xf32, #tpu.memory_space<hbm>>
        tpu.wait_dma2 semaphore(%run_scoped3A_2209 : memref<!tpu.dma_semaphore, #tpu.memory_space<semaphore_mem>>) src(%arg9 : memref<16xf32, #tpu.memory_space<vmem>>) dst(%dma_wait3A_2219 : memref<16xf32, #tpu.memory_space<hbm>>)
        tpu.yield
      }) : () -> ()
    } else {
    }
    return
  }
}

module attributes {stable_mosaic.version = 14 : i64} {
  func.func @_mlp_body(%arg0: i32, %arg1: memref<8192x256xf32, #tpu.memory_space<vmem>>, %arg2: memref<256x128xf32, #tpu.memory_space<vmem>>, %arg3: memref<1x128xf32, #tpu.memory_space<vmem>>, %arg4: memref<1x128xf32, #tpu.memory_space<vmem>>, %arg5: memref<1x1xf32, #tpu.memory_space<vmem>>, %arg6: memref<64x128xf32, #tpu.memory_space<vmem>>) attributes {dimension_semantics = [#tpu.dimension_semantics<arbitrary>], iteration_bounds = array<i64: 4>, scalar_prefetch = 0 : i64, scratch_operands = 0 : i64, tpu.core_type = #tpu.core_type<tc>, window_params = [{transform_indices = @transform_0, window_bounds = array<i64: 8192, 256>}, {pipeline_mode = #tpu.pipeline_mode<synchronous>, transform_indices = @transform_1, window_bounds = array<i64: 256, 128>}, {pipeline_mode = #tpu.pipeline_mode<synchronous>, transform_indices = @transform_2, window_bounds = array<i64: 1, 128>}, {pipeline_mode = #tpu.pipeline_mode<synchronous>, transform_indices = @transform_3, window_bounds = array<i64: 1, 128>}, {pipeline_mode = #tpu.pipeline_mode<synchronous>, transform_indices = @transform_4, window_bounds = array<i64: 1, 1>}, {transform_indices = @transform_5, window_bounds = array<i64: 64, 128>}]} {
    %get3A = arith.constant 0 : index
    %get3A_0 = arith.constant 0 : index
    %get3A_1 = vector.load %arg1[%get3A, %get3A_0] : memref<8192x256xf32, #tpu.memory_space<vmem>>, vector<8192x256xf32>
    %get3A_2 = arith.constant 0 : index
    %get3A_3 = arith.constant 0 : index
    %get3A_4 = vector.load %arg2[%get3A_2, %get3A_3] : memref<256x128xf32, #tpu.memory_space<vmem>>, vector<256x128xf32>
    %dot_general3A = arith.constant dense<0.000000e+00> : vector<8192x128xf32>
    %dot_general3A_5 = tpu.matmul %get3A_1, %get3A_4, %dot_general3A {dimension_numbers = #tpu.dot_dimension_numbers<[1], [0], [0], [1], [0, 0, 1, 1], [], []>, transpose_lhs_hint = false} : vector<8192x256xf32>, vector<256x128xf32>, vector<8192x128xf32> -> vector<8192x128xf32>
    %get3A_6 = arith.constant 0 : index
    %get3A_7 = arith.constant 0 : index
    %get3A_8 = vector.load %arg3[%get3A_6, %get3A_7] : memref<1x128xf32, #tpu.memory_space<vmem>>, vector<1x128xf32>
    %add3A = vector.broadcast %get3A_8 : vector<1x128xf32> to vector<8192x128xf32>
    %add3A_9 = arith.addf %dot_general3A_5, %add3A : vector<8192x128xf32>
    %logistic3A = arith.negf %add3A_9 : vector<8192x128xf32>
    %logistic3A_10 = math.exp %logistic3A : vector<8192x128xf32>
    %logistic3A_11 = arith.constant 1.000000e+00 : f32
    %logistic3A_12 = vector.broadcast %logistic3A_11 : f32 to vector<8192x128xf32>
    %logistic3A_13 = arith.addf %logistic3A_12, %logistic3A_10 : vector<8192x128xf32>
    %logistic3A_14 = arith.divf %logistic3A_12, %logistic3A_13 : vector<8192x128xf32>
    %mul3A = arith.mulf %add3A_9, %logistic3A_14 : vector<8192x128xf32>
    %get3A_15 = arith.constant 0 : index
    %get3A_16 = arith.constant 0 : index
    %get3A_17 = vector.load %arg4[%get3A_15, %get3A_16] : memref<1x128xf32, #tpu.memory_space<vmem>>, vector<1x128xf32>
    %mul3A_18 = vector.broadcast %get3A_17 : vector<1x128xf32> to vector<8192x128xf32>
    %mul3A_19 = arith.mulf %mul3A, %mul3A_18 : vector<8192x128xf32>
    %reduce_sum3A = arith.constant dense<0.000000e+00> : vector<8192xf32>
    %reduce_sum3A_20 = vector.multi_reduction <add>, %mul3A_19, %reduce_sum3A [1] : vector<8192x128xf32> to vector<8192xf32>
    %reshape3A = vector.shape_cast %reduce_sum3A_20 : vector<8192xf32> to vector<64x128xf32>
    %get3A_21 = arith.constant 0 : index
    %get3A_22 = arith.constant 0 : index
    %get3A_23 = vector.load %arg5[%get3A_21, %get3A_22] : memref<1x1xf32, #tpu.memory_space<vmem>>, vector<1x1xf32>
    %add3A_24 = vector.broadcast %get3A_23 : vector<1x1xf32> to vector<64x128xf32>
    %add3A_25 = arith.addf %reshape3A, %add3A_24 : vector<64x128xf32>
    %swap3A = arith.constant 0 : index
    %swap3A_26 = arith.constant 0 : index
    %swap3A_27 = vector.load %arg6[%swap3A, %swap3A_26] : memref<64x128xf32, #tpu.memory_space<vmem>>, vector<64x128xf32>
    tpu.vector_store %arg6[%swap3A, %swap3A_26], %add3A_25 {strides = array<i32>} : memref<64x128xf32, #tpu.memory_space<vmem>>, vector<64x128xf32>,
    return
  }
  func.func @transform_0(%arg0: i32) -> (i32, i32) {
    %c0_i32 = arith.constant 0 : i32
    %c0_i32_0 = arith.constant 0 : i32
    return %arg0, %c0_i32 : i32, i32
  }
  func.func @transform_1(%arg0: i32) -> (i32, i32) {
    %c0_i32 = arith.constant 0 : i32
    %c0_i32_0 = arith.constant 0 : i32
    %c0_i32_1 = arith.constant 0 : i32
    return %c0_i32, %c0_i32_0 : i32, i32
  }
  func.func @transform_2(%arg0: i32) -> (i32, i32) {
    %c0_i32 = arith.constant 0 : i32
    %c0_i32_0 = arith.constant 0 : i32
    %c0_i32_1 = arith.constant 0 : i32
    return %c0_i32, %c0_i32_0 : i32, i32
  }
  func.func @transform_3(%arg0: i32) -> (i32, i32) {
    %c0_i32 = arith.constant 0 : i32
    %c0_i32_0 = arith.constant 0 : i32
    %c0_i32_1 = arith.constant 0 : i32
    return %c0_i32, %c0_i32_0 : i32, i32
  }
  func.func @transform_4(%arg0: i32) -> (i32, i32) {
    %c0_i32 = arith.constant 0 : i32
    %c0_i32_0 = arith.constant 0 : i32
    %c0_i32_1 = arith.constant 0 : i32
    return %c0_i32, %c0_i32_0 : i32, i32
  }
  func.func @transform_5(%arg0: i32) -> (i32, i32) {
    %c0_i32 = arith.constant 0 : i32
    %c0_i32_0 = arith.constant 0 : i32
    return %arg0, %c0_i32 : i32, i32
  }
}

</mosaic_0001>

<sc_bundles>
// kernel: kernel.4.cloned.1.call-start
scs
__scs_entry_jumppad:
0x0: {  	(pc) =	sbr.rel $0x88, $3  }
0x1: {  	(tag) =	ssettag $0x0;
	lr =	simm.s32 $0x1  }
0x2: {  	[smem:$0x3F9B] =	sst lr;
	_ =	strace $0xD0000000  }
0x3: {  	_ = 	snop  }
0x4: {  	_ = 	snop  }
0x5: {  	_ = 	snop  }
0x6: {  	_ = 	snop  }
0x7: {  	_ = 	snop  }
__scs_overlays_trampoline_lowered:
0x8: {  	[smem:$0x3FAA] =	sst s0  }
0x9: {  	[smem:$0x3FAB] =	sst s1  }
0xa: {  	[smem:$0x3FAC] =	sst s2  }
0xb: {  	[smem:$0x3FAD] =	sst s3  }
0xc: {  	[smem:$0x3FAE] =	sst s4  }
0xd: {  	[smem:$0x3FAF] =	sst s5  }
0xe: {  	[smem:$0x3FB0] =	sst s6  }
0xf: {  	[smem:$0x3FB1] =	sst s7  }
0x10: {  	[smem:$0x3FB2] =	sst s8  }
0x11: {  	[smem:$0x3FB3] =	sst s9;
	s0 =	simm.s32 @!p0 $0x0  }
0x12: {  	s1 =	sld [smem:$0x3F99];
	s0 =	simm.s32 @p0 $0x1  }
0x13: {  	[smem:$0x3FB4] =	sst s0;
	s0 =	simm.s32 @!p1 $0x0  }
0x14: {  	s2 =	sld [smem:$0x3F98];
	s0 =	simm.s32 @p1 $0x1  }
0x15: {  	[smem:$0x3FB5] =	sst s0;
	s0 =	simm.s32 @!p2 $0x0  }
0x16: {  	s3 =	sld [smem:$0x3FDB];
	s0 =	simm.s32 @p2 $0x1  }
0x17: {  	s4 =	simm.s32 $0x1BF5;
	[smem:$0x3FB7] =	sst s0  }
0x18: {  	s0 =	sld [smem:$0x3F9A];
	_ =	swait.ge [sflag:s4], $0x0  }
0x19: {  	s7 =	sld [smem:$0x3F9B]  }
0x1a: {  	s8 =	sadd.s32 $0xFFFFE003, lr  }
0x1b: {  	s9 =	sadd.s32 $0xFFFFFEF7, lr;
	s5 =	simm.s32 $0xFFFFFFFF;
	p2 =	slt.u32 s8, $0xFFFFF086  }
0x1c: {  	p1 =	slt.u32 s9, $0xF7A;
	s5 =	simm.s32 @!p2 $0x0  }
0x1d: {  	s5 =	simm.s32 @p1 $0x1;
	p0 =	seq.s32 s7, s2  }
0x1e: {  	s7 =	smul.u32 @!p0 $0xF7A, s2;
	p2 =	seq.s32 @!p0 s5, $0x0  }
0x1f: {  	s9 =	smul.u32 $0xF7A, s1;
	s8 =	simm.s32 @!p0 $0x1BF5;
	p2 =	por !p2, p0  }
0x20: {  	[sflag:s8] =	ssyncset.s32 @!p0 $0xFFFFF086;
	s6 =	sadd.s32 @!p0 s3, s7;
	s7 =	simm.s32 @!p0 $0x108  }
0x21: {  	s3 =	sadd.s32 s3, s9;
	s6 =	sadd.s32 @!p0 $0x88, s6;
	s7 =	simm.s32 @p2 $0x1082  }
0x22: {  	[simem:s7], [sflag:s8] =	dma.local @!p0 [hbm:s6], $0xF7A  }
0x23: {  	s9 =	sor.u32 $0xD0000000, s2;
	s6 =	simm.s32 $0x108;
	_ =	swait.ge @!p0 [sflag:s8], $0x0  }
0x24: {  	s3 =	sadd.s32 $0x88, s3;
	s6 =	simm.s32 @!p1 $0x1082;
	[sflag:s4] =	ssyncset.s32 $0xFFFFF086  }
0x25: {  	[simem:s6], [sflag:s4] =	dma.local [hbm:s3], $0xF7A  }
0x26: {  	[smem:$0x3F9B] =	sst s1;
	(tag) =	ssettag s2;
	_ =	strace s9  }
0x27: {  	s1 =	sld [smem:$0x3FAB]  }
0x28: {  	s2 =	sld [smem:$0x3FAC]  }
0x29: {  	s4 =	sld [smem:$0x3FAE]  }
0x2a: {  	p0 =	seq.s32 s5, $0x0;
	s5 =	sld [smem:$0x3FAF]  }
0x2b: {  	s6 =	sld [smem:$0x3FB0]  }
0x2c: {  	s7 =	sld [smem:$0x3FB1]  }
0x2d: {  	s3 =	simm.s32 $0x108;
	s8 =	sld [smem:$0x3FB2]  }
0x2e: {  	s3 =	simm.s32 @!p0 $0x1082;
	s9 =	sld [smem:$0x3FB3]  }
0x2f: {  	lr =	sadd.s32 s0, s3;
	s0 =	sld [smem:$0x3FAA]  }
0x30: {  	s3 =	sld [smem:$0x3FAD]  }
0x31: {  	[smem:$0x3FB6] =	sst s10  }
0x32: {  	s10 =	sld [smem:$0x3FB4];
	_ =	sdelay $0x3  }
0x33: {  	p0 =	seq.s32 s10, $0x1;
	s10 =	sld [smem:$0x3FB6];
	_ =	sdelay $0x3  }
0x34: {  	[smem:$0x3FB6] =	sst s10  }
0x35: {  	s10 =	sld [smem:$0x3FB5];
	_ =	sdelay $0x3  }
0x36: {  	p1 =	seq.s32 s10, $0x1;
	s10 =	sld [smem:$0x3FB6];
	_ =	sdelay $0x3  }
0x37: {  	[smem:$0x3FB6] =	sst s10  }
0x38: {  	s10 =	sld [smem:$0x3FB7]  }
0x39: {  	_ = 	snop;
	(pc) =	sbr.ind lr, $3  }
0x3a: {  	_ = 	snop  }
0x3b: {  	_ = 	snop  }
0x3c: {  	p2 =	seq.s32 s10, $0x1;
	s10 =	sld [smem:$0x3FB6]  }
0x3d: {  	_ =	shalt  }
0x3e: {  	_ =	shalt  }
0x3f: {  	_ =	shalt  }
0x40: {  	_ =	shalt  }
0x41: {  	_ =	shalt  }
0x42: {  	_ =	shalt  }
0x43: {  	_ =	shalt  }
0x44: {  	_ =	shalt  }
0x45: {  	_ =	shalt  }
0x46: {  	_ =	shalt  }
0x47: {  	_ =	shalt  }
0x48: {  	_ =	shalt  }
0x49: {  	_ =	shalt  }
0x4a: {  	_ =	shalt  }
0x4b: {  	_ =	shalt  }
0x4c: {  	_ =	shalt  }
0x4d: {  	_ =	shalt  }
0x4e: {  	_ =	shalt  }
0x4f: {  	_ =	shalt  }
0x50: {  	_ =	shalt  }
0x51: {  	_ =	shalt  }
0x52: {  	_ =	shalt  }
0x53: {  	_ =	shalt  }
0x54: {  	_ =	shalt  }
0x55: {  	_ =	shalt  }
0x56: {  	_ =	shalt  }
0x57: {  	_ =	shalt  }
0x58: {  	_ =	shalt  }
0x59: {  	_ =	shalt  }
0x5a: {  	_ =	shalt  }
0x5b: {  	_ =	shalt  }
0x5c: {  	_ =	shalt  }
0x5d: {  	_ =	shalt  }
0x5e: {  	_ =	shalt  }
0x5f: {  	_ =	shalt  }
0x60: {  	_ =	shalt  }
0x61: {  	_ =	shalt  }
0x62: {  	_ =	shalt  }
0x63: {  	_ =	shalt  }
0x64: {  	_ =	shalt  }
0x65: {  	_ =	shalt  }
0x66: {  	_ =	shalt  }
0x67: {  	_ =	shalt  }
0x68: {  	_ =	shalt  }
0x69: {  	_ =	shalt  }
0x6a: {  	_ =	shalt  }
0x6b: {  	_ =	shalt  }
0x6c: {  	_ =	shalt  }
0x6d: {  	_ =	shalt  }
0x6e: {  	_ =	shalt  }
0x6f: {  	_ =	shalt  }
0x70: {  	_ =	shalt  }
0x71: {  	_ =	shalt  }
0x72: {  	_ =	shalt  }
0x73: {  	_ =	shalt  }
0x74: {  	_ =	shalt  }
0x75: {  	_ =	shalt  }
0x76: {  	_ =	shalt  }
0x77: {  	_ =	shalt  }
0x78: {  	_ =	shalt  }
0x79: {  	_ =	shalt  }
0x7a: {  	_ =	shalt  }
0x7b: {  	_ =	shalt  }
0x7c: {  	_ =	shalt  }
0x7d: {  	_ =	shalt  }
0x7e: {  	_ =	shalt  }
0x7f: {  	_ =	shalt  }
0x80: {  	_ =	shalt  }
0x81: {  	_ =	shalt  }
0x82: {  	_ =	shalt  }
0x83: {  	_ =	shalt  }
0x84: {  	_ =	shalt  }
0x85: {  	_ =	shalt  }
0x86: {  	_ =	shalt  }
0x87: {  	_ =	shalt  }
.Lfunc_end0:
.L_simem_size_0:
called_computation_lowered:
.L_overlay_start_0:
0x88: {  	s2 =	sld [smem:$0x3FD9]  }
0x89: {  	s3 =	sld [smem:$0x3FFE];
	_ =	sdelay $0x1  }
0x8a: {  	s1 =	srdreg.scid  }
0x8b: {  	s0 =	sand.u32 $0x1, s1  }
0x8c: {  	s17 =	sshll.u32 s0, $0xA;
	s2 =	sadd.s32 s3, s2  }
0x8d: {  	s2 =	sadd.s32 s2, s17  }
0x8e: {  	[smem:$0x3FC2] =	sst s2  }
0x8f: {  	_ = 	snop  }
0x90: {  	s2 =	sld [smem:$0x3FC8];
	(tm) =	ssettm $0x1  }
0x91: {  	s18 =	sld [smem:$0x3FFB];
	_ =	sdelay $0x3  }
0x92: {  	_ =	strace s18  }
0x93: {  	s3 =	sld [smem:$0x3FFC];
	_ =	sdelay $0x3  }
0x94: {  	_ =	strace s3  }
0x95: {  	s3 =	sld [smem:$0x3FFD];
	_ =	sdelay $0x3  }
0x96: {  	_ =	strace s3  }
0x97: {  	_ =	strace $0x8FFFFFFF  }
0x98: {  	s19 =	sld [smem:$0x3FDB];
	_ =	sdelay $0x1  }
0x99: {  	s4 =	simm.s32 $_scs_section_size  }
0x9a: {  	s5 =	simm.s32 $_size__tile_overlayer_lowered;
	s6 =	simm.s32 $_tile_overlayer_lowered  }
0x9b: {  	s22 =	simm.s32 $0x1BFF;
	s21 =	sshll.u32 s6, $0x1;
	s3 =	sadd.s32 s4, s19  }
0x9c: {  	s7 =	simm.s32 $0x0;
	s20 =	sshll.u32 s5, $0x1;
	s5 =	sadd.s32 s21, s3  }
0x9d: {  	[timem:s7], [sflag:s22] =	dma.local [hbm:s5], s20  }
0x9e: {  	_ =	swait.ge [sflag:s22], s20  }
0x9f: {  	s4 =	ssub.s32 $0x0, s20;
	[sflag:s22] =	ssyncset.done $0x0  }
0xa0: {  	[sflag:s22] =	ssyncadd.s32 s4;
	_ =	sdelay $0x1  }
0xa1: {  	s23 =	simm.s32 $0x1B8B  }
0xa2: {  	_ =	swait.ge [sflag:s23], $0x1  }
0xa3: {  	[sflag:s23] =	ssyncset.done $0x0  }
0xa4: {  	s25 =	simm.s32 $0x1B8E;
	s24 =	sld [smem:$0x3FFE];
	[sflag:s23] =	ssyncadd.s32 $0xFFFFFFFF  }
0xa5: {  	s26 =	simm.s32 $execute0_lowered;
	[smem:$0x3FD2] =	sst s25  }
0xa6: {  	s5 =	sshll.u32 s26, $0x1;
	_ =	strace $0x80000046;
	[dreg:$0x1] =	wrdreg $0xFFFFFFFF  }
0xa7: {  	s28 =	simm.s32 $_size_execute0_lowered;
	s3 =	sadd.s32 s3, s5;
	[dreg:$0x0] =	wrdreg $0x0  }
0xa8: {  	s5 =	sshll.u32 s28, $0x1;
	[dreg:$0x2] =	wrdreg s3  }
0xa9: {  	[dreg:$0x3] =	wrdreg s5  }
0xaa: {  	[dreg:$0x4] =	wrdreg $0xC0  }
0xab: {  	_ =	task [dreg:s7], $0x5FFFF  }
0xac: {  	[dreg:$0x1] =	wrdreg $0xFFFFFFFF  }
0xad: {  	[dreg:$0x0] =	wrdreg $0x60  }
0xae: {  	[dreg:$0x2] =	wrdreg s24  }
0xaf: {  	[dreg:$0x3] =	wrdreg s2  }
0xb0: {  	[dreg:$0x4] =	wrdreg $0x15800  }
0xb1: {  	[dreg:$0x5] =	wrdreg $0x1D800  }
0xb2: {  	[dreg:$0x6] =	wrdreg $0x9  }
0xb3: {  	_ =	task.clear_ibuf [dreg:s7], $0x7FFFF;
	_ =	strace $0x90000046  }
0xb4: {  	s29 =	simm.s32 $0x9;
	_ =	strace $0x80000048  }
0xb5: {  	_ =	swait.ge [sflag:s29], $0x1  }
0xb6: {  	[sflag:s29] =	ssyncadd.s32 $0xFFFFFFFF  }
0xb7: {  	_ =	strace $0x90000048  }
0xb8: {  	_ =	sfence  }
0xb9: {  	s30 =	sld [smem:$0x0];
	_ =	sdelay $0x2  }
0xba: {  	s31 =	sshll.u32 s1, $0xD;
	s1 =	sshrl.u32 s1, $0x2  }
0xbb: {  	s3 =	sand.u32 $0x4000, s31;
	s1 =	sadd.s32 s1, s30  }
0xbc: {  	s0 =	sor.u32 s3, s0;
	s1 =	sshll.u32 s1, $0x11  }
0xbd: {  	s0 =	sor.u32 s1, s0  }
0xbe: {  	s0 =	sadd.s32 $0x8F2B, s0  }
0xbf: {  	[sflag:s0] =	ssyncadd.remote.s32 $0x1  }
0xc0: {  	_ =	sfence.sel $0xFFFF  }
0xc1: {  	[dreg:$0x0] =	wrdreg $0xFFFFFFFF;
	(pc) =	sbr.abs _section_cstart, $3  }
0xc2: {  	[dreg:$0x1] =	wrdreg $0xFFFFFFFF  }
0xc3: {  	_ =	task.clear_ibuf [dreg:s7], $0x2FFFF;
	_ =	strace $0x9FFFFFFF  }
0xc4: {  	(tm) =	ssettm $0x7FFFFFFF  }
0xc5: {  	_ =	shalt  }
tec
execute0_lowered:
.L_overlay_start_1:
0x0: {  	(tag) =	ssettag $0x1  }
0x1: {  	s4 =	rddreg [dreg:$0x0]  }
0x2: {  	s5 =	rddreg [dreg:$0x1]  }
0x3: {  	s1 =	rddreg [dreg:$0x2]  }
0x4: {  	s0 =	srdreg.scid;
	s2 =	rddreg [dreg:$0x3]  }
0x5: {  	s8 =	stileid.u32;
	s3 =	simm.s32 $0x0;
	s12 =	simm.s32 $0x800  }
0x6: {  	s13 =	simm.s32 $0x880;
	s14 =	simm.s32 $0x900;
	s15 =	simm.s32 $0x100  }
0x7: {  	s16 =	simm.s32 $0x980;
	s6 =	sand.u32 $0x1, s0;
	s0 =	rddreg [dreg:$0x4]  }
0x8: {  	s17 =	simm.s32 $0x180;
	s26 =	simm.s32 $0x1400;
	[smem:$0x7FF] =	sst s3  }
0x9: {  	s18 =	sshll.u32 s8, $0xB;
	s31 =	sshll.u32 s8, $0x4;
	p0 =	sne.s32 s8, $0x0  }
0xa: {  	s7 =	sshll.u32 s6, $0x4;
	s6 =	ssub.s32 $0x2, s6;
	_ =	strace $0x80000047  }
0xb: {  	v0 =	vlaneseq.u32;
	s19 =	sor.u32 $0x100, s18;
	s20 =	sor.u32 $0x200, s18;
	s21 =	sor.u32 $0x300, s18  }
0xc: {  	v7 =	vmul.u32 $0x10, v0;
	s22 =	sor.u32 $0x400, s18;
	s23 =	sor.u32 $0x500, s18;
	s24 =	sor.u32 $0x600, s18  }
0xd: {  	s25 =	sor.u32 $0x700, s18;
	s9 =	sor.u32 s8, s7;
	s11 =	sshrl.u32 s6, $0x1  }
0xe: {  	s7 =	sadd.s32 s7, s4;
	s8 =	simm.s32 $0x1;
	v0 =	vor.u32 s18, v7;
	v1 =	vor.u32 s19, v7;
	s19 =	simm.s32 $0x200  }
0xf: {  	v2 =	vor.u32 s20, v7;
	s20 =	simm.s32 $0xA80;
	v3 =	vor.u32 s21, v7;
	v4 =	vor.u32 s22, v7;
	s21 =	simm.s32 $0x280;
	s22 =	simm.s32 $0xB00  }
0x10: {  	v5 =	vor.u32 s23, v7;
	s23 =	simm.s32 $0x300;
	v6 =	vor.u32 s24, v7;
	v7 =	vor.u32 s25, v7;
	s24 =	simm.s32 $0xB80;
	s25 =	simm.s32 $0x380  }
0x11: {  	s9 =	sshll.u32 s9, $0x7;
	s11 =	ssub.s32 s6, s11;
	s6 =	sadd.s32 $0x1A00, s7  }
0x12: {  	s10 =	sadd.s32 s9, s4;
	s30 =	sadd.s32 s5, s9;
	s4 =	sadd.s32 s18, s1  }
0x13: {  	s5 =	sadd.s32 s31, s2;
	s7 =	smax.u32 s11, $0x1;
	s9 =	simm.s32 $0x400  }
0x14: {  	s11 =	simm.s32 $0x80;
	s29 =	sadd.s32 $0xA00, s10;
	[dreg:$0x6] =	wrdreg s30  }
0x15: {  	v8 =	vimm.f32 $0.0e+00;
	s18 =	simm.s32 $0xA00;
	s10 =	simm.s32 $0xC00;
	[dreg:$0x5] =	wrdreg s29  }
.LBB2_1:
0x16: {  	s28 =	rddreg [dreg:$0x5]  }
0x17: {  	[tilespmem:s3], [sflag:$0x1] =	stream.linear.gather [hbm4b:s28+s3], $0x400, $0x38;
	[tilespmem:$0x1D90] =	vst v63  }
0x18: {  	_ =	swait.ge [sflag:s8], $0x400  }
0x19: {  	[sflag:s8] =	ssyncset.done $0x0  }
0x1a: {  	s31 =	rddreg [dreg:$0x6];
	[sflag:s8] =	ssyncadd.s32 $0xFFFFFC00  }
0x1b: {  	[tilespmem:s9], [sflag:$0x1] =	stream.linear.gather [hbm4b:s31+s3], $0x400, $0x38;
	[tilespmem:$0x1D90] =	vst v63  }
0x1c: {  	_ =	swait.ge [sflag:s8], $0x400  }
0x1d: {  	[sflag:s8] =	ssyncset.done $0x0  }
0x1e: {  	[sflag:s8] =	ssyncadd.s32 $0xFFFFFC00  }
0x1f: {  	[tilespmem:$0xC00] =	vst v8  }
0x20: {  	[tilespmem:$0xC10] =	vst v8  }
0x21: {  	[tilespmem:$0xC20] =	vst v8  }
0x22: {  	[tilespmem:$0xC30] =	vst v8  }
0x23: {  	[tilespmem:$0xC40] =	vst v8  }
0x24: {  	[tilespmem:$0xC50] =	vst v8  }
0x25: {  	[tilespmem:$0xC60] =	vst v8  }
0x26: {  	[tilespmem:$0xC70] =	vst v8  }
0x27: {  	[tilespmem:$0xC80] =	vst v8  }
0x28: {  	[tilespmem:$0xC90] =	vst v8  }
0x29: {  	[tilespmem:$0xCA0] =	vst v8  }
0x2a: {  	[tilespmem:$0xCB0] =	vst v8  }
0x2b: {  	[tilespmem:$0xCC0] =	vst v8  }
0x2c: {  	[tilespmem:$0xCD0] =	vst v8  }
0x2d: {  	[tilespmem:$0xCE0] =	vst v8  }
0x2e: {  	[tilespmem:$0xCF0] =	vst v8  }
0x2f: {  	[tilespmem:$0xD00] =	vst v8  }
0x30: {  	[tilespmem:$0xD10] =	vst v8  }
0x31: {  	[tilespmem:$0xD20] =	vst v8  }
0x32: {  	[tilespmem:$0xD30] =	vst v8  }
0x33: {  	[tilespmem:$0xD40] =	vst v8  }
0x34: {  	[tilespmem:$0xD50] =	vst v8  }
0x35: {  	[tilespmem:$0xD60] =	vst v8  }
0x36: {  	[tilespmem:$0xD70] =	vst v8  }
0x37: {  	[tilespmem:$0xD80] =	vst v8  }
0x38: {  	[tilespmem:$0xD90] =	vst v8  }
0x39: {  	[tilespmem:$0xDA0] =	vst v8  }
0x3a: {  	[tilespmem:$0xDB0] =	vst v8  }
0x3b: {  	[tilespmem:$0xDC0] =	vst v8  }
0x3c: {  	[tilespmem:$0xDD0] =	vst v8  }
0x3d: {  	[tilespmem:$0xDE0] =	vst v8  }
0x3e: {  	[tilespmem:$0xDF0] =	vst v8  }
0x3f: {  	[tilespmem:$0xE00] =	vst v8  }
0x40: {  	[tilespmem:$0xE10] =	vst v8  }
0x41: {  	[tilespmem:$0xE20] =	vst v8  }
0x42: {  	[tilespmem:$0xE30] =	vst v8  }
0x43: {  	[tilespmem:$0xE40] =	vst v8  }
0x44: {  	[tilespmem:$0xE50] =	vst v8  }
0x45: {  	[tilespmem:$0xE60] =	vst v8  }
0x46: {  	[tilespmem:$0xE70] =	vst v8  }
0x47: {  	[tilespmem:$0xE80] =	vst v8  }
0x48: {  	[tilespmem:$0xE90] =	vst v8  }
0x49: {  	[tilespmem:$0xEA0] =	vst v8  }
0x4a: {  	[tilespmem:$0xEB0] =	vst v8  }
0x4b: {  	[tilespmem:$0xEC0] =	vst v8  }
0x4c: {  	[tilespmem:$0xED0] =	vst v8  }
0x4d: {  	[tilespmem:$0xEE0] =	vst v8  }
0x4e: {  	[tilespmem:$0xEF0] =	vst v8  }
0x4f: {  	[tilespmem:$0xF00] =	vst v8  }
0x50: {  	[tilespmem:$0xF10] =	vst v8  }
0x51: {  	[tilespmem:$0xF20] =	vst v8  }
0x52: {  	[tilespmem:$0xF30] =	vst v8  }
0x53: {  	[tilespmem:$0xF40] =	vst v8  }
0x54: {  	[tilespmem:$0xF50] =	vst v8  }
0x55: {  	[tilespmem:$0xF60] =	vst v8  }
0x56: {  	[tilespmem:$0xF70] =	vst v8  }
0x57: {  	[tilespmem:$0xF80] =	vst v8  }
0x58: {  	[tilespmem:$0xF90] =	vst v8  }
0x59: {  	[tilespmem:$0xFA0] =	vst v8  }
0x5a: {  	[tilespmem:$0xFB0] =	vst v8  }
0x5b: {  	[tilespmem:$0xFC0] =	vst v8  }
0x5c: {  	[tilespmem:$0xFD0] =	vst v8  }
0x5d: {  	[tilespmem:$0xFE0] =	vst v8  }
0x5e: {  	[tilespmem:$0xFF0] =	vst v8  }
0x5f: {  	[tilespmem:$0x1000] =	vst v8  }
0x60: {  	[tilespmem:$0x1010] =	vst v8  }
0x61: {  	[tilespmem:$0x1020] =	vst v8  }
0x62: {  	[tilespmem:$0x1030] =	vst v8  }
0x63: {  	[tilespmem:$0x1040] =	vst v8  }
0x64: {  	[tilespmem:$0x1050] =	vst v8  }
0x65: {  	[tilespmem:$0x1060] =	vst v8  }
0x66: {  	[tilespmem:$0x1070] =	vst v8  }
0x67: {  	[tilespmem:$0x1080] =	vst v8  }
0x68: {  	[tilespmem:$0x1090] =	vst v8  }
0x69: {  	[tilespmem:$0x10A0] =	vst v8  }
0x6a: {  	[tilespmem:$0x10B0] =	vst v8  }
0x6b: {  	[tilespmem:$0x10C0] =	vst v8  }
0x6c: {  	[tilespmem:$0x10D0] =	vst v8  }
0x6d: {  	[tilespmem:$0x10E0] =	vst v8  }
0x6e: {  	[tilespmem:$0x10F0] =	vst v8  }
0x6f: {  	[tilespmem:$0x1100] =	vst v8  }
0x70: {  	[tilespmem:$0x1110] =	vst v8  }
0x71: {  	[tilespmem:$0x1120] =	vst v8  }
0x72: {  	[tilespmem:$0x1130] =	vst v8  }
0x73: {  	[tilespmem:$0x1140] =	vst v8  }
0x74: {  	[tilespmem:$0x1150] =	vst v8  }
0x75: {  	[tilespmem:$0x1160] =	vst v8  }
0x76: {  	[tilespmem:$0x1170] =	vst v8  }
0x77: {  	[tilespmem:$0x1180] =	vst v8  }
0x78: {  	[tilespmem:$0x1190] =	vst v8  }
0x79: {  	[tilespmem:$0x11A0] =	vst v8  }
0x7a: {  	[tilespmem:$0x11B0] =	vst v8  }
0x7b: {  	[tilespmem:$0x11C0] =	vst v8  }
0x7c: {  	[tilespmem:$0x11D0] =	vst v8  }
0x7d: {  	[tilespmem:$0x11E0] =	vst v8  }
0x7e: {  	[tilespmem:$0x11F0] =	vst v8  }
0x7f: {  	[tilespmem:$0x1200] =	vst v8  }
0x80: {  	[tilespmem:$0x1210] =	vst v8  }
0x81: {  	[tilespmem:$0x1220] =	vst v8  }
0x82: {  	[tilespmem:$0x1230] =	vst v8  }
0x83: {  	[tilespmem:$0x1240] =	vst v8  }
0x84: {  	[tilespmem:$0x1250] =	vst v8  }
0x85: {  	[tilespmem:$0x1260] =	vst v8  }
0x86: {  	[tilespmem:$0x1270] =	vst v8  }
0x87: {  	[tilespmem:$0x1280] =	vst v8  }
0x88: {  	[tilespmem:$0x1290] =	vst v8  }
0x89: {  	[tilespmem:$0x12A0] =	vst v8  }
0x8a: {  	[tilespmem:$0x12B0] =	vst v8  }
0x8b: {  	[tilespmem:$0x12C0] =	vst v8  }
0x8c: {  	[tilespmem:$0x12D0] =	vst v8  }
0x8d: {  	[tilespmem:$0x12E0] =	vst v8  }
0x8e: {  	[tilespmem:$0x12F0] =	vst v8  }
0x8f: {  	[tilespmem:$0x1300] =	vst v8  }
0x90: {  	[tilespmem:$0x1310] =	vst v8  }
0x91: {  	[tilespmem:$0x1320] =	vst v8  }
0x92: {  	[tilespmem:$0x1330] =	vst v8  }
0x93: {  	[tilespmem:$0x1340] =	vst v8  }
0x94: {  	[tilespmem:$0x1350] =	vst v8  }
0x95: {  	[tilespmem:$0x1360] =	vst v8  }
0x96: {  	[tilespmem:$0x1370] =	vst v8  }
0x97: {  	[tilespmem:$0x1380] =	vst v8  }
0x98: {  	[tilespmem:$0x1390] =	vst v8  }
0x99: {  	v9 =	vld [tilespmem:$0x400];
	[tilespmem:$0x13A0] =	vst v8  }
0x9a: {  	v10 =	vld [tilespmem:$0x410];
	[tilespmem:$0x13B0] =	vst v8  }
0x9b: {  	v11 =	vld [tilespmem:$0x420];
	[tilespmem:$0x13C0] =	vst v8  }
0x9c: {  	v12 =	vld [tilespmem:$0x430];
	[tilespmem:$0x13D0] =	vst v8  }
0x9d: {  	v13 =	vld [tilespmem:$0x440];
	[tilespmem:$0x13E0] =	vst v8  }
0x9e: {  	v14 =	vld [tilespmem:$0x450];
	[tilespmem:$0x13F0] =	vst v8;
	v9 =	vadd.s32 v9, v0  }
0x9f: {  	[tilespmem:$0x800] =	vst v9;
	v9 =	vadd.s32 v10, v1;
	v10 =	vld [tilespmem:$0x460]  }
0xa0: {  	[tilespmem:$0x810] =	vst v9;
	v9 =	vadd.s32 v11, v2;
	v11 =	vld [tilespmem:$0x470]  }
0xa1: {  	v36 =	vld [tilespmem:$0x480];
	[tilespmem:$0x820] =	vst v9;
	v9 =	vadd.s32 v12, v3  }
0xa2: {  	v37 =	vld [tilespmem:$0x490];
	[tilespmem:$0x830] =	vst v9;
	v9 =	vadd.s32 v13, v4  }
0xa3: {  	v38 =	vld [tilespmem:$0x4A0];
	[tilespmem:$0x840] =	vst v9;
	v9 =	vadd.s32 v14, v5  }
0xa4: {  	[tilespmem:$0x850] =	vst v9;
	v9 =	vadd.s32 v10, v6;
	v10 =	vld [tilespmem:$0x4B0]  }
0xa5: {  	[tilespmem:$0x860] =	vst v9;
	v9 =	vadd.s32 v11, v7;
	v11 =	vld [tilespmem:$0x4C0]  }
0xa6: {  	v39 =	vld [tilespmem:$0x4D0];
	[tilespmem:$0x870] =	vst v9;
	v9 =	vadd.s32 v36, v0  }
0xa7: {  	v40 =	vld [tilespmem:$0x4E0];
	[tilespmem:$0x880] =	vst v9;
	v9 =	vadd.s32 v37, v1  }
0xa8: {  	v41 =	vld [tilespmem:$0x4F0];
	[tilespmem:$0x890] =	vst v9;
	v9 =	vadd.s32 v38, v2  }
0xa9: {  	[tilespmem:$0x8A0] =	vst v9;
	v9 =	vadd.s32 v10, v3;
	v10 =	vld [tilespmem:$0x500]  }
0xaa: {  	[tilespmem:$0x8B0] =	vst v9;
	v9 =	vadd.s32 v11, v4;
	v11 =	vld [tilespmem:$0x510]  }
0xab: {  	v42 =	vld [tilespmem:$0x520];
	[tilespmem:$0x8C0] =	vst v9;
	v9 =	vadd.s32 v39, v5  }
0xac: {  	v43 =	vld [tilespmem:$0x530];
	[tilespmem:$0x8D0] =	vst v9;
	v9 =	vadd.s32 v40, v6  }
0xad: {  	v44 =	vld [tilespmem:$0x540];
	[tilespmem:$0x8E0] =	vst v9;
	v9 =	vadd.s32 v41, v7  }
0xae: {  	[tilespmem:$0x8F0] =	vst v9;
	v9 =	vadd.s32 v10, v0;
	v10 =	vld [tilespmem:$0x550]  }
0xaf: {  	[tilespmem:$0x900] =	vst v9;
	v9 =	vadd.s32 v11, v1;
	v11 =	vld [tilespmem:$0x560]  }
0xb0: {  	v45 =	vld [tilespmem:$0x570];
	[tilespmem:$0x910] =	vst v9;
	v9 =	vadd.s32 v42, v2  }
0xb1: {  	v46 =	vld [tilespmem:$0x580];
	[tilespmem:$0x920] =	vst v9;
	v9 =	vadd.s32 v43, v3  }
0xb2: {  	v47 =	vld [tilespmem:$0x590];
	[tilespmem:$0x930] =	vst v9;
	v9 =	vadd.s32 v44, v4  }
0xb3: {  	[tilespmem:$0x940] =	vst v9;
	v9 =	vadd.s32 v10, v5;
	v10 =	vld [tilespmem:$0x5A0]  }
0xb4: {  	[tilespmem:$0x950] =	vst v9;
	v9 =	vadd.s32 v11, v6;
	v11 =	vld [tilespmem:$0x5B0]  }
0xb5: {  	v48 =	vld [tilespmem:$0x5C0];
	[tilespmem:$0x960] =	vst v9;
	v9 =	vadd.s32 v45, v7  }
0xb6: {  	v49 =	vld [tilespmem:$0x5D0];
	[tilespmem:$0x970] =	vst v9;
	v9 =	vadd.s32 v46, v0  }
0xb7: {  	v50 =	vld [tilespmem:$0x5E0];
	[tilespmem:$0x980] =	vst v9;
	v9 =	vadd.s32 v47, v1  }
0xb8: {  	[tilespmem:$0x990] =	vst v9;
	v9 =	vadd.s32 v10, v2;
	v10 =	vld [tilespmem:$0x5F0]  }
0xb9: {  	[tilespmem:$0x9A0] =	vst v9;
	v9 =	vadd.s32 v11, v3;
	v11 =	vld [tilespmem:$0x600]  }
0xba: {  	v51 =	vld [tilespmem:$0x610];
	[tilespmem:$0x9B0] =	vst v9;
	v9 =	vadd.s32 v48, v4  }
0xbb: {  	v52 =	vld [tilespmem:$0x620];
	[tilespmem:$0x9C0] =	vst v9;
	v9 =	vadd.s32 v49, v5  }
0xbc: {  	v53 =	vld [tilespmem:$0x630];
	[tilespmem:$0x9D0] =	vst v9;
	v9 =	vadd.s32 v50, v6  }
0xbd: {  	[tilespmem:$0x9E0] =	vst v9;
	v9 =	vadd.s32 v10, v7;
	v10 =	vld [tilespmem:$0x640]  }
0xbe: {  	[tilespmem:$0x9F0] =	vst v9;
	v9 =	vadd.s32 v11, v0;
	v11 =	vld [tilespmem:$0x650]  }
0xbf: {  	v54 =	vld [tilespmem:$0x660];
	[tilespmem:$0xA00] =	vst v9;
	v9 =	vadd.s32 v51, v1  }
0xc0: {  	v55 =	vld [tilespmem:$0x670];
	[tilespmem:$0xA10] =	vst v9;
	v9 =	vadd.s32 v52, v2  }
0xc1: {  	v56 =	vld [tilespmem:$0x680];
	[tilespmem:$0xA20] =	vst v9;
	v9 =	vadd.s32 v53, v3  }
0xc2: {  	[tilespmem:$0xA30] =	vst v9;
	v9 =	vadd.s32 v10, v4;
	v10 =	vld [tilespmem:$0x690]  }
0xc3: {  	[tilespmem:$0xA40] =	vst v9;
	v9 =	vadd.s32 v11, v5;
	v11 =	vld [tilespmem:$0x6A0]  }
0xc4: {  	v57 =	vld [tilespmem:$0x6B0];
	[tilespmem:$0xA50] =	vst v9;
	v9 =	vadd.s32 v54, v6  }
0xc5: {  	v58 =	vld [tilespmem:$0x6C0];
	[tilespmem:$0xA60] =	vst v9;
	v9 =	vadd.s32 v55, v7  }
0xc6: {  	v59 =	vld [tilespmem:$0x6D0];
	[tilespmem:$0xA70] =	vst v9;
	v9 =	vadd.s32 v56, v0  }
0xc7: {  	[tilespmem:$0xA80] =	vst v9;
	v9 =	vadd.s32 v10, v1;
	v10 =	vld [tilespmem:$0x6E0]  }
0xc8: {  	[tilespmem:$0xA90] =	vst v9;
	v9 =	vadd.s32 v11, v2;
	v11 =	vld [tilespmem:$0x6F0]  }
0xc9: {  	v60 =	vld [tilespmem:$0x700];
	[tilespmem:$0xAA0] =	vst v9;
	v9 =	vadd.s32 v57, v3  }
0xca: {  	v61 =	vld [tilespmem:$0x710];
	[tilespmem:$0xAB0] =	vst v9;
	v9 =	vadd.s32 v58, v4  }
0xcb: {  	v62 =	vld [tilespmem:$0x720];
	[tilespmem:$0xAC0] =	vst v9;
	v9 =	vadd.s32 v59, v5  }
0xcc: {  	[tilespmem:$0xAD0] =	vst v9;
	v9 =	vadd.s32 v10, v6;
	v10 =	vld [tilespmem:$0x730]  }
0xcd: {  	[tilespmem:$0xAE0] =	vst v9;
	v9 =	vadd.s32 v11, v7;
	v11 =	vld [tilespmem:$0x740]  }
0xce: {  	v63 =	vld [tilespmem:$0x750];
	[tilespmem:$0xAF0] =	vst v9;
	v9 =	vadd.s32 v60, v0  }
0xcf: {  	v16 =	vld [tilespmem:$0x760];
	[tilespmem:$0xB00] =	vst v9;
	v9 =	vadd.s32 v61, v1  }
0xd0: {  	v17 =	vld [tilespmem:$0x770];
	[tilespmem:$0xB10] =	vst v9;
	v9 =	vadd.s32 v62, v2  }
0xd1: {  	[tilespmem:$0xB20] =	vst v9;
	v9 =	vadd.s32 v10, v3;
	v10 =	vld [tilespmem:$0x780]  }
0xd2: {  	[tilespmem:$0xB30] =	vst v9;
	v9 =	vadd.s32 v11, v4;
	v11 =	vld [tilespmem:$0x790]  }
0xd3: {  	v18 =	vld [tilespmem:$0x7A0];
	[tilespmem:$0xB40] =	vst v9;
	v9 =	vadd.s32 v63, v5  }
0xd4: {  	v19 =	vld [tilespmem:$0x7B0];
	[tilespmem:$0xB50] =	vst v9;
	v9 =	vadd.s32 v16, v6  }
0xd5: {  	v20 =	vld [tilespmem:$0x7C0];
	[tilespmem:$0xB60] =	vst v9;
	v9 =	vadd.s32 v17, v7  }
0xd6: {  	[tilespmem:$0xB70] =	vst v9;
	v9 =	vadd.s32 v10, v0;
	v10 =	vld [tilespmem:$0x7D0]  }
0xd7: {  	[tilespmem:$0xB80] =	vst v9;
	v9 =	vadd.s32 v11, v1;
	v11 =	vld [tilespmem:$0x7E0]  }
0xd8: {  	v21 =	vld [tilespmem:$0x7F0];
	[tilespmem:$0xB90] =	vst v9;
	v9 =	vadd.s32 v18, v2  }
0xd9: {  	[tilespmem:$0xBA0] =	vst v9;
	v9 =	vadd.s32 v19, v3  }
0xda: {  	[tilespmem:$0xBB0] =	vst v9;
	v9 =	vadd.s32 v20, v4  }
0xdb: {  	[tilespmem:$0xBC0] =	vst v9;
	v9 =	vadd.s32 v10, v5  }
0xdc: {  	[tilespmem:$0xBD0] =	vst v9;
	v9 =	vadd.s32 v11, v6  }
0xdd: {  	[tilespmem:$0xBE0] =	vst v9;
	v9 =	vadd.s32 v21, v7  }
0xde: {  	[tilespmem:$0xBF0] =	vst v9  }
0xdf: {  	[spmem:s4] =	stream.linear.scatter [tilespmem:s10], [sflag:$0x1], $0x800, $0x38;
	[tilespmem:$0x1D90] =	vst v63  }
0xe0: {  	_ =	swait.ge [sflag:s8], $0x800  }
0xe1: {  	[sflag:s8] =	ssyncset.done $0x0  }
0xe2: {  	[sflag:s8] =	ssyncadd.s32 $0xFFFFF800  }
0xe3: {  	[spmem:s1] =	stream.indirect.scatter.add.f32 [tilespmem:s3], [sflag:$0x1], $0x1, s12, s11, $0xb8;
	[tilespmem:$0x1D90] =	vst v63  }
0xe4: {  	_ =	swait.ge [sflag:s8], $0x80  }
0xe5: {  	[sflag:s8] =	ssyncset.done $0x0  }
0xe6: {  	[sflag:s8] =	ssyncadd.s32 $0xFFFFFF80  }
0xe7: {  	[spmem:s1] =	stream.indirect.scatter.add.f32 [tilespmem:s11], [sflag:$0x1], $0x1, s13, s11, $0xb8;
	[tilespmem:$0x1D90] =	vst v63  }
0xe8: {  	_ =	swait.ge [sflag:s8], $0x80  }
0xe9: {  	[sflag:s8] =	ssyncset.done $0x0  }
0xea: {  	[sflag:s8] =	ssyncadd.s32 $0xFFFFFF80  }
0xeb: {  	[spmem:s1] =	stream.indirect.scatter.add.f32 [tilespmem:s15], [sflag:$0x1], $0x1, s14, s11, $0xb8;
	[tilespmem:$0x1D90] =	vst v63  }
0xec: {  	_ =	swait.ge [sflag:s8], $0x80  }
0xed: {  	[sflag:s8] =	ssyncset.done $0x0  }
0xee: {  	[sflag:s8] =	ssyncadd.s32 $0xFFFFFF80  }
0xef: {  	[spmem:s1] =	stream.indirect.scatter.add.f32 [tilespmem:s17], [sflag:$0x1], $0x1, s16, s11, $0xb8;
	[tilespmem:$0x1D90] =	vst v63  }
0xf0: {  	_ =	swait.ge [sflag:s8], $0x80  }
0xf1: {  	[sflag:s8] =	ssyncset.done $0x0  }
0xf2: {  	[sflag:s8] =	ssyncadd.s32 $0xFFFFFF80  }
0xf3: {  	[spmem:s1] =	stream.indirect.scatter.add.f32 [tilespmem:s19], [sflag:$0x1], $0x1, s18, s11, $0xb8;
	[tilespmem:$0x1D90] =	vst v63  }
0xf4: {  	_ =	swait.ge [sflag:s8], $0x80  }
0xf5: {  	[sflag:s8] =	ssyncset.done $0x0  }
0xf6: {  	[sflag:s8] =	ssyncadd.s32 $0xFFFFFF80  }
0xf7: {  	[spmem:s1] =	stream.indirect.scatter.add.f32 [tilespmem:s21], [sflag:$0x1], $0x1, s20, s11, $0xb8;
	[tilespmem:$0x1D90] =	vst v63  }
0xf8: {  	_ =	swait.ge [sflag:s8], $0x80  }
0xf9: {  	[sflag:s8] =	ssyncset.done $0x0  }
0xfa: {  	[sflag:s8] =	ssyncadd.s32 $0xFFFFFF80  }
0xfb: {  	[spmem:s1] =	stream.indirect.scatter.add.f32 [tilespmem:s23], [sflag:$0x1], $0x1, s22, s11, $0xb8;
	[tilespmem:$0x1D90] =	vst v63  }
0xfc: {  	_ =	swait.ge [sflag:s8], $0x80  }
0xfd: {  	[sflag:s8] =	ssyncset.done $0x0  }
0xfe: {  	[sflag:s8] =	ssyncadd.s32 $0xFFFFFF80  }
0xff: {  	[spmem:s1] =	stream.indirect.scatter.add.f32 [tilespmem:s25], [sflag:$0x1], $0x1, s24, s11, $0xb8;
	[tilespmem:$0x1D90] =	vst v63  }
0x100: {  	_ =	swait.ge [sflag:s8], $0x80  }
0x101: {  	[sflag:s8] =	ssyncset.done $0x0  }
0x102: {  	[sflag:s8] =	ssyncadd.s32 $0xFFFFFF80  }
0x103: {  	[tilespmem:s10], [sflag:$0x1] =	stream.linear.gather [spmem:s4], $0x800, $0x38;
	[tilespmem:$0x1D90] =	vst v63  }
0x104: {  	_ =	swait.ge [sflag:s8], $0x800  }
0x105: {  	[sflag:s8] =	ssyncset.done $0x0  }
0x106: {  	[sflag:s8] =	ssyncadd.s32 $0xFFFFF800  }
0x107: {  	v9 =	vld [tilespmem:$0xC00];
	_ =	sdelay $0x1  }
0x108: {  	v10 =	vld [tilespmem:$0xC10];
	_ =	sdelay $0x1  }
0x109: {  	v11 =	vld [tilespmem:$0xC20]  }
0x10a: {  	v9 =	vadd.f32 $0.0e+00, v9  }
0x10b: {  	v22 =	vld [tilespmem:$0xC30]  }
0x10c: {  	v9 =	vadd.f32 v10, v9  }
0x10d: {  	v10 =	vld [tilespmem:$0xC40]  }
0x10e: {  	v9 =	vadd.f32 v11, v9  }
0x10f: {  	v11 =	vld [tilespmem:$0xC50]  }
0x110: {  	v9 =	vadd.f32 v22, v9  }
0x111: {  	v23 =	vld [tilespmem:$0xC60]  }
0x112: {  	v9 =	vadd.f32 v10, v9  }
0x113: {  	v10 =	vld [tilespmem:$0xC70]  }
0x114: {  	v9 =	vadd.f32 v11, v9  }
0x115: {  	v11 =	vld [tilespmem:$0xC80]  }
0x116: {  	v9 =	vadd.f32 v23, v9  }
0x117: {  	v24 =	vld [tilespmem:$0xC90]  }
0x118: {  	v9 =	vadd.f32 v10, v9  }
0x119: {  	v10 =	vld [tilespmem:$0xCA0]  }
0x11a: {  	v9 =	vadd.f32 v11, v9  }
0x11b: {  	v11 =	vld [tilespmem:$0xCB0]  }
0x11c: {  	v9 =	vadd.f32 v24, v9  }
0x11d: {  	v25 =	vld [tilespmem:$0xCC0]  }
0x11e: {  	v9 =	vadd.f32 v10, v9  }
0x11f: {  	v10 =	vld [tilespmem:$0xCD0]  }
0x120: {  	v9 =	vadd.f32 v11, v9  }
0x121: {  	v11 =	vld [tilespmem:$0xCE0]  }
0x122: {  	v9 =	vadd.f32 v25, v9  }
0x123: {  	v26 =	vld [tilespmem:$0xCF0]  }
0x124: {  	v9 =	vadd.f32 v10, v9  }
0x125: {  	v10 =	vld [tilespmem:$0xD00]  }
0x126: {  	v9 =	vadd.f32 v11, v9  }
0x127: {  	v11 =	vld [tilespmem:$0xD10]  }
0x128: {  	v9 =	vadd.f32 v26, v9  }
0x129: {  	v27 =	vld [tilespmem:$0xD20]  }
0x12a: {  	v9 =	vadd.f32 v10, v9  }
0x12b: {  	v10 =	vld [tilespmem:$0xD30]  }
0x12c: {  	v9 =	vadd.f32 v11, v9  }
0x12d: {  	v11 =	vld [tilespmem:$0xD40]  }
0x12e: {  	v9 =	vadd.f32 v27, v9  }
0x12f: {  	v28 =	vld [tilespmem:$0xD50]  }
0x130: {  	v9 =	vadd.f32 v10, v9  }
0x131: {  	v10 =	vld [tilespmem:$0xD60]  }
0x132: {  	v9 =	vadd.f32 v11, v9  }
0x133: {  	v11 =	vld [tilespmem:$0xD70]  }
0x134: {  	v9 =	vadd.f32 v28, v9  }
0x135: {  	v29 =	vld [tilespmem:$0xD80]  }
0x136: {  	v9 =	vadd.f32 v10, v9  }
0x137: {  	v10 =	vld [tilespmem:$0xD90]  }
0x138: {  	v9 =	vadd.f32 v11, v9  }
0x139: {  	v11 =	vld [tilespmem:$0xDA0]  }
0x13a: {  	v9 =	vadd.f32 v29, v9  }
0x13b: {  	v30 =	vld [tilespmem:$0xDB0]  }
0x13c: {  	v9 =	vadd.f32 v10, v9  }
0x13d: {  	v10 =	vld [tilespmem:$0xDC0]  }
0x13e: {  	v9 =	vadd.f32 v11, v9  }
0x13f: {  	v11 =	vld [tilespmem:$0xDD0]  }
0x140: {  	v9 =	vadd.f32 v30, v9  }
0x141: {  	v31 =	vld [tilespmem:$0xDE0]  }
0x142: {  	v9 =	vadd.f32 v10, v9  }
0x143: {  	v10 =	vld [tilespmem:$0xDF0]  }
0x144: {  	v9 =	vadd.f32 v11, v9  }
0x145: {  	v11 =	vld [tilespmem:$0xE00]  }
0x146: {  	v9 =	vadd.f32 v31, v9  }
0x147: {  	v32 =	vld [tilespmem:$0xE10]  }
0x148: {  	v9 =	vadd.f32 v10, v9  }
0x149: {  	v10 =	vld [tilespmem:$0xE20]  }
0x14a: {  	v9 =	vadd.f32 v11, v9  }
0x14b: {  	v11 =	vld [tilespmem:$0xE30]  }
0x14c: {  	v9 =	vadd.f32 v32, v9  }
0x14d: {  	v33 =	vld [tilespmem:$0xE40]  }
0x14e: {  	v9 =	vadd.f32 v10, v9  }
0x14f: {  	v10 =	vld [tilespmem:$0xE50]  }
0x150: {  	v9 =	vadd.f32 v11, v9  }
0x151: {  	v11 =	vld [tilespmem:$0xE60]  }
0x152: {  	v9 =	vadd.f32 v33, v9  }
0x153: {  	v34 =	vld [tilespmem:$0xE70]  }
0x154: {  	v9 =	vadd.f32 v10, v9  }
0x155: {  	v10 =	vld [tilespmem:$0xE80]  }
0x156: {  	v9 =	vadd.f32 v11, v9  }
0x157: {  	v11 =	vld [tilespmem:$0xE90]  }
0x158: {  	v9 =	vadd.f32 v34, v9  }
0x159: {  	v35 =	vld [tilespmem:$0xEA0]  }
0x15a: {  	v9 =	vadd.f32 v10, v9  }
0x15b: {  	v10 =	vld [tilespmem:$0xEB0]  }
0x15c: {  	v9 =	vadd.f32 v11, v9  }
0x15d: {  	v11 =	vld [tilespmem:$0xEC0]  }
0x15e: {  	v9 =	vadd.f32 v35, v9  }
0x15f: {  	v36 =	vld [tilespmem:$0xED0]  }
0x160: {  	v9 =	vadd.f32 v10, v9  }
0x161: {  	v10 =	vld [tilespmem:$0xEE0]  }
0x162: {  	v9 =	vadd.f32 v11, v9  }
0x163: {  	v11 =	vld [tilespmem:$0xEF0]  }
0x164: {  	v9 =	vadd.f32 v36, v9  }
0x165: {  	v37 =	vld [tilespmem:$0xF00]  }
0x166: {  	v9 =	vadd.f32 v10, v9  }
0x167: {  	v10 =	vld [tilespmem:$0xF10]  }
0x168: {  	v9 =	vadd.f32 v11, v9  }
0x169: {  	v11 =	vld [tilespmem:$0xF20]  }
0x16a: {  	v9 =	vadd.f32 v37, v9  }
0x16b: {  	v38 =	vld [tilespmem:$0xF30]  }
0x16c: {  	v9 =	vadd.f32 v10, v9  }
0x16d: {  	v10 =	vld [tilespmem:$0xF40]  }
0x16e: {  	v9 =	vadd.f32 v11, v9  }
0x16f: {  	v11 =	vld [tilespmem:$0xF50]  }
0x170: {  	v9 =	vadd.f32 v38, v9  }
0x171: {  	v39 =	vld [tilespmem:$0xF60]  }
0x172: {  	v9 =	vadd.f32 v10, v9  }
0x173: {  	v10 =	vld [tilespmem:$0xF70]  }
0x174: {  	v9 =	vadd.f32 v11, v9  }
0x175: {  	v11 =	vld [tilespmem:$0xF80]  }
0x176: {  	v9 =	vadd.f32 v39, v9  }
0x177: {  	v40 =	vld [tilespmem:$0xF90]  }
0x178: {  	v9 =	vadd.f32 v10, v9  }
0x179: {  	v10 =	vld [tilespmem:$0xFA0]  }
0x17a: {  	v9 =	vadd.f32 v11, v9  }
0x17b: {  	v11 =	vld [tilespmem:$0xFB0]  }
0x17c: {  	v9 =	vadd.f32 v40, v9  }
0x17d: {  	v41 =	vld [tilespmem:$0xFC0]  }
0x17e: {  	v9 =	vadd.f32 v10, v9  }
0x17f: {  	v10 =	vld [tilespmem:$0xFD0]  }
0x180: {  	v9 =	vadd.f32 v11, v9  }
0x181: {  	v11 =	vld [tilespmem:$0xFE0]  }
0x182: {  	v9 =	vadd.f32 v41, v9  }
0x183: {  	v42 =	vld [tilespmem:$0xFF0]  }
0x184: {  	v9 =	vadd.f32 v10, v9  }
0x185: {  	v10 =	vld [tilespmem:$0x1000]  }
0x186: {  	v9 =	vadd.f32 v11, v9  }
0x187: {  	v11 =	vld [tilespmem:$0x1010]  }
0x188: {  	v9 =	vadd.f32 v42, v9  }
0x189: {  	v43 =	vld [tilespmem:$0x1020]  }
0x18a: {  	v9 =	vadd.f32 v10, v9  }
0x18b: {  	v10 =	vld [tilespmem:$0x1030]  }
0x18c: {  	v9 =	vadd.f32 v11, v9  }
0x18d: {  	v11 =	vld [tilespmem:$0x1040]  }
0x18e: {  	v9 =	vadd.f32 v43, v9  }
0x18f: {  	v44 =	vld [tilespmem:$0x1050]  }
0x190: {  	v9 =	vadd.f32 v10, v9  }
0x191: {  	v10 =	vld [tilespmem:$0x1060]  }
0x192: {  	v9 =	vadd.f32 v11, v9  }
0x193: {  	v11 =	vld [tilespmem:$0x1070]  }
0x194: {  	v9 =	vadd.f32 v44, v9  }
0x195: {  	v45 =	vld [tilespmem:$0x1080]  }
0x196: {  	v9 =	vadd.f32 v10, v9  }
0x197: {  	v10 =	vld [tilespmem:$0x1090]  }
0x198: {  	v9 =	vadd.f32 v11, v9  }
0x199: {  	v11 =	vld [tilespmem:$0x10A0]  }
0x19a: {  	v9 =	vadd.f32 v45, v9  }
0x19b: {  	v46 =	vld [tilespmem:$0x10B0]  }
0x19c: {  	v9 =	vadd.f32 v10, v9  }
0x19d: {  	v10 =	vld [tilespmem:$0x10C0]  }
0x19e: {  	v9 =	vadd.f32 v11, v9  }
0x19f: {  	v11 =	vld [tilespmem:$0x10D0]  }
0x1a0: {  	v9 =	vadd.f32 v46, v9  }
0x1a1: {  	v47 =	vld [tilespmem:$0x10E0]  }
0x1a2: {  	v9 =	vadd.f32 v10, v9  }
0x1a3: {  	v10 =	vld [tilespmem:$0x10F0]  }
0x1a4: {  	v9 =	vadd.f32 v11, v9  }
0x1a5: {  	v11 =	vld [tilespmem:$0x1100]  }
0x1a6: {  	v9 =	vadd.f32 v47, v9  }
0x1a7: {  	v48 =	vld [tilespmem:$0x1110]  }
0x1a8: {  	v9 =	vadd.f32 v10, v9  }
0x1a9: {  	v10 =	vld [tilespmem:$0x1120]  }
0x1aa: {  	v9 =	vadd.f32 v11, v9  }
0x1ab: {  	v11 =	vld [tilespmem:$0x1130]  }
0x1ac: {  	v9 =	vadd.f32 v48, v9  }
0x1ad: {  	v49 =	vld [tilespmem:$0x1140]  }
0x1ae: {  	v9 =	vadd.f32 v10, v9  }
0x1af: {  	v10 =	vld [tilespmem:$0x1150]  }
0x1b0: {  	v9 =	vadd.f32 v11, v9  }
0x1b1: {  	v11 =	vld [tilespmem:$0x1160]  }
0x1b2: {  	v9 =	vadd.f32 v49, v9  }
0x1b3: {  	v50 =	vld [tilespmem:$0x1170]  }
0x1b4: {  	v9 =	vadd.f32 v10, v9  }
0x1b5: {  	v10 =	vld [tilespmem:$0x1180]  }
0x1b6: {  	v9 =	vadd.f32 v11, v9  }
0x1b7: {  	v11 =	vld [tilespmem:$0x1190]  }
0x1b8: {  	v9 =	vadd.f32 v50, v9  }
0x1b9: {  	v51 =	vld [tilespmem:$0x11A0]  }
0x1ba: {  	v9 =	vadd.f32 v10, v9  }
0x1bb: {  	v10 =	vld [tilespmem:$0x11B0]  }
0x1bc: {  	v9 =	vadd.f32 v11, v9  }
0x1bd: {  	v11 =	vld [tilespmem:$0x11C0]  }
0x1be: {  	v9 =	vadd.f32 v51, v9  }
0x1bf: {  	v52 =	vld [tilespmem:$0x11D0]  }
0x1c0: {  	v9 =	vadd.f32 v10, v9  }
0x1c1: {  	v10 =	vld [tilespmem:$0x11E0]  }
0x1c2: {  	v9 =	vadd.f32 v11, v9  }
0x1c3: {  	v11 =	vld [tilespmem:$0x11F0]  }
0x1c4: {  	v9 =	vadd.f32 v52, v9  }
0x1c5: {  	v53 =	vld [tilespmem:$0x1200]  }
0x1c6: {  	v9 =	vadd.f32 v10, v9  }
0x1c7: {  	v10 =	vld [tilespmem:$0x1210]  }
0x1c8: {  	v9 =	vadd.f32 v11, v9  }
0x1c9: {  	v11 =	vld [tilespmem:$0x1220]  }
0x1ca: {  	v9 =	vadd.f32 v53, v9  }
0x1cb: {  	v54 =	vld [tilespmem:$0x1230]  }
0x1cc: {  	v9 =	vadd.f32 v10, v9  }
0x1cd: {  	v10 =	vld [tilespmem:$0x1240]  }
0x1ce: {  	v9 =	vadd.f32 v11, v9  }
0x1cf: {  	v11 =	vld [tilespmem:$0x1250]  }
0x1d0: {  	v9 =	vadd.f32 v54, v9  }
0x1d1: {  	v55 =	vld [tilespmem:$0x1260]  }
0x1d2: {  	v9 =	vadd.f32 v10, v9  }
0x1d3: {  	v10 =	vld [tilespmem:$0x1270]  }
0x1d4: {  	v9 =	vadd.f32 v11, v9  }
0x1d5: {  	v11 =	vld [tilespmem:$0x1280]  }
0x1d6: {  	v9 =	vadd.f32 v55, v9  }
0x1d7: {  	v56 =	vld [tilespmem:$0x1290]  }
0x1d8: {  	v9 =	vadd.f32 v10, v9  }
0x1d9: {  	v10 =	vld [tilespmem:$0x12A0]  }
0x1da: {  	v9 =	vadd.f32 v11, v9  }
0x1db: {  	v11 =	vld [tilespmem:$0x12B0]  }
0x1dc: {  	v9 =	vadd.f32 v56, v9  }
0x1dd: {  	v57 =	vld [tilespmem:$0x12C0]  }
0x1de: {  	v9 =	vadd.f32 v10, v9  }
0x1df: {  	v10 =	vld [tilespmem:$0x12D0]  }
0x1e0: {  	v9 =	vadd.f32 v11, v9  }
0x1e1: {  	v11 =	vld [tilespmem:$0x12E0]  }
0x1e2: {  	v9 =	vadd.f32 v57, v9  }
0x1e3: {  	v58 =	vld [tilespmem:$0x12F0]  }
0x1e4: {  	v9 =	vadd.f32 v10, v9  }
0x1e5: {  	v10 =	vld [tilespmem:$0x1300]  }
0x1e6: {  	v9 =	vadd.f32 v11, v9  }
0x1e7: {  	v11 =	vld [tilespmem:$0x1310]  }
0x1e8: {  	v9 =	vadd.f32 v58, v9  }
0x1e9: {  	v59 =	vld [tilespmem:$0x1320]  }
0x1ea: {  	v9 =	vadd.f32 v10, v9  }
0x1eb: {  	v10 =	vld [tilespmem:$0x1330]  }
0x1ec: {  	v9 =	vadd.f32 v11, v9  }
0x1ed: {  	v11 =	vld [tilespmem:$0x1340]  }
0x1ee: {  	v9 =	vadd.f32 v59, v9  }
0x1ef: {  	v60 =	vld [tilespmem:$0x1350]  }
0x1f0: {  	v9 =	vadd.f32 v10, v9  }
0x1f1: {  	v10 =	vld [tilespmem:$0x1360]  }
0x1f2: {  	v9 =	vadd.f32 v11, v9  }
0x1f3: {  	v11 =	vld [tilespmem:$0x1370]  }
0x1f4: {  	v9 =	vadd.f32 v60, v9  }
0x1f5: {  	v61 =	vld [tilespmem:$0x1380]  }
0x1f6: {  	v9 =	vadd.f32 v10, v9  }
0x1f7: {  	v10 =	vld [tilespmem:$0x1390]  }
0x1f8: {  	v9 =	vadd.f32 v11, v9  }
0x1f9: {  	v11 =	vld [tilespmem:$0x13A0]  }
0x1fa: {  	v9 =	vadd.f32 v61, v9  }
0x1fb: {  	v62 =	vld [tilespmem:$0x13B0]  }
0x1fc: {  	v9 =	vadd.f32 v10, v9  }
0x1fd: {  	v10 =	vld [tilespmem:$0x13C0]  }
0x1fe: {  	v9 =	vadd.f32 v11, v9  }
0x1ff: {  	v11 =	vld [tilespmem:$0x13D0]  }
0x200: {  	v9 =	vadd.f32 v62, v9  }
0x201: {  	v63 =	vld [tilespmem:$0x13E0]  }
0x202: {  	v9 =	vadd.f32 v10, v9  }
0x203: {  	v10 =	vld [tilespmem:$0x13F0]  }
0x204: {  	v9 =	vadd.f32 v11, v9;
	_ =	sdelay $0x1  }
0x205: {  	v9 =	vadd.f32 v63, v9;
	_ =	sdelay $0x1  }
0x206: {  	v9 =	vadd.f32 v10, v9;
	_ =	sdelay $0x1  }
0x207: {  	[tilespmem:$0x1400] =	vst v9  }
0x208: {  	[spmem:s5] =	stream.linear.scatter [tilespmem:s26], [sflag:$0x1], $0x10, $0x38;
	[tilespmem:$0x1D90] =	vst v63  }
0x209: {  	_ =	swait.ge [sflag:s8], $0x10  }
0x20a: {  	[sflag:s8] =	ssyncset.done $0x0  }
0x20b: {  	[sflag:s8] =	ssyncadd.s32 $0xFFFFFFF0  }
0x20c: {  	s28 =	simm.s32 @!p0 $0x1480;
	[bflag:$0x0] =	sbarrier.arrive $0xFFFF  }
0x20d: {  	[tilespmem:s28], [sflag:$0x1] =	stream.linear.gather @!p0 [spmem:s2], $0x100, $0x38;
	[tilespmem:$0x1D90] =	vst v63  }
0x20e: {  	s28 =	simm.s32 @!p0 $0x1  }
0x20f: {  	_ =	swait.ge @!p0 [sflag:s28], $0x100  }
0x210: {  	[sflag:s28] =	ssyncset.done @!p0 $0x0  }
0x211: {  	[sflag:s28] =	ssyncadd.s32 @!p0 $0xFFFFFF00  }
0x212: {  	v9 =	vld @!p0 [tilespmem:$0x1480];
	_ =	sdelay $0x1  }
0x213: {  	v10 =	vld @!p0 [tilespmem:$0x1490];
	_ =	sdelay $0x1  }
0x214: {  	v11 =	vld @!p0 [tilespmem:$0x14A0]  }
0x215: {  	v9 =	vadd.f32 @!p0 $0.0e+00, v9  }
0x216: {  	v12 =	vld @!p0 [tilespmem:$0x14B0]  }
0x217: {  	v9 =	vadd.f32 @!p0 v10, v9  }
0x218: {  	v10 =	vld @!p0 [tilespmem:$0x14C0]  }
0x219: {  	v9 =	vadd.f32 @!p0 v11, v9  }
0x21a: {  	v11 =	vld @!p0 [tilespmem:$0x14D0]  }
0x21b: {  	v9 =	vadd.f32 @!p0 v12, v9  }
0x21c: {  	v12 =	vld @!p0 [tilespmem:$0x14E0]  }
0x21d: {  	v9 =	vadd.f32 @!p0 v10, v9  }
0x21e: {  	v10 =	vld @!p0 [tilespmem:$0x14F0]  }
0x21f: {  	v9 =	vadd.f32 @!p0 v11, v9  }
0x220: {  	v11 =	vld @!p0 [tilespmem:$0x1500]  }
0x221: {  	v9 =	vadd.f32 @!p0 v12, v9  }
0x222: {  	v12 =	vld @!p0 [tilespmem:$0x1510]  }
0x223: {  	v9 =	vadd.f32 @!p0 v10, v9  }
0x224: {  	v10 =	vld @!p0 [tilespmem:$0x1520]  }
0x225: {  	v9 =	vadd.f32 @!p0 v11, v9  }
0x226: {  	v11 =	vld @!p0 [tilespmem:$0x1530]  }
0x227: {  	v9 =	vadd.f32 @!p0 v12, v9  }
0x228: {  	v12 =	vld @!p0 [tilespmem:$0x1540]  }
0x229: {  	v9 =	vadd.f32 @!p0 v10, v9  }
0x22a: {  	v10 =	vld @!p0 [tilespmem:$0x1550]  }
0x22b: {  	v9 =	vadd.f32 @!p0 v11, v9  }
0x22c: {  	v11 =	vld @!p0 [tilespmem:$0x1560]  }
0x22d: {  	v9 =	vadd.f32 @!p0 v12, v9  }
0x22e: {  	v12 =	vld @!p0 [tilespmem:$0x1570]  }
0x22f: {  	v9 =	vadd.f32 @!p0 v10, v9;
	_ =	sdelay $0x1  }
0x230: {  	v9 =	vadd.f32 @!p0 v11, v9;
	_ =	sdelay $0x1  }
0x231: {  	s7 =	sadd.s32 $0xFFFFFFFF, s7;
	v9 =	vadd.f32 @!p0 v12, v9  }
0x232: {  	p1 =	sne.s32 s7, $0x0  }
.Ltmp0:
0x233: {  	s29 =	simm.s32 @!p0 $0x0;
	s30 =	simm.s32 @!p0 $0x1400;
	[tilespmem:$0x1400] =	vst @!p0 v9;
	(pc) =	sbr.rel @p1 .LBB2_1-.Ltmp0, $4  }
0x234: {  	[hbm4b:s6+s29] =	stream.linear.scatter @!p0 [tilespmem:s30], [sflag:$0x1], $0x80, $0x38;
	[tilespmem:$0x1D90] =	vst v63  }
0x235: {  	_ =	swait.ge @!p0 [sflag:s28], $0x80  }
0x236: {  	[sflag:s28] =	ssyncset.done @!p0 $0x0  }
0x237: {  	[sflag:s28] =	ssyncadd.s32 @!p0 $0xFFFFFF80  }
0x238: {  	_ =	sfence.sel $0x180000  }
0x239: {  	[bflag:$0x0] =	sbarrier.arrive $0xFFFF  }
0x23a: {  	_ =	strace $0x90000047  }
0x23b: {  	s0 =	sadd.s32 @!p0 $0x100000, s0;
	[bflag:$0x2] =	sbarrier.arrive $0xFFFF  }
0x23c: {  	[sflag:s0] =	ssyncadd.tile.s32 @!p0 $0x1;
	_ =	shalt  }
.Lfunc_end2:
_tile_overlayer_lowered:
.L_overlay_start_2:
0x23d: {  	(tag) =	ssettag $0x2  }
0x23e: {  	s0 =	rddreg [dreg:$0x0];
	s2 =	stileid.u32  }
0x23f: {  	s1 =	rddreg [dreg:$0x1];
	p0 =	sne.s32 s2, $0x0  }
0x240: {  	s3 =	rddreg [dreg:$0x2];
	[bflag:$0x3] =	sbarrier.arrive $0xFFFF;
	s2 =	simm.s32 @!p0 $0x1C01  }
0x241: {  	[timem:s3], [sflag:s2] =	dma.local @!p0 [hbm:s0], s1  }
0x242: {  	s0 =	simm.s32 @!p0 $0x1  }
0x243: {  	_ =	swait.ge @!p0 [sflag:s0], s1  }
0x244: {  	s1 =	ssub.s32 @!p0 $0x0, s1;
	[sflag:s0] =	ssyncset.done @!p0 $0x0  }
0x245: {  	[sflag:s0] =	ssyncadd.s32 @!p0 s1  }
0x246: {  	[bflag:$0x3] =	sbarrier.arrive $0xFFFF  }
0x247: {  	_ =	shalt  }

</sc_bundles>
